<compile_context>
chip_gen: v7x
topology: tpu7x:2x2x1
jax: 0.10.2.dev20260603
libtpu: 0.0.44.dev20260713+nightly
codegen_flags: <defaults>
</compile_context>

<pallas_src>
import functools

import jax
import jax.numpy as jnp
from jax import lax
from jax.experimental import pallas as pl
from jax.experimental.pallas import tpu as pltpu
from jax.experimental.pallas import tpu_sc as plsc

N = 10000
E = 320000
D = 128
NEG_SLOPE = 0.2
EPS = 1e-5

NC = 2
NS = 16
NW = NC * NS
CHUNK = 64
E_TOTAL = E + N
EP = ((E_TOTAL + NW * CHUNK * 2 - 1) // (NW * CHUNK * 2)) * NW * CHUNK * 2
PADE = EP + 2 * CHUNK - E_TOTAL
CHUNKS_PER_TILE = EP // (NW * CHUNK)
EDGES_PER_TILE = CHUNKS_PER_TILE * CHUNK
NPAD = 10240
ROWS_PER_TILE = NPAD // NS
ZROWS = 16
HALF = CHUNKS_PER_TILE // 2
IDXB = 9


def _mm_body(x_ref, ws_ref, wd_ref, hs_ref, hd_ref):
    xb = x_ref[...]
    hs_ref[...] = jnp.dot(xb, ws_ref[...], preferred_element_type=jnp.float32)
    hd_ref[...] = jnp.dot(xb, wd_ref[...], preferred_element_type=jnp.float32)


def _matmuls(x, W_src, W_dst):
    BN = 400
    return pl.pallas_call(
        _mm_body,
        grid=(N // BN,),
        in_specs=[
            pl.BlockSpec((BN, D), lambda i: (i, 0)),
            pl.BlockSpec((D, D), lambda i: (0, 0)),
            pl.BlockSpec((D, D), lambda i: (0, 0)),
        ],
        out_specs=[
            pl.BlockSpec((BN, D), lambda i: (i, 0)),
            pl.BlockSpec((BN, D), lambda i: (i, 0)),
        ],
        out_shape=[jax.ShapeDtypeStruct((N, D), jnp.float32)] * 2,
    )(x, W_src, W_dst)


def _sc_edges(hs_tab, hd_tab, src, dst, att):
    mesh = plsc.VectorSubcoreMesh(core_axis_name="c", subcore_axis_name="s")

    @functools.partial(
        pl.kernel,
        mesh=mesh,
        compiler_params=pltpu.CompilerParams(needs_layout_passes=False),
        out_type=[
            jax.ShapeDtypeStruct((NC, NPAD, D), jnp.float32),
            jax.ShapeDtypeStruct((NW, NPAD), jnp.float32),
        ],
        scratch_types=[
            pltpu.VMEM((IDXB * CHUNK,), jnp.int32),
            pltpu.VMEM((IDXB * CHUNK,), jnp.int32),
            pltpu.VMEM((CHUNK, D), jnp.float32),
            pltpu.VMEM((CHUNK, D), jnp.float32),
            pltpu.VMEM((IDXB * CHUNK,), jnp.int32),
            pltpu.VMEM((IDXB * CHUNK,), jnp.int32),
            pltpu.VMEM((CHUNK, D), jnp.float32),
            pltpu.VMEM((CHUNK, D), jnp.float32),
            pltpu.VMEM((CHUNK + 16,), jnp.float32),
            pltpu.VMEM((D,), jnp.float32),
            pltpu.VMEM((ZROWS, D), jnp.float32),
            pltpu.VMEM((NPAD,), jnp.float32),
            pltpu.VMEM_SHARED((NPAD, D), jnp.float32),
            pltpu.SemaphoreType.DMA,
            pltpu.SemaphoreType.DMA,
            pltpu.SemaphoreType.DMA,
            pltpu.SemaphoreType.DMA,
        ],
    )
    def k(hs_hbm, hd_hbm, src_hbm, dst_hbm, att_hbm, out_hbm, oden_hbm,
          idx_sa, idx_da, hs_va, hd_va, idx_sb, idx_db, hs_vb, hd_vb,
          ex_v, att_v, zbuf, den_v, acc_sh, sema1, sema2, semb1, semb2):
        cid = lax.axis_index("c")
        sid = lax.axis_index("s")
        wid = sid * NC + cid

        z16 = jnp.zeros((16,), jnp.float32)

        def zrow(i, carry):
            for kk in range(D // 16):
                zbuf[i, pl.ds(16 * kk, 16)] = z16
            return carry

        lax.fori_loop(0, ZROWS, zrow, 0)

        lane = lax.iota(jnp.int32, 16)

        def zden(i, carry):
            den_v[pl.ds(16 * i, 16)] = z16
            return carry

        lax.fori_loop(0, NPAD // 16, zden, 0)

        r0 = sid * ROWS_PER_TILE

        def zacc(i, carry):
            pltpu.sync_copy(zbuf, acc_sh.at[pl.ds(r0 + ZROWS * i, ZROWS)])
            return carry

        lax.fori_loop(0, ROWS_PER_TILE // ZROWS, zacc, 0)
        plsc.subcore_barrier()

        pltpu.sync_copy(att_hbm, att_v)
        att_regs = [att_v[pl.ds(16 * kk, 16)] for kk in range(D // 16)]
        gdn = lax.GatherDimensionNumbers(
            offset_dims=(), collapsed_slice_dims=(0,), start_index_map=(0,))

        def shuffle(v, p):
            return lax.gather(v, p[:, None], gdn, slice_sizes=(1,),
                              mode=lax.GatherScatterMode.PROMISE_IN_BOUNDS)

        perms = [lane ^ s for s in (1, 2, 4, 8)]
        rots = [(lane + s) & 15 for s in range(1, 16)]

        ebase = wid * EDGES_PER_TILE

        def stage(c_rel, half_off, idx_s, idx_d, hs_v, hd_v, s1, s2):
            w = lax.rem(c_rel, IDXB)

            @pl.when(w == 0)
            def _():
                boff = ebase + (half_off + c_rel) * CHUNK
                pltpu.sync_copy(src_hbm.at[pl.ds(boff, IDXB * CHUNK)], idx_s)
                pltpu.sync_copy(dst_hbm.at[pl.ds(boff, IDXB * CHUNK)], idx_d)

            pltpu.async_copy(hs_hbm.at[idx_s.at[pl.ds(w * CHUNK, CHUNK)]],
                             hs_v, s1)
            pltpu.async_copy(hd_hbm.at[idx_d.at[pl.ds(w * CHUNK, CHUNK)]],
                             hd_v, s2)

        def consume(c_rel, idx_s, idx_d, hs_v, hd_v, s1, s2):
            w = lax.rem(c_rel, IDXB)
            pltpu.make_async_copy(
                hs_hbm.at[idx_s.at[pl.ds(w * CHUNK, CHUNK)]], hs_v, s1).wait()
            pltpu.make_async_copy(
                hd_hbm.at[idx_d.at[pl.ds(w * CHUNK, CHUNK)]], hd_v, s2).wait()

            @plsc.parallel_loop(0, CHUNK, unroll=2)
            def _(e):
                hs_regs = [hs_v[e, pl.ds(16 * kk, 16)] for kk in range(D // 16)]
                acc = z16
                for kk in range(D // 16):
                    zv = hs_regs[kk] + hd_v[e, pl.ds(16 * kk, 16)]
                    zv = jnp.where(zv > 0.0, zv, NEG_SLOPE * zv)
                    acc = acc + zv * att_regs[kk]
                for p in perms:
                    acc = acc + shuffle(acc, p)
                exv = jnp.exp(acc)
                for kk in range(D // 16):
                    hs_v[e, pl.ds(16 * kk, 16)] = hs_regs[kk] * exv
                eidx = jnp.where(lane < 1,
                                 jnp.broadcast_to(e, (16,)).astype(jnp.int32),
                                 jnp.int32(CHUNK))
                plsc.store_scatter(ex_v, [eidx], exv)
            pltpu.sync_copy(hs_v, acc_sh.at[idx_d.at[pl.ds(w * CHUNK, CHUNK)]],
                            add=True)

            def dgroup(g, c3):
                k16 = idx_d[pl.ds(w * CHUNK + 16 * g, 16)]
                v16 = ex_v[pl.ds(16 * g, 16)]
                tot = v16
                for r in rots:
                    kr = shuffle(k16, r)
                    vr = shuffle(v16, r)
                    tot = tot + jnp.where(kr == k16, vr, 0.0)
                cur = plsc.load_gather(den_v, [k16])
                plsc.store_scatter(den_v, [k16], cur + tot)
                return c3

            lax.fori_loop(0, CHUNK // 16, dgroup, 0)

        stage(jnp.int32(0), 0, idx_sa, idx_da, hs_va, hd_va, sema1, sema2)
        stage(jnp.int32(0), HALF, idx_sb, idx_db, hs_vb, hd_vb, semb1, semb2)

        def pair_body(j, carry):
            consume(j, idx_sa, idx_da, hs_va, hd_va, sema1, sema2)

            @pl.when(j < HALF - 1)
            def _():
                stage(j + 1, 0, idx_sa, idx_da, hs_va, hd_va, sema1, sema2)

            consume(j, idx_sb, idx_db, hs_vb, hd_vb, semb1, semb2)

            @pl.when(j < HALF - 1)
            def _():
                stage(j + 1, HALF, idx_sb, idx_db, hs_vb, hd_vb, semb1, semb2)

            return carry

        lax.fori_loop(0, HALF, pair_body, 0)

        pltpu.sync_copy(den_v, oden_hbm.at[wid])
        plsc.subcore_barrier()
        pltpu.sync_copy(acc_sh.at[pl.ds(r0, ROWS_PER_TILE)],
                        out_hbm.at[cid].at[pl.ds(r0, ROWS_PER_TILE)])

    return k(hs_tab, hd_tab, src, dst, att)


def _fin_d_body(din_ref, dout_ref):
    s = jnp.sum(din_ref[...], axis=0, keepdims=True)
    dout_ref[...] = jnp.broadcast_to(s, (8, NPAD))


def _fin_d(dens):
    return pl.pallas_call(
        _fin_d_body,
        grid=(1,),
        in_specs=[pl.BlockSpec((NW, NPAD), lambda i: (0, 0))],
        out_specs=pl.BlockSpec((8, NPAD), lambda i: (0, 0)),
        out_shape=jax.ShapeDtypeStruct((8, NPAD), jnp.float32),
    )(dens)


def _fin_a_body(p0_ref, p1_ref, d_ref, bias_ref, out_ref, stats_ref):
    i = pl.program_id(0)
    acc = p0_ref[...] + p1_ref[...]
    den = d_ref[...]
    o = acc / (den + 1e-16) + bias_ref[...]
    out_ref[...] = o
    s = jnp.sum(o, axis=0, keepdims=True)
    sq = jnp.sum(o * o, axis=0, keepdims=True)
    blk = jnp.concatenate([s, sq, jnp.zeros((6, D), jnp.float32)], axis=0)

    @pl.when(i == 0)
    def _():
        stats_ref[...] = blk

    @pl.when(i != 0)
    def _():
        stats_ref[...] = stats_ref[...] + blk


def _fin_a(p0, p1, d, bias):
    BN = 400
    return pl.pallas_call(
        _fin_a_body,
        grid=(N // BN,),
        in_specs=[
            pl.BlockSpec((BN, D), lambda i: (i, 0)),
            pl.BlockSpec((BN, D), lambda i: (i, 0)),
            pl.BlockSpec((BN, 1), lambda i: (i, 0)),
            pl.BlockSpec((1, D), lambda i: (0, 0)),
        ],
        out_specs=[
            pl.BlockSpec((BN, D), lambda i: (i, 0)),
            pl.BlockSpec((8, D), lambda i: (0, 0)),
        ],
        out_shape=[
            jax.ShapeDtypeStruct((N, D), jnp.float32),
            jax.ShapeDtypeStruct((8, D), jnp.float32),
        ],
    )(p0, p1, d, bias)


def _fin_b_body(o_ref, stats_ref, gamma_ref, beta_ref, ms_ref, out_ref):
    inv_n = 1.0 / float(N)
    mean = stats_ref[0:1, :] * inv_n
    esq = stats_ref[1:2, :] * inv_n
    ms = ms_ref[...]
    var = esq - (2.0 * ms - ms * ms) * mean * mean
    inv = lax.rsqrt(var + EPS)
    out_ref[...] = (gamma_ref[...] * (o_ref[...] - ms * mean)) * inv + beta_ref[...]


def _fin_b(o, stats, gamma, beta, ms):
    BN = 400
    return pl.pallas_call(
        _fin_b_body,
        grid=(N // BN,),
        in_specs=[
            pl.BlockSpec((BN, D), lambda i: (i, 0)),
            pl.BlockSpec((8, D), lambda i: (0, 0)),
            pl.BlockSpec((1, D), lambda i: (0, 0)),
            pl.BlockSpec((1, D), lambda i: (0, 0)),
            pl.BlockSpec((1, D), lambda i: (0, 0)),
        ],
        out_specs=pl.BlockSpec((BN, D), lambda i: (i, 0)),
        out_shape=jax.ShapeDtypeStruct((N, D), jnp.float32),
    )(o, stats, gamma, beta, ms)


def kernel(x, edge_index, W_src, W_dst, att, bias, gamma, beta, mean_scale):
    hs, hd = _matmuls(x, W_src, W_dst)
    hd_tab = jnp.pad(hd, ((0, NPAD - N), (0, 0)))

    loop = jnp.arange(N, dtype=jnp.int32)
    src = jnp.concatenate([edge_index[0], loop,
                           jnp.zeros((PADE,), jnp.int32)])
    dst = jnp.concatenate([edge_index[1], loop,
                           jnp.full((PADE,), N, jnp.int32)])

    partials, dens = _sc_edges(hs, hd_tab, src, dst, att)
    p0 = partials[0, :N]
    p1 = partials[1, :N]
    dsum = _fin_d(dens)
    d = jnp.reshape(dsum[0, :N], (N, 1))

    out0, stats = _fin_a(p0, p1, d, jnp.reshape(bias, (1, D)))
    out = _fin_b(out0, stats, jnp.reshape(gamma, (1, D)),
                 jnp.reshape(beta, (1, D)), jnp.reshape(mean_scale, (1, D)))
    return out

# --- scband reference (transcript-rebuilt; emitter-appended) ---
"""Pipeline reference for scband-dgcn-block-36790689857950 (READ-ONLY COPY).

The authoritative reference and input builder live on the scoring server;
editing this copy changes nothing except your own understanding.
"""

import jax, jax.numpy as jnp
import numpy as np

N = 10000
E = 320000
D_IN = 128
D_OUT = 128
NEG_SLOPE = 0.2
EPS = 1e-5


def setup_inputs(seed: int = 0) -> dict:
    key = jax.random.key(seed)
    ks = jax.random.split(key, 10)
    x = jax.random.normal(ks[0], (N, D_IN), dtype=jnp.float32)
    edge_index = jax.random.randint(ks[1], (2, E), 0, N, dtype=jnp.int32)
    # Xavier-uniform-ish init for linear weights
    lim = float(np.sqrt(6.0 / (D_IN + D_OUT)))
    W_src = jax.random.uniform(ks[2], (D_IN, D_OUT), dtype=jnp.float32, minval=-lim, maxval=lim)
    W_dst = jax.random.uniform(ks[3], (D_IN, D_OUT), dtype=jnp.float32, minval=-lim, maxval=lim)
    att = jax.random.normal(ks[4], (D_OUT,), dtype=jnp.float32) * 0.1
    bias = jnp.zeros((D_OUT,), dtype=jnp.float32)
    # GraphNorm params
    gamma = jnp.ones((D_OUT,), dtype=jnp.float32)
    beta = jnp.zeros((D_OUT,), dtype=jnp.float32)
    mean_scale = jnp.ones((D_OUT,), dtype=jnp.float32)
    return {"x": x, "edge_index": edge_index, "W_src": W_src, "W_dst": W_dst,
            "att": att, "bias": bias, "gamma": gamma, "beta": beta,
            "mean_scale": mean_scale}


def reference(x, edge_index, W_src, W_dst, att, bias, gamma, beta, mean_scale):
    # DGCNConv ~ GATv2-style single-head attention conv with self-loops
    loop = jnp.arange(N, dtype=edge_index.dtype)
    src = jnp.concatenate([edge_index[0], loop])
    dst = jnp.concatenate([edge_index[1], loop])
    h_src = x @ W_src  # [N, D_OUT]
    h_dst = x @ W_dst  # [N, D_OUT]
    e = h_src[src] + h_dst[dst]  # gather per edge [E+N, D_OUT]
    e = jnp.where(e > 0, e, NEG_SLOPE * e)  # leaky relu
    logits = e @ att  # [E+N]
    # segment softmax over incoming edges of each dst node
    m = jax.ops.segment_max(logits, dst, num_segments=N)
    ex = jnp.exp(logits - m[dst])
    denom = jax.ops.segment_sum(ex, dst, num_segments=N)
    alpha = ex / (denom[dst] + 1e-16)
    msg = h_src[src] * alpha[:, None]
    out = jax.ops.segment_sum(msg, dst, num_segments=N) + bias  # scatter-add
    # GraphNorm (single graph): x' = gamma*(x - a*mean)/sqrt(var(x - a*mean)+eps) + beta
    mean = jnp.mean(out, axis=0)
    centered = out - mean_scale * mean
    var = jnp.mean(centered * centered, axis=0)
    out = gamma * centered / jnp.sqrt(var + EPS) + beta
    return out

if __name__ == "__main__":
    import jax
    _d = setup_inputs()
    print(jax.jit(kernel)(*tuple(_d.values())))

</pallas_src>

<mosaic_0001>
#map = affine_map<(d0, d1) -> (0, 0)>
#map1 = affine_map<(d0, d1) -> (0)>
#map2 = affine_map<(d0, d1) -> (0, 0, 0)>
module attributes {stable_mosaic.version = 14 : i64} {
  func.func @k(%arg0: i32, %arg1: i32, %arg2: memref<10000x128xf32, #tpu.memory_space<hbm>>, %arg3: memref<10240x128xf32, #tpu.memory_space<hbm>>, %arg4: memref<331904xi32, #tpu.memory_space<hbm>>, %arg5: memref<331904xi32, #tpu.memory_space<hbm>>, %arg6: memref<128xf32, #tpu.memory_space<hbm>>, %arg7: memref<2x10240x128xf32, #tpu.memory_space<hbm>>, %arg8: memref<32x10240xf32, #tpu.memory_space<hbm>>, %arg9: memref<576xi32, #tpu.memory_space<vmem>>, %arg10: memref<576xi32, #tpu.memory_space<vmem>>, %arg11: memref<64x128xf32, #tpu.memory_space<vmem>>, %arg12: memref<64x128xf32, #tpu.memory_space<vmem>>, %arg13: memref<576xi32, #tpu.memory_space<vmem>>, %arg14: memref<576xi32, #tpu.memory_space<vmem>>, %arg15: memref<64x128xf32, #tpu.memory_space<vmem>>, %arg16: memref<64x128xf32, #tpu.memory_space<vmem>>, %arg17: memref<80xf32, #tpu.memory_space<vmem>>, %arg18: memref<128xf32, #tpu.memory_space<vmem>>, %arg19: memref<16x128xf32, #tpu.memory_space<vmem>>, %arg20: memref<10240xf32, #tpu.memory_space<vmem>>, %arg21: memref<10240x128xf32, #tpu.memory_space<vmem_shared>>, %arg22: memref<!tpu.dma_semaphore, #tpu.memory_space<semaphore_mem>>, %arg23: memref<!tpu.dma_semaphore, #tpu.memory_space<semaphore_mem>>, %arg24: memref<!tpu.dma_semaphore, #tpu.memory_space<semaphore_mem>>, %arg25: memref<!tpu.dma_semaphore, #tpu.memory_space<semaphore_mem>>) attributes {dimension_semantics = [#tpu.dimension_semantics<core_parallel>, #tpu.dimension_semantics<subcore_parallel>], iteration_bounds = array<i64: 2, 16>, scalar_prefetch = 0 : i64, scratch_operands = 17 : i64, tpu.core_type = #tpu.core_type<sc_vector_subcore>, window_params = [{transform_indices = #map}, {transform_indices = #map}, {transform_indices = #map1}, {transform_indices = #map1}, {transform_indices = #map1}, {transform_indices = #map2}, {transform_indices = #map}]} {
    %mul3A = arith.constant 2 : i32
    %mul3A_0 = arith.muli %arg1, %mul3A : i32
    %add3A = arith.addi %mul3A_0, %arg0 : i32
    %broadcast_in_dim3A = arith.constant 0.000000e+00 : f32
    %broadcast_in_dim3A_1 = vector.broadcast %broadcast_in_dim3A : f32 to vector<16xf32>
    %scan3A = arith.constant 0 : i32
    %scan3A_2 = arith.constant 0 : i32
    %scan3A_3 = arith.constant 16 : i32
    %scan3A_4 = arith.addi %scan3A_2, %scan3A_3 : i32
    %scan3A_5 = arith.constant 1 : i32
    scf.for %scan3A_182 = %scan3A_2 to %scan3A_4 step %scan3A_5  : i32 {
      %swap3A = arith.index_cast %scan3A_182 : i32 to index
      %swap3A_183 = arith.constant 0 : index
      %swap3A_184 = tpu.vector_load %arg19[%swap3A, %swap3A_183] {strides = array<i32>} : memref<16x128xf32, #tpu.memory_space<vmem>>, vector<16xf32>,
      tpu.vector_store %arg19[%swap3A, %swap3A_183], %broadcast_in_dim3A_1 {strides = array<i32>} : memref<16x128xf32, #tpu.memory_space<vmem>>, vector<16xf32>,
      %swap3A_185 = arith.index_cast %scan3A_182 : i32 to index
      %swap3A_186 = arith.constant 16 : index
      %swap3A_187 = tpu.vector_load %arg19[%swap3A_185, %swap3A_186] {strides = array<i32>} : memref<16x128xf32, #tpu.memory_space<vmem>>, vector<16xf32>,
      tpu.vector_store %arg19[%swap3A_185, %swap3A_186], %broadcast_in_dim3A_1 {strides = array<i32>} : memref<16x128xf32, #tpu.memory_space<vmem>>, vector<16xf32>,
      %swap3A_188 = arith.index_cast %scan3A_182 : i32 to index
      %swap3A_189 = arith.constant 32 : index
      %swap3A_190 = tpu.vector_load %arg19[%swap3A_188, %swap3A_189] {strides = array<i32>} : memref<16x128xf32, #tpu.memory_space<vmem>>, vector<16xf32>,
      tpu.vector_store %arg19[%swap3A_188, %swap3A_189], %broadcast_in_dim3A_1 {strides = array<i32>} : memref<16x128xf32, #tpu.memory_space<vmem>>, vector<16xf32>,
      %swap3A_191 = arith.index_cast %scan3A_182 : i32 to index
      %swap3A_192 = arith.constant 48 : index
      %swap3A_193 = tpu.vector_load %arg19[%swap3A_191, %swap3A_192] {strides = array<i32>} : memref<16x128xf32, #tpu.memory_space<vmem>>, vector<16xf32>,
      tpu.vector_store %arg19[%swap3A_191, %swap3A_192], %broadcast_in_dim3A_1 {strides = array<i32>} : memref<16x128xf32, #tpu.memory_space<vmem>>, vector<16xf32>,
      %swap3A_194 = arith.index_cast %scan3A_182 : i32 to index
      %swap3A_195 = arith.constant 64 : index
      %swap3A_196 = tpu.vector_load %arg19[%swap3A_194, %swap3A_195] {strides = array<i32>} : memref<16x128xf32, #tpu.memory_space<vmem>>, vector<16xf32>,
      tpu.vector_store %arg19[%swap3A_194, %swap3A_195], %broadcast_in_dim3A_1 {strides = array<i32>} : memref<16x128xf32, #tpu.memory_space<vmem>>, vector<16xf32>,
      %swap3A_197 = arith.index_cast %scan3A_182 : i32 to index
      %swap3A_198 = arith.constant 80 : index
      %swap3A_199 = tpu.vector_load %arg19[%swap3A_197, %swap3A_198] {strides = array<i32>} : memref<16x128xf32, #tpu.memory_space<vmem>>, vector<16xf32>,
      tpu.vector_store %arg19[%swap3A_197, %swap3A_198], %broadcast_in_dim3A_1 {strides = array<i32>} : memref<16x128xf32, #tpu.memory_space<vmem>>, vector<16xf32>,
      %swap3A_200 = arith.index_cast %scan3A_182 : i32 to index
      %swap3A_201 = arith.constant 96 : index
      %swap3A_202 = tpu.vector_load %arg19[%swap3A_200, %swap3A_201] {strides = array<i32>} : memref<16x128xf32, #tpu.memory_space<vmem>>, vector<16xf32>,
      tpu.vector_store %arg19[%swap3A_200, %swap3A_201], %broadcast_in_dim3A_1 {strides = array<i32>} : memref<16x128xf32, #tpu.memory_space<vmem>>, vector<16xf32>,
      %swap3A_203 = arith.index_cast %scan3A_182 : i32 to index
      %swap3A_204 = arith.constant 112 : index
      %swap3A_205 = tpu.vector_load %arg19[%swap3A_203, %swap3A_204] {strides = array<i32>} : memref<16x128xf32, #tpu.memory_space<vmem>>, vector<16xf32>,
      tpu.vector_store %arg19[%swap3A_203, %swap3A_204], %broadcast_in_dim3A_1 {strides = array<i32>} : memref<16x128xf32, #tpu.memory_space<vmem>>, vector<16xf32>,
    }
    %scan3A_6 = arith.constant 16 : i32
    %iota3A = tpu.iota {dimensions = array<i32: 0>} : vector<16xi32>
    %scan3A_7 = arith.constant 0 : i32
    %scan3A_8 = arith.constant 0 : i32
    %scan3A_9 = arith.constant 640 : i32
    %scan3A_10 = arith.addi %scan3A_8, %scan3A_9 : i32
    %scan3A_11 = arith.constant 1 : i32
    scf.for %scan3A_182 = %scan3A_8 to %scan3A_10 step %scan3A_11  : i32 {
      %mul3A_183 = arith.constant 16 : i32
      %mul3A_184 = arith.muli %mul3A_183, %scan3A_182 : i32
      %swap3A = arith.index_cast %mul3A_184 : i32 to index
      %swap3A_185 = tpu.vector_load %arg20[%swap3A] {strides = array<i32>} : memref<10240xf32, #tpu.memory_space<vmem>>, vector<16xf32>,
      tpu.vector_store %arg20[%swap3A], %broadcast_in_dim3A_1 {strides = array<i32>} : memref<10240xf32, #tpu.memory_space<vmem>>, vector<16xf32>,
    }
    %scan3A_12 = arith.constant 640 : i32
    %mul3A_13 = arith.constant 640 : i32
    %mul3A_14 = arith.muli %arg1, %mul3A_13 : i32
    %scan3A_15 = arith.constant 0 : i32
    %scan3A_16 = arith.constant 0 : i32
    %scan3A_17 = arith.constant 40 : i32
    %scan3A_18 = arith.addi %scan3A_16, %scan3A_17 : i32
    %scan3A_19 = arith.constant 1 : i32
    scf.for %scan3A_182 = %scan3A_16 to %scan3A_18 step %scan3A_19  : i32 {
      %mul3A_183 = arith.constant 16 : i32
      %mul3A_184 = arith.muli %mul3A_183, %scan3A_182 : i32
      %add3A_185 = arith.addi %mul3A_14, %mul3A_184 : i32
      "tpu.region"() ({
        %run_scoped3A = tpu.sem_alloc : memref<!tpu.dma_semaphore, #tpu.memory_space<semaphore_mem>>
        %dma_start3A_186 = arith.constant 0 : i32
        %dma_start3A_187 = tpu.memref_slice %arg21[%add3A_185, %dma_start3A_186] : memref<10240x128xf32, #tpu.memory_space<vmem_shared>> -> memref<16x128xf32, #tpu.memory_space<vmem_shared>>
        %dma_start3A_188 = arith.constant 0 : i32
        %dma_start3A_189 = tpu.memref_slice %arg21[%add3A_185, %dma_start3A_188] : memref<10240x128xf32, #tpu.memory_space<vmem_shared>> -> memref<16x128xf32, #tpu.memory_space<vmem_shared>>
        tpu.enqueue_dma source(%arg19 : memref<16x128xf32, #tpu.memory_space<vmem>>) target(%dma_start3A_189 : memref<16x128xf32, #tpu.memory_space<vmem_shared>>) target_semaphore(%run_scoped3A : memref<!tpu.dma_semaphore, #tpu.memory_space<semaphore_mem>>)
        %dma_wait3A = arith.constant 0 : i32
        %dma_wait3A_190 = tpu.memref_slice %arg21[%add3A_185, %dma_wait3A] : memref<10240x128xf32, #tpu.memory_space<vmem_shared>> -> memref<16x128xf32, #tpu.memory_space<vmem_shared>>
        %dma_wait3A_191 = arith.constant 0 : i32
        %dma_wait3A_192 = tpu.memref_slice %arg21[%add3A_185, %dma_wait3A_191] : memref<10240x128xf32, #tpu.memory_space<vmem_shared>> -> memref<16x128xf32, #tpu.memory_space<vmem_shared>>
        tpu.wait_dma2 semaphore(%run_scoped3A : memref<!tpu.dma_semaphore, #tpu.memory_space<semaphore_mem>>) src(%arg19 : memref<16x128xf32, #tpu.memory_space<vmem>>) dst(%dma_wait3A_192 : memref<16x128xf32, #tpu.memory_space<vmem_shared>>)
        tpu.yield
      }) : () -> ()
    }
    %scan3A_20 = arith.constant 40 : i32
    %barrier3A = arith.constant 0 : index
    tpu.barrier barrier_id(%barrier3A)
    "tpu.region"() ({
      %run_scoped3A = tpu.sem_alloc : memref<!tpu.dma_semaphore, #tpu.memory_space<semaphore_mem>>
      tpu.enqueue_dma source(%arg6 : memref<128xf32, #tpu.memory_space<hbm>>) target(%arg18 : memref<128xf32, #tpu.memory_space<vmem>>) target_semaphore(%run_scoped3A : memref<!tpu.dma_semaphore, #tpu.memory_space<semaphore_mem>>)
      tpu.wait_dma2 semaphore(%run_scoped3A : memref<!tpu.dma_semaphore, #tpu.memory_space<semaphore_mem>>) src(%arg6 : memref<128xf32, #tpu.memory_space<hbm>>) dst(%arg18 : memref<128xf32, #tpu.memory_space<vmem>>)
      tpu.yield
    }) : () -> ()
    %get3A = arith.constant 0 : index
    %get3A_21 = tpu.vector_load %arg18[%get3A] {strides = array<i32>} : memref<128xf32, #tpu.memory_space<vmem>>, vector<16xf32>,
    %get3A_22 = arith.constant 16 : index
    %get3A_23 = tpu.vector_load %arg18[%get3A_22] {strides = array<i32>} : memref<128xf32, #tpu.memory_space<vmem>>, vector<16xf32>,
    %get3A_24 = arith.constant 32 : index
    %get3A_25 = tpu.vector_load %arg18[%get3A_24] {strides = array<i32>} : memref<128xf32, #tpu.memory_space<vmem>>, vector<16xf32>,
    %get3A_26 = arith.constant 48 : index
    %get3A_27 = tpu.vector_load %arg18[%get3A_26] {strides = array<i32>} : memref<128xf32, #tpu.memory_space<vmem>>, vector<16xf32>,
    %get3A_28 = arith.constant 64 : index
    %get3A_29 = tpu.vector_load %arg18[%get3A_28] {strides = array<i32>} : memref<128xf32, #tpu.memory_space<vmem>>, vector<16xf32>,
    %get3A_30 = arith.constant 80 : index
    %get3A_31 = tpu.vector_load %arg18[%get3A_30] {strides = array<i32>} : memref<128xf32, #tpu.memory_space<vmem>>, vector<16xf32>,
    %get3A_32 = arith.constant 96 : index
    %get3A_33 = tpu.vector_load %arg18[%get3A_32] {strides = array<i32>} : memref<128xf32, #tpu.memory_space<vmem>>, vector<16xf32>,
    %get3A_34 = arith.constant 112 : index
    %get3A_35 = tpu.vector_load %arg18[%get3A_34] {strides = array<i32>} : memref<128xf32, #tpu.memory_space<vmem>>, vector<16xf32>,
    %xor3A = arith.constant 1 : i32
    %xor3A_36 = vector.broadcast %xor3A : i32 to vector<16xi32>
    %xor3A_37 = arith.xori %iota3A, %xor3A_36 : vector<16xi32>
    %xor3A_38 = arith.constant 2 : i32
    %xor3A_39 = vector.broadcast %xor3A_38 : i32 to vector<16xi32>
    %xor3A_40 = arith.xori %iota3A, %xor3A_39 : vector<16xi32>
    %xor3A_41 = arith.constant 4 : i32
    %xor3A_42 = vector.broadcast %xor3A_41 : i32 to vector<16xi32>
    %xor3A_43 = arith.xori %iota3A, %xor3A_42 : vector<16xi32>
    %xor3A_44 = arith.constant 8 : i32
    %xor3A_45 = vector.broadcast %xor3A_44 : i32 to vector<16xi32>
    %xor3A_46 = arith.xori %iota3A, %xor3A_45 : vector<16xi32>
    %add3A_47 = arith.constant 1 : i32
    %add3A_48 = vector.broadcast %add3A_47 : i32 to vector<16xi32>
    %add3A_49 = arith.addi %iota3A, %add3A_48 : vector<16xi32>
    %and3A = arith.constant 15 : i32
    %and3A_50 = vector.broadcast %and3A : i32 to vector<16xi32>
    %and3A_51 = arith.andi %add3A_49, %and3A_50 : vector<16xi32>
    %add3A_52 = arith.constant 2 : i32
    %add3A_53 = vector.broadcast %add3A_52 : i32 to vector<16xi32>
    %add3A_54 = arith.addi %iota3A, %add3A_53 : vector<16xi32>
    %and3A_55 = arith.constant 15 : i32
    %and3A_56 = vector.broadcast %and3A_55 : i32 to vector<16xi32>
    %and3A_57 = arith.andi %add3A_54, %and3A_56 : vector<16xi32>
    %add3A_58 = arith.constant 3 : i32
    %add3A_59 = vector.broadcast %add3A_58 : i32 to vector<16xi32>
    %add3A_60 = arith.addi %iota3A, %add3A_59 : vector<16xi32>
    %and3A_61 = arith.constant 15 : i32
    %and3A_62 = vector.broadcast %and3A_61 : i32 to vector<16xi32>
    %and3A_63 = arith.andi %add3A_60, %and3A_62 : vector<16xi32>
    %add3A_64 = arith.constant 4 : i32
    %add3A_65 = vector.broadcast %add3A_64 : i32 to vector<16xi32>
    %add3A_66 = arith.addi %iota3A, %add3A_65 : vector<16xi32>
    %and3A_67 = arith.constant 15 : i32
    %and3A_68 = vector.broadcast %and3A_67 : i32 to vector<16xi32>
    %and3A_69 = arith.andi %add3A_66, %and3A_68 : vector<16xi32>
    %add3A_70 = arith.constant 5 : i32
    %add3A_71 = vector.broadcast %add3A_70 : i32 to vector<16xi32>
    %add3A_72 = arith.addi %iota3A, %add3A_71 : vector<16xi32>
    %and3A_73 = arith.constant 15 : i32
    %and3A_74 = vector.broadcast %and3A_73 : i32 to vector<16xi32>
    %and3A_75 = arith.andi %add3A_72, %and3A_74 : vector<16xi32>
    %add3A_76 = arith.constant 6 : i32
    %add3A_77 = vector.broadcast %add3A_76 : i32 to vector<16xi32>
    %add3A_78 = arith.addi %iota3A, %add3A_77 : vector<16xi32>
    %and3A_79 = arith.constant 15 : i32
    %and3A_80 = vector.broadcast %and3A_79 : i32 to vector<16xi32>
    %and3A_81 = arith.andi %add3A_78, %and3A_80 : vector<16xi32>
    %add3A_82 = arith.constant 7 : i32
    %add3A_83 = vector.broadcast %add3A_82 : i32 to vector<16xi32>
    %add3A_84 = arith.addi %iota3A, %add3A_83 : vector<16xi32>
    %and3A_85 = arith.constant 15 : i32
    %and3A_86 = vector.broadcast %and3A_85 : i32 to vector<16xi32>
    %and3A_87 = arith.andi %add3A_84, %and3A_86 : vector<16xi32>
    %add3A_88 = arith.constant 8 : i32
    %add3A_89 = vector.broadcast %add3A_88 : i32 to vector<16xi32>
    %add3A_90 = arith.addi %iota3A, %add3A_89 : vector<16xi32>
    %and3A_91 = arith.constant 15 : i32
    %and3A_92 = vector.broadcast %and3A_91 : i32 to vector<16xi32>
    %and3A_93 = arith.andi %add3A_90, %and3A_92 : vector<16xi32>
    %add3A_94 = arith.constant 9 : i32
    %add3A_95 = vector.broadcast %add3A_94 : i32 to vector<16xi32>
    %add3A_96 = arith.addi %iota3A, %add3A_95 : vector<16xi32>
    %and3A_97 = arith.constant 15 : i32
    %and3A_98 = vector.broadcast %and3A_97 : i32 to vector<16xi32>
    %and3A_99 = arith.andi %add3A_96, %and3A_98 : vector<16xi32>
    %add3A_100 = arith.constant 10 : i32
    %add3A_101 = vector.broadcast %add3A_100 : i32 to vector<16xi32>
    %add3A_102 = arith.addi %iota3A, %add3A_101 : vector<16xi32>
    %and3A_103 = arith.constant 15 : i32
    %and3A_104 = vector.broadcast %and3A_103 : i32 to vector<16xi32>
    %and3A_105 = arith.andi %add3A_102, %and3A_104 : vector<16xi32>
    %add3A_106 = arith.constant 11 : i32
    %add3A_107 = vector.broadcast %add3A_106 : i32 to vector<16xi32>
    %add3A_108 = arith.addi %iota3A, %add3A_107 : vector<16xi32>
    %and3A_109 = arith.constant 15 : i32
    %and3A_110 = vector.broadcast %and3A_109 : i32 to vector<16xi32>
    %and3A_111 = arith.andi %add3A_108, %and3A_110 : vector<16xi32>
    %add3A_112 = arith.constant 12 : i32
    %add3A_113 = vector.broadcast %add3A_112 : i32 to vector<16xi32>
    %add3A_114 = arith.addi %iota3A, %add3A_113 : vector<16xi32>
    %and3A_115 = arith.constant 15 : i32
    %and3A_116 = vector.broadcast %and3A_115 : i32 to vector<16xi32>
    %and3A_117 = arith.andi %add3A_114, %and3A_116 : vector<16xi32>
    %add3A_118 = arith.constant 13 : i32
    %add3A_119 = vector.broadcast %add3A_118 : i32 to vector<16xi32>
    %add3A_120 = arith.addi %iota3A, %add3A_119 : vector<16xi32>
    %and3A_121 = arith.constant 15 : i32
    %and3A_122 = vector.broadcast %and3A_121 : i32 to vector<16xi32>
    %and3A_123 = arith.andi %add3A_120, %and3A_122 : vector<16xi32>
    %add3A_124 = arith.constant 14 : i32
    %add3A_125 = vector.broadcast %add3A_124 : i32 to vector<16xi32>
    %add3A_126 = arith.addi %iota3A, %add3A_125 : vector<16xi32>
    %and3A_127 = arith.constant 15 : i32
    %and3A_128 = vector.broadcast %and3A_127 : i32 to vector<16xi32>
    %and3A_129 = arith.andi %add3A_126, %and3A_128 : vector<16xi32>
    %add3A_130 = arith.constant 15 : i32
    %add3A_131 = vector.broadcast %add3A_130 : i32 to vector<16xi32>
    %add3A_132 = arith.addi %iota3A, %add3A_131 : vector<16xi32>
    %and3A_133 = arith.constant 15 : i32
    %and3A_134 = vector.broadcast %and3A_133 : i32 to vector<16xi32>
    %and3A_135 = arith.andi %add3A_132, %and3A_134 : vector<16xi32>
    %mul3A_136 = arith.constant 10368 : i32
    %mul3A_137 = arith.muli %add3A, %mul3A_136 : i32
    %rem3A = arith.constant 0 : i32
    %rem3A_138 = arith.constant 9 : i32
    %rem3A_139 = arith.remsi %rem3A, %rem3A_138 : i32
    %eq3A = arith.constant 0 : i32
    %eq3A_140 = arith.cmpi eq, %rem3A_139, %eq3A : i32
    %convert_element_type3A = arith.extui %eq3A_140 : i1 to i32
    %cond3A = arith.constant 0 : i32
    %cond3A_141 = arith.constant 0 : i32
    %cond3A_142 = arith.cmpi ne, %convert_element_type3A, %cond3A_141 : i32
    scf.if %cond3A_142 {
      %add3A_182 = arith.constant 0 : i32
      %add3A_183 = arith.addi %add3A_182, %cond3A : i32
      %mul3A_184 = arith.constant 64 : i32
      %mul3A_185 = arith.muli %add3A_183, %mul3A_184 : i32
      %add3A_186 = arith.addi %mul3A_137, %mul3A_185 : i32
      "tpu.region"() ({
        %run_scoped3A = tpu.sem_alloc : memref<!tpu.dma_semaphore, #tpu.memory_space<semaphore_mem>>
        %dma_start3A_187 = tpu.memref_slice %arg4[%add3A_186] : memref<331904xi32, #tpu.memory_space<hbm>> -> memref<576xi32, #tpu.memory_space<hbm>>
        %dma_start3A_188 = tpu.memref_slice %arg4[%add3A_186] : memref<331904xi32, #tpu.memory_space<hbm>> -> memref<576xi32, #tpu.memory_space<hbm>>
        tpu.enqueue_dma source(%dma_start3A_188 : memref<576xi32, #tpu.memory_space<hbm>>) target(%arg9 : memref<576xi32, #tpu.memory_space<vmem>>) target_semaphore(%run_scoped3A : memref<!tpu.dma_semaphore, #tpu.memory_space<semaphore_mem>>)
        %dma_wait3A = tpu.memref_slice %arg4[%add3A_186] : memref<331904xi32, #tpu.memory_space<hbm>> -> memref<576xi32, #tpu.memory_space<hbm>>
        %dma_wait3A_189 = tpu.memref_slice %arg4[%add3A_186] : memref<331904xi32, #tpu.memory_space<hbm>> -> memref<576xi32, #tpu.memory_space<hbm>>
        tpu.wait_dma2 semaphore(%run_scoped3A : memref<!tpu.dma_semaphore, #tpu.memory_space<semaphore_mem>>) src(%dma_wait3A_189 : memref<576xi32, #tpu.memory_space<hbm>>) dst(%arg9 : memref<576xi32, #tpu.memory_space<vmem>>)
        tpu.yield
      }) : () -> ()
      "tpu.region"() ({
        %run_scoped3A = tpu.sem_alloc : memref<!tpu.dma_semaphore, #tpu.memory_space<semaphore_mem>>
        %dma_start3A_187 = tpu.memref_slice %arg5[%add3A_186] : memref<331904xi32, #tpu.memory_space<hbm>> -> memref<576xi32, #tpu.memory_space<hbm>>
        %dma_start3A_188 = tpu.memref_slice %arg5[%add3A_186] : memref<331904xi32, #tpu.memory_space<hbm>> -> memref<576xi32, #tpu.memory_space<hbm>>
        tpu.enqueue_dma source(%dma_start3A_188 : memref<576xi32, #tpu.memory_space<hbm>>) target(%arg10 : memref<576xi32, #tpu.memory_space<vmem>>) target_semaphore(%run_scoped3A : memref<!tpu.dma_semaphore, #tpu.memory_space<semaphore_mem>>)
        %dma_wait3A = tpu.memref_slice %arg5[%add3A_186] : memref<331904xi32, #tpu.memory_space<hbm>> -> memref<576xi32, #tpu.memory_space<hbm>>
        %dma_wait3A_189 = tpu.memref_slice %arg5[%add3A_186] : memref<331904xi32, #tpu.memory_space<hbm>> -> memref<576xi32, #tpu.memory_space<hbm>>
        tpu.wait_dma2 semaphore(%run_scoped3A : memref<!tpu.dma_semaphore, #tpu.memory_space<semaphore_mem>>) src(%dma_wait3A_189 : memref<576xi32, #tpu.memory_space<hbm>>) dst(%arg10 : memref<576xi32, #tpu.memory_space<vmem>>)
        tpu.yield
      }) : () -> ()
    } else {
    }
    %mul3A_143 = arith.constant 64 : i32
    %mul3A_144 = arith.muli %rem3A_139, %mul3A_143 : i32
    %dma_start3A = tpu.memref_slice %arg9[%mul3A_144] : memref<576xi32, #tpu.memory_space<vmem>> -> memref<64xi32, #tpu.memory_space<vmem>>
    %dma_start3A_145 = arith.constant 0 : i32
    %dma_start3A_146 = arith.constant 0 : i32
    %dma_start3A_147 = tpu.memref_slice %arg2[%dma_start3A_145, %dma_start3A_146] : memref<10000x128xf32, #tpu.memory_space<hbm>> -> memref<10000x128xf32, #tpu.memory_space<hbm>>
    tpu.enqueue_indirect_dma source(%dma_start3A_147 : memref<10000x128xf32, #tpu.memory_space<hbm>>) target(%arg11 : memref<64x128xf32, #tpu.memory_space<vmem>>) offsets(%dma_start3A : memref<64xi32, #tpu.memory_space<vmem>>) semaphore(%arg22 : memref<!tpu.dma_semaphore, #tpu.memory_space<semaphore_mem>>)
    %mul3A_148 = arith.constant 64 : i32
    %mul3A_149 = arith.muli %rem3A_139, %mul3A_148 : i32
    %dma_start3A_150 = tpu.memref_slice %arg10[%mul3A_149] : memref<576xi32, #tpu.memory_space<vmem>> -> memref<64xi32, #tpu.memory_space<vmem>>
    %dma_start3A_151 = arith.constant 0 : i32
    %dma_start3A_152 = arith.constant 0 : i32
    %dma_start3A_153 = tpu.memref_slice %arg3[%dma_start3A_151, %dma_start3A_152] : memref<10240x128xf32, #tpu.memory_space<hbm>> -> memref<10240x128xf32, #tpu.memory_space<hbm>>
    tpu.enqueue_indirect_dma source(%dma_start3A_153 : memref<10240x128xf32, #tpu.memory_space<hbm>>) target(%arg12 : memref<64x128xf32, #tpu.memory_space<vmem>>) offsets(%dma_start3A_150 : memref<64xi32, #tpu.memory_space<vmem>>) semaphore(%arg23 : memref<!tpu.dma_semaphore, #tpu.memory_space<semaphore_mem>>)
    %rem3A_154 = arith.constant 0 : i32
    %rem3A_155 = arith.constant 9 : i32
    %rem3A_156 = arith.remsi %rem3A_154, %rem3A_155 : i32
    %eq3A_157 = arith.constant 0 : i32
    %eq3A_158 = arith.cmpi eq, %rem3A_156, %eq3A_157 : i32
    %convert_element_type3A_159 = arith.extui %eq3A_158 : i1 to i32
    %cond3A_160 = arith.constant 0 : i32
    %cond3A_161 = arith.constant 0 : i32
    %cond3A_162 = arith.cmpi ne, %convert_element_type3A_159, %cond3A_161 : i32
    scf.if %cond3A_162 {
      %add3A_182 = arith.constant 81 : i32
      %add3A_183 = arith.addi %add3A_182, %cond3A_160 : i32
      %mul3A_184 = arith.constant 64 : i32
      %mul3A_185 = arith.muli %add3A_183, %mul3A_184 : i32
      %add3A_186 = arith.addi %mul3A_137, %mul3A_185 : i32
      "tpu.region"() ({
        %run_scoped3A = tpu.sem_alloc : memref<!tpu.dma_semaphore, #tpu.memory_space<semaphore_mem>>
        %dma_start3A_187 = tpu.memref_slice %arg4[%add3A_186] : memref<331904xi32, #tpu.memory_space<hbm>> -> memref<576xi32, #tpu.memory_space<hbm>>
        %dma_start3A_188 = tpu.memref_slice %arg4[%add3A_186] : memref<331904xi32, #tpu.memory_space<hbm>> -> memref<576xi32, #tpu.memory_space<hbm>>
        tpu.enqueue_dma source(%dma_start3A_188 : memref<576xi32, #tpu.memory_space<hbm>>) target(%arg13 : memref<576xi32, #tpu.memory_space<vmem>>) target_semaphore(%run_scoped3A : memref<!tpu.dma_semaphore, #tpu.memory_space<semaphore_mem>>)
        %dma_wait3A = tpu.memref_slice %arg4[%add3A_186] : memref<331904xi32, #tpu.memory_space<hbm>> -> memref<576xi32, #tpu.memory_space<hbm>>
        %dma_wait3A_189 = tpu.memref_slice %arg4[%add3A_186] : memref<331904xi32, #tpu.memory_space<hbm>> -> memref<576xi32, #tpu.memory_space<hbm>>
        tpu.wait_dma2 semaphore(%run_scoped3A : memref<!tpu.dma_semaphore, #tpu.memory_space<semaphore_mem>>) src(%dma_wait3A_189 : memref<576xi32, #tpu.memory_space<hbm>>) dst(%arg13 : memref<576xi32, #tpu.memory_space<vmem>>)
        tpu.yield
      }) : () -> ()
      "tpu.region"() ({
        %run_scoped3A = tpu.sem_alloc : memref<!tpu.dma_semaphore, #tpu.memory_space<semaphore_mem>>
        %dma_start3A_187 = tpu.memref_slice %arg5[%add3A_186] : memref<331904xi32, #tpu.memory_space<hbm>> -> memref<576xi32, #tpu.memory_space<hbm>>
        %dma_start3A_188 = tpu.memref_slice %arg5[%add3A_186] : memref<331904xi32, #tpu.memory_space<hbm>> -> memref<576xi32, #tpu.memory_space<hbm>>
        tpu.enqueue_dma source(%dma_start3A_188 : memref<576xi32, #tpu.memory_space<hbm>>) target(%arg14 : memref<576xi32, #tpu.memory_space<vmem>>) target_semaphore(%run_scoped3A : memref<!tpu.dma_semaphore, #tpu.memory_space<semaphore_mem>>)
        %dma_wait3A = tpu.memref_slice %arg5[%add3A_186] : memref<331904xi32, #tpu.memory_space<hbm>> -> memref<576xi32, #tpu.memory_space<hbm>>
        %dma_wait3A_189 = tpu.memref_slice %arg5[%add3A_186] : memref<331904xi32, #tpu.memory_space<hbm>> -> memref<576xi32, #tpu.memory_space<hbm>>
        tpu.wait_dma2 semaphore(%run_scoped3A : memref<!tpu.dma_semaphore, #tpu.memory_space<semaphore_mem>>) src(%dma_wait3A_189 : memref<576xi32, #tpu.memory_space<hbm>>) dst(%arg14 : memref<576xi32, #tpu.memory_space<vmem>>)
        tpu.yield
      }) : () -> ()
    } else {
    }
    %mul3A_163 = arith.constant 64 : i32
    %mul3A_164 = arith.muli %rem3A_156, %mul3A_163 : i32
    %dma_start3A_165 = tpu.memref_slice %arg13[%mul3A_164] : memref<576xi32, #tpu.memory_space<vmem>> -> memref<64xi32, #tpu.memory_space<vmem>>
    %dma_start3A_166 = arith.constant 0 : i32
    %dma_start3A_167 = arith.constant 0 : i32
    %dma_start3A_168 = tpu.memref_slice %arg2[%dma_start3A_166, %dma_start3A_167] : memref<10000x128xf32, #tpu.memory_space<hbm>> -> memref<10000x128xf32, #tpu.memory_space<hbm>>
    tpu.enqueue_indirect_dma source(%dma_start3A_168 : memref<10000x128xf32, #tpu.memory_space<hbm>>) target(%arg15 : memref<64x128xf32, #tpu.memory_space<vmem>>) offsets(%dma_start3A_165 : memref<64xi32, #tpu.memory_space<vmem>>) semaphore(%arg24 : memref<!tpu.dma_semaphore, #tpu.memory_space<semaphore_mem>>)
    %mul3A_169 = arith.constant 64 : i32
    %mul3A_170 = arith.muli %rem3A_156, %mul3A_169 : i32
    %dma_start3A_171 = tpu.memref_slice %arg14[%mul3A_170] : memref<576xi32, #tpu.memory_space<vmem>> -> memref<64xi32, #tpu.memory_space<vmem>>
    %dma_start3A_172 = arith.constant 0 : i32
    %dma_start3A_173 = arith.constant 0 : i32
    %dma_start3A_174 = tpu.memref_slice %arg3[%dma_start3A_172, %dma_start3A_173] : memref<10240x128xf32, #tpu.memory_space<hbm>> -> memref<10240x128xf32, #tpu.memory_space<hbm>>
    tpu.enqueue_indirect_dma source(%dma_start3A_174 : memref<10240x128xf32, #tpu.memory_space<hbm>>) target(%arg16 : memref<64x128xf32, #tpu.memory_space<vmem>>) offsets(%dma_start3A_171 : memref<64xi32, #tpu.memory_space<vmem>>) semaphore(%arg25 : memref<!tpu.dma_semaphore, #tpu.memory_space<semaphore_mem>>)
    %scan3A_175 = arith.constant 0 : i32
    %scan3A_176 = arith.constant 0 : i32
    %scan3A_177 = arith.constant 81 : i32
    %scan3A_178 = arith.addi %scan3A_176, %scan3A_177 : i32
    %scan3A_179 = arith.constant 1 : i32
    scf.for %scan3A_182 = %scan3A_176 to %scan3A_178 step %scan3A_179  : i32 {
      %rem3A_183 = arith.constant 9 : i32
      %rem3A_184 = arith.remsi %scan3A_182, %rem3A_183 : i32
      %mul3A_185 = arith.constant 64 : i32
      %mul3A_186 = arith.muli %rem3A_184, %mul3A_185 : i32
      %dma_wait3A = tpu.memref_slice %arg9[%mul3A_186] : memref<576xi32, #tpu.memory_space<vmem>> -> memref<64xi32, #tpu.memory_space<vmem>>
      %dma_wait3A_187 = arith.constant 0 : i32
      %dma_wait3A_188 = arith.constant 0 : i32
      %dma_wait3A_189 = tpu.memref_slice %arg2[%dma_wait3A_187, %dma_wait3A_188] : memref<10000x128xf32, #tpu.memory_space<hbm>> -> memref<10000x128xf32, #tpu.memory_space<hbm>>
      tpu.wait_indirect_dma semaphore(%arg22 : memref<!tpu.dma_semaphore, #tpu.memory_space<semaphore_mem>>) src(%dma_wait3A_189 : memref<10000x128xf32, #tpu.memory_space<hbm>>) dst(%arg11 : memref<64x128xf32, #tpu.memory_space<vmem>>)
      %mul3A_190 = arith.constant 64 : i32
      %mul3A_191 = arith.muli %rem3A_184, %mul3A_190 : i32
      %dma_wait3A_192 = tpu.memref_slice %arg10[%mul3A_191] : memref<576xi32, #tpu.memory_space<vmem>> -> memref<64xi32, #tpu.memory_space<vmem>>
      %dma_wait3A_193 = arith.constant 0 : i32
      %dma_wait3A_194 = arith.constant 0 : i32
      %dma_wait3A_195 = tpu.memref_slice %arg3[%dma_wait3A_193, %dma_wait3A_194] : memref<10240x128xf32, #tpu.memory_space<hbm>> -> memref<10240x128xf32, #tpu.memory_space<hbm>>
      tpu.wait_indirect_dma semaphore(%arg23 : memref<!tpu.dma_semaphore, #tpu.memory_space<semaphore_mem>>) src(%dma_wait3A_195 : memref<10240x128xf32, #tpu.memory_space<hbm>>) dst(%arg12 : memref<64x128xf32, #tpu.memory_space<vmem>>)
      %parallel_loop3A = arith.constant 0 : i32
      %parallel_loop3A_196 = arith.constant 64 : i32
      %parallel_loop3A_197 = arith.constant 1 : i32
      scf.for %parallel_loop3A_240 = %parallel_loop3A to %parallel_loop3A_196 step %parallel_loop3A_197  : i32 {
        %parallel_loop3A_241 = arith.index_cast %parallel_loop3A_240 : i32 to index
        %parallel_loop3A_242 = arith.constant 0 : index
        %parallel_loop3A_243 = tpu.vector_load %arg11[%parallel_loop3A_241, %parallel_loop3A_242] {strides = array<i32>} : memref<64x128xf32, #tpu.memory_space<vmem>>, vector<16xf32>,
        %parallel_loop3A_244 = arith.index_cast %parallel_loop3A_240 : i32 to index
        %parallel_loop3A_245 = arith.constant 16 : index
        %parallel_loop3A_246 = tpu.vector_load %arg11[%parallel_loop3A_244, %parallel_loop3A_245] {strides = array<i32>} : memref<64x128xf32, #tpu.memory_space<vmem>>, vector<16xf32>,
        %parallel_loop3A_247 = arith.index_cast %parallel_loop3A_240 : i32 to index
        %parallel_loop3A_248 = arith.constant 32 : index
        %parallel_loop3A_249 = tpu.vector_load %arg11[%parallel_loop3A_247, %parallel_loop3A_248] {strides = array<i32>} : memref<64x128xf32, #tpu.memory_space<vmem>>, vector<16xf32>,
        %parallel_loop3A_250 = arith.index_cast %parallel_loop3A_240 : i32 to index
        %parallel_loop3A_251 = arith.constant 48 : index
        %parallel_loop3A_252 = tpu.vector_load %arg11[%parallel_loop3A_250, %parallel_loop3A_251] {strides = array<i32>} : memref<64x128xf32, #tpu.memory_space<vmem>>, vector<16xf32>,
        %parallel_loop3A_253 = arith.index_cast %parallel_loop3A_240 : i32 to index
        %parallel_loop3A_254 = arith.constant 64 : index
        %parallel_loop3A_255 = tpu.vector_load %arg11[%parallel_loop3A_253, %parallel_loop3A_254] {strides = array<i32>} : memref<64x128xf32, #tpu.memory_space<vmem>>, vector<16xf32>,
        %parallel_loop3A_256 = arith.index_cast %parallel_loop3A_240 : i32 to index
        %parallel_loop3A_257 = arith.constant 80 : index
        %parallel_loop3A_258 = tpu.vector_load %arg11[%parallel_loop3A_256, %parallel_loop3A_257] {strides = array<i32>} : memref<64x128xf32, #tpu.memory_space<vmem>>, vector<16xf32>,
        %parallel_loop3A_259 = arith.index_cast %parallel_loop3A_240 : i32 to index
        %parallel_loop3A_260 = arith.constant 96 : index
        %parallel_loop3A_261 = tpu.vector_load %arg11[%parallel_loop3A_259, %parallel_loop3A_260] {strides = array<i32>} : memref<64x128xf32, #tpu.memory_space<vmem>>, vector<16xf32>,
        %parallel_loop3A_262 = arith.index_cast %parallel_loop3A_240 : i32 to index
        %parallel_loop3A_263 = arith.constant 112 : index
        %parallel_loop3A_264 = tpu.vector_load %arg11[%parallel_loop3A_262, %parallel_loop3A_263] {strides = array<i32>} : memref<64x128xf32, #tpu.memory_space<vmem>>, vector<16xf32>,
        %parallel_loop3A_265 = arith.index_cast %parallel_loop3A_240 : i32 to index
        %parallel_loop3A_266 = arith.constant 0 : index
        %parallel_loop3A_267 = tpu.vector_load %arg12[%parallel_loop3A_265, %parallel_loop3A_266] {strides = array<i32>} : memref<64x128xf32, #tpu.memory_space<vmem>>, vector<16xf32>,
        %parallel_loop3A_268 = arith.addf %parallel_loop3A_243, %parallel_loop3A_267 : vector<16xf32>
        %parallel_loop3A_269 = arith.constant 0.000000e+00 : f32
        %parallel_loop3A_270 = vector.broadcast %parallel_loop3A_269 : f32 to vector<16xf32>
        %parallel_loop3A_271 = arith.cmpf ogt, %parallel_loop3A_268, %parallel_loop3A_270 : vector<16xf32>
        %parallel_loop3A_272 = arith.constant 2.000000e-01 : f32
        %parallel_loop3A_273 = vector.broadcast %parallel_loop3A_272 : f32 to vector<16xf32>
        %parallel_loop3A_274 = arith.mulf %parallel_loop3A_273, %parallel_loop3A_268 : vector<16xf32>
        %parallel_loop3A_275 = arith.select %parallel_loop3A_271, %parallel_loop3A_268, %parallel_loop3A_274 : vector<16xi1>, vector<16xf32>
        %parallel_loop3A_276 = arith.mulf %parallel_loop3A_275, %get3A_21 : vector<16xf32>
        %parallel_loop3A_277 = arith.addf %broadcast_in_dim3A_1, %parallel_loop3A_276 : vector<16xf32>
        %parallel_loop3A_278 = arith.index_cast %parallel_loop3A_240 : i32 to index
        %parallel_loop3A_279 = arith.constant 16 : index
        %parallel_loop3A_280 = tpu.vector_load %arg12[%parallel_loop3A_278, %parallel_loop3A_279] {strides = array<i32>} : memref<64x128xf32, #tpu.memory_space<vmem>>, vector<16xf32>,
        %parallel_loop3A_281 = arith.addf %parallel_loop3A_246, %parallel_loop3A_280 : vector<16xf32>
        %parallel_loop3A_282 = arith.constant 0.000000e+00 : f32
        %parallel_loop3A_283 = vector.broadcast %parallel_loop3A_282 : f32 to vector<16xf32>
        %parallel_loop3A_284 = arith.cmpf ogt, %parallel_loop3A_281, %parallel_loop3A_283 : vector<16xf32>
        %parallel_loop3A_285 = arith.constant 2.000000e-01 : f32
        %parallel_loop3A_286 = vector.broadcast %parallel_loop3A_285 : f32 to vector<16xf32>
        %parallel_loop3A_287 = arith.mulf %parallel_loop3A_286, %parallel_loop3A_281 : vector<16xf32>
        %parallel_loop3A_288 = arith.select %parallel_loop3A_284, %parallel_loop3A_281, %parallel_loop3A_287 : vector<16xi1>, vector<16xf32>
        %parallel_loop3A_289 = arith.mulf %parallel_loop3A_288, %get3A_23 : vector<16xf32>
        %parallel_loop3A_290 = arith.addf %parallel_loop3A_277, %parallel_loop3A_289 : vector<16xf32>
        %parallel_loop3A_291 = arith.index_cast %parallel_loop3A_240 : i32 to index
        %parallel_loop3A_292 = arith.constant 32 : index
        %parallel_loop3A_293 = tpu.vector_load %arg12[%parallel_loop3A_291, %parallel_loop3A_292] {strides = array<i32>} : memref<64x128xf32, #tpu.memory_space<vmem>>, vector<16xf32>,
        %parallel_loop3A_294 = arith.addf %parallel_loop3A_249, %parallel_loop3A_293 : vector<16xf32>
        %parallel_loop3A_295 = arith.constant 0.000000e+00 : f32
        %parallel_loop3A_296 = vector.broadcast %parallel_loop3A_295 : f32 to vector<16xf32>
        %parallel_loop3A_297 = arith.cmpf ogt, %parallel_loop3A_294, %parallel_loop3A_296 : vector<16xf32>
        %parallel_loop3A_298 = arith.constant 2.000000e-01 : f32
        %parallel_loop3A_299 = vector.broadcast %parallel_loop3A_298 : f32 to vector<16xf32>
        %parallel_loop3A_300 = arith.mulf %parallel_loop3A_299, %parallel_loop3A_294 : vector<16xf32>
        %parallel_loop3A_301 = arith.select %parallel_loop3A_297, %parallel_loop3A_294, %parallel_loop3A_300 : vector<16xi1>, vector<16xf32>
        %parallel_loop3A_302 = arith.mulf %parallel_loop3A_301, %get3A_25 : vector<16xf32>
        %parallel_loop3A_303 = arith.addf %parallel_loop3A_290, %parallel_loop3A_302 : vector<16xf32>
        %parallel_loop3A_304 = arith.index_cast %parallel_loop3A_240 : i32 to index
        %parallel_loop3A_305 = arith.constant 48 : index
        %parallel_loop3A_306 = tpu.vector_load %arg12[%parallel_loop3A_304, %parallel_loop3A_305] {strides = array<i32>} : memref<64x128xf32, #tpu.memory_space<vmem>>, vector<16xf32>,
        %parallel_loop3A_307 = arith.addf %parallel_loop3A_252, %parallel_loop3A_306 : vector<16xf32>
        %parallel_loop3A_308 = arith.constant 0.000000e+00 : f32
        %parallel_loop3A_309 = vector.broadcast %parallel_loop3A_308 : f32 to vector<16xf32>
        %parallel_loop3A_310 = arith.cmpf ogt, %parallel_loop3A_307, %parallel_loop3A_309 : vector<16xf32>
        %parallel_loop3A_311 = arith.constant 2.000000e-01 : f32
        %parallel_loop3A_312 = vector.broadcast %parallel_loop3A_311 : f32 to vector<16xf32>
        %parallel_loop3A_313 = arith.mulf %parallel_loop3A_312, %parallel_loop3A_307 : vector<16xf32>
        %parallel_loop3A_314 = arith.select %parallel_loop3A_310, %parallel_loop3A_307, %parallel_loop3A_313 : vector<16xi1>, vector<16xf32>
        %parallel_loop3A_315 = arith.mulf %parallel_loop3A_314, %get3A_27 : vector<16xf32>
        %parallel_loop3A_316 = arith.addf %parallel_loop3A_303, %parallel_loop3A_315 : vector<16xf32>
        %parallel_loop3A_317 = arith.index_cast %parallel_loop3A_240 : i32 to index
        %parallel_loop3A_318 = arith.constant 64 : index
        %parallel_loop3A_319 = tpu.vector_load %arg12[%parallel_loop3A_317, %parallel_loop3A_318] {strides = array<i32>} : memref<64x128xf32, #tpu.memory_space<vmem>>, vector<16xf32>,
        %parallel_loop3A_320 = arith.addf %parallel_loop3A_255, %parallel_loop3A_319 : vector<16xf32>
        %parallel_loop3A_321 = arith.constant 0.000000e+00 : f32
        %parallel_loop3A_322 = vector.broadcast %parallel_loop3A_321 : f32 to vector<16xf32>
        %parallel_loop3A_323 = arith.cmpf ogt, %parallel_loop3A_320, %parallel_loop3A_322 : vector<16xf32>
        %parallel_loop3A_324 = arith.constant 2.000000e-01 : f32
        %parallel_loop3A_325 = vector.broadcast %parallel_loop3A_324 : f32 to vector<16xf32>
        %parallel_loop3A_326 = arith.mulf %parallel_loop3A_325, %parallel_loop3A_320 : vector<16xf32>
        %parallel_loop3A_327 = arith.select %parallel_loop3A_323, %parallel_loop3A_320, %parallel_loop3A_326 : vector<16xi1>, vector<16xf32>
        %parallel_loop3A_328 = arith.mulf %parallel_loop3A_327, %get3A_29 : vector<16xf32>
        %parallel_loop3A_329 = arith.addf %parallel_loop3A_316, %parallel_loop3A_328 : vector<16xf32>
        %parallel_loop3A_330 = arith.index_cast %parallel_loop3A_240 : i32 to index
        %parallel_loop3A_331 = arith.constant 80 : index
        %parallel_loop3A_332 = tpu.vector_load %arg12[%parallel_loop3A_330, %parallel_loop3A_331] {strides = array<i32>} : memref<64x128xf32, #tpu.memory_space<vmem>>, vector<16xf32>,
        %parallel_loop3A_333 = arith.addf %parallel_loop3A_258, %parallel_loop3A_332 : vector<16xf32>
        %parallel_loop3A_334 = arith.constant 0.000000e+00 : f32
        %parallel_loop3A_335 = vector.broadcast %parallel_loop3A_334 : f32 to vector<16xf32>
        %parallel_loop3A_336 = arith.cmpf ogt, %parallel_loop3A_333, %parallel_loop3A_335 : vector<16xf32>
        %parallel_loop3A_337 = arith.constant 2.000000e-01 : f32
        %parallel_loop3A_338 = vector.broadcast %parallel_loop3A_337 : f32 to vector<16xf32>
        %parallel_loop3A_339 = arith.mulf %parallel_loop3A_338, %parallel_loop3A_333 : vector<16xf32>
        %parallel_loop3A_340 = arith.select %parallel_loop3A_336, %parallel_loop3A_333, %parallel_loop3A_339 : vector<16xi1>, vector<16xf32>
        %parallel_loop3A_341 = arith.mulf %parallel_loop3A_340, %get3A_31 : vector<16xf32>
        %parallel_loop3A_342 = arith.addf %parallel_loop3A_329, %parallel_loop3A_341 : vector<16xf32>
        %parallel_loop3A_343 = arith.index_cast %parallel_loop3A_240 : i32 to index
        %parallel_loop3A_344 = arith.constant 96 : index
        %parallel_loop3A_345 = tpu.vector_load %arg12[%parallel_loop3A_343, %parallel_loop3A_344] {strides = array<i32>} : memref<64x128xf32, #tpu.memory_space<vmem>>, vector<16xf32>,
        %parallel_loop3A_346 = arith.addf %parallel_loop3A_261, %parallel_loop3A_345 : vector<16xf32>
        %parallel_loop3A_347 = arith.constant 0.000000e+00 : f32
        %parallel_loop3A_348 = vector.broadcast %parallel_loop3A_347 : f32 to vector<16xf32>
        %parallel_loop3A_349 = arith.cmpf ogt, %parallel_loop3A_346, %parallel_loop3A_348 : vector<16xf32>
        %parallel_loop3A_350 = arith.constant 2.000000e-01 : f32
        %parallel_loop3A_351 = vector.broadcast %parallel_loop3A_350 : f32 to vector<16xf32>
        %parallel_loop3A_352 = arith.mulf %parallel_loop3A_351, %parallel_loop3A_346 : vector<16xf32>
        %parallel_loop3A_353 = arith.select %parallel_loop3A_349, %parallel_loop3A_346, %parallel_loop3A_352 : vector<16xi1>, vector<16xf32>
        %parallel_loop3A_354 = arith.mulf %parallel_loop3A_353, %get3A_33 : vector<16xf32>
        %parallel_loop3A_355 = arith.addf %parallel_loop3A_342, %parallel_loop3A_354 : vector<16xf32>
        %parallel_loop3A_356 = arith.index_cast %parallel_loop3A_240 : i32 to index
        %parallel_loop3A_357 = arith.constant 112 : index
        %parallel_loop3A_358 = tpu.vector_load %arg12[%parallel_loop3A_356, %parallel_loop3A_357] {strides = array<i32>} : memref<64x128xf32, #tpu.memory_space<vmem>>, vector<16xf32>,
        %parallel_loop3A_359 = arith.addf %parallel_loop3A_264, %parallel_loop3A_358 : vector<16xf32>
        %parallel_loop3A_360 = arith.constant 0.000000e+00 : f32
        %parallel_loop3A_361 = vector.broadcast %parallel_loop3A_360 : f32 to vector<16xf32>
        %parallel_loop3A_362 = arith.cmpf ogt, %parallel_loop3A_359, %parallel_loop3A_361 : vector<16xf32>
        %parallel_loop3A_363 = arith.constant 2.000000e-01 : f32
        %parallel_loop3A_364 = vector.broadcast %parallel_loop3A_363 : f32 to vector<16xf32>
        %parallel_loop3A_365 = arith.mulf %parallel_loop3A_364, %parallel_loop3A_359 : vector<16xf32>
        %parallel_loop3A_366 = arith.select %parallel_loop3A_362, %parallel_loop3A_359, %parallel_loop3A_365 : vector<16xi1>, vector<16xf32>
        %parallel_loop3A_367 = arith.mulf %parallel_loop3A_366, %get3A_35 : vector<16xf32>
        %parallel_loop3A_368 = arith.addf %parallel_loop3A_355, %parallel_loop3A_367 : vector<16xf32>
        %parallel_loop3A_369 = vector.shape_cast %xor3A_37 : vector<16xi32> to vector<16x1xi32>
        %parallel_loop3A_370 = vector.shape_cast %parallel_loop3A_369 : vector<16x1xi32> to vector<16xi32>
        %parallel_loop3A_371 = tpu.dynamic_gather %parallel_loop3A_368[%parallel_loop3A_370] in [0] : vector<16xf32>, vector<16xi32> -> vector<16xf32>
        %parallel_loop3A_372 = arith.addf %parallel_loop3A_368, %parallel_loop3A_371 : vector<16xf32>
        %parallel_loop3A_373 = vector.shape_cast %xor3A_40 : vector<16xi32> to vector<16x1xi32>
        %parallel_loop3A_374 = vector.shape_cast %parallel_loop3A_373 : vector<16x1xi32> to vector<16xi32>
        %parallel_loop3A_375 = tpu.dynamic_gather %parallel_loop3A_372[%parallel_loop3A_374] in [0] : vector<16xf32>, vector<16xi32> -> vector<16xf32>
        %parallel_loop3A_376 = arith.addf %parallel_loop3A_372, %parallel_loop3A_375 : vector<16xf32>
        %parallel_loop3A_377 = vector.shape_cast %xor3A_43 : vector<16xi32> to vector<16x1xi32>
        %parallel_loop3A_378 = vector.shape_cast %parallel_loop3A_377 : vector<16x1xi32> to vector<16xi32>
        %parallel_loop3A_379 = tpu.dynamic_gather %parallel_loop3A_376[%parallel_loop3A_378] in [0] : vector<16xf32>, vector<16xi32> -> vector<16xf32>
        %parallel_loop3A_380 = arith.addf %parallel_loop3A_376, %parallel_loop3A_379 : vector<16xf32>
        %parallel_loop3A_381 = vector.shape_cast %xor3A_46 : vector<16xi32> to vector<16x1xi32>
        %parallel_loop3A_382 = vector.shape_cast %parallel_loop3A_381 : vector<16x1xi32> to vector<16xi32>
        %parallel_loop3A_383 = tpu.dynamic_gather %parallel_loop3A_380[%parallel_loop3A_382] in [0] : vector<16xf32>, vector<16xi32> -> vector<16xf32>
        %parallel_loop3A_384 = arith.addf %parallel_loop3A_380, %parallel_loop3A_383 : vector<16xf32>
        %parallel_loop3A_385 = math.exp %parallel_loop3A_384 : vector<16xf32>
        %parallel_loop3A_386 = arith.mulf %parallel_loop3A_243, %parallel_loop3A_385 : vector<16xf32>
        %parallel_loop3A_387 = arith.index_cast %parallel_loop3A_240 : i32 to index
        %parallel_loop3A_388 = arith.constant 0 : index
        %parallel_loop3A_389 = tpu.vector_load %arg11[%parallel_loop3A_387, %parallel_loop3A_388] {strides = array<i32>} : memref<64x128xf32, #tpu.memory_space<vmem>>, vector<16xf32>,
        tpu.vector_store %arg11[%parallel_loop3A_387, %parallel_loop3A_388], %parallel_loop3A_386 {strides = array<i32>} : memref<64x128xf32, #tpu.memory_space<vmem>>, vector<16xf32>,
        %parallel_loop3A_390 = arith.mulf %parallel_loop3A_246, %parallel_loop3A_385 : vector<16xf32>
        %parallel_loop3A_391 = arith.index_cast %parallel_loop3A_240 : i32 to index
        %parallel_loop3A_392 = arith.constant 16 : index
        %parallel_loop3A_393 = tpu.vector_load %arg11[%parallel_loop3A_391, %parallel_loop3A_392] {strides = array<i32>} : memref<64x128xf32, #tpu.memory_space<vmem>>, vector<16xf32>,
        tpu.vector_store %arg11[%parallel_loop3A_391, %parallel_loop3A_392], %parallel_loop3A_390 {strides = array<i32>} : memref<64x128xf32, #tpu.memory_space<vmem>>, vector<16xf32>,
        %parallel_loop3A_394 = arith.mulf %parallel_loop3A_249, %parallel_loop3A_385 : vector<16xf32>
        %parallel_loop3A_395 = arith.index_cast %parallel_loop3A_240 : i32 to index
        %parallel_loop3A_396 = arith.constant 32 : index
        %parallel_loop3A_397 = tpu.vector_load %arg11[%parallel_loop3A_395, %parallel_loop3A_396] {strides = array<i32>} : memref<64x128xf32, #tpu.memory_space<vmem>>, vector<16xf32>,
        tpu.vector_store %arg11[%parallel_loop3A_395, %parallel_loop3A_396], %parallel_loop3A_394 {strides = array<i32>} : memref<64x128xf32, #tpu.memory_space<vmem>>, vector<16xf32>,
        %parallel_loop3A_398 = arith.mulf %parallel_loop3A_252, %parallel_loop3A_385 : vector<16xf32>
        %parallel_loop3A_399 = arith.index_cast %parallel_loop3A_240 : i32 to index
        %parallel_loop3A_400 = arith.constant 48 : index
        %parallel_loop3A_401 = tpu.vector_load %arg11[%parallel_loop3A_399, %parallel_loop3A_400] {strides = array<i32>} : memref<64x128xf32, #tpu.memory_space<vmem>>, vector<16xf32>,
        tpu.vector_store %arg11[%parallel_loop3A_399, %parallel_loop3A_400], %parallel_loop3A_398 {strides = array<i32>} : memref<64x128xf32, #tpu.memory_space<vmem>>, vector<16xf32>,
        %parallel_loop3A_402 = arith.mulf %parallel_loop3A_255, %parallel_loop3A_385 : vector<16xf32>
        %parallel_loop3A_403 = arith.index_cast %parallel_loop3A_240 : i32 to index
        %parallel_loop3A_404 = arith.constant 64 : index
        %parallel_loop3A_405 = tpu.vector_load %arg11[%parallel_loop3A_403, %parallel_loop3A_404] {strides = array<i32>} : memref<64x128xf32, #tpu.memory_space<vmem>>, vector<16xf32>,
        tpu.vector_store %arg11[%parallel_loop3A_403, %parallel_loop3A_404], %parallel_loop3A_402 {strides = array<i32>} : memref<64x128xf32, #tpu.memory_space<vmem>>, vector<16xf32>,
        %parallel_loop3A_406 = arith.mulf %parallel_loop3A_258, %parallel_loop3A_385 : vector<16xf32>
        %parallel_loop3A_407 = arith.index_cast %parallel_loop3A_240 : i32 to index
        %parallel_loop3A_408 = arith.constant 80 : index
        %parallel_loop3A_409 = tpu.vector_load %arg11[%parallel_loop3A_407, %parallel_loop3A_408] {strides = array<i32>} : memref<64x128xf32, #tpu.memory_space<vmem>>, vector<16xf32>,
        tpu.vector_store %arg11[%parallel_loop3A_407, %parallel_loop3A_408], %parallel_loop3A_406 {strides = array<i32>} : memref<64x128xf32, #tpu.memory_space<vmem>>, vector<16xf32>,
        %parallel_loop3A_410 = arith.mulf %parallel_loop3A_261, %parallel_loop3A_385 : vector<16xf32>
        %parallel_loop3A_411 = arith.index_cast %parallel_loop3A_240 : i32 to index
        %parallel_loop3A_412 = arith.constant 96 : index
        %parallel_loop3A_413 = tpu.vector_load %arg11[%parallel_loop3A_411, %parallel_loop3A_412] {strides = array<i32>} : memref<64x128xf32, #tpu.memory_space<vmem>>, vector<16xf32>,
        tpu.vector_store %arg11[%parallel_loop3A_411, %parallel_loop3A_412], %parallel_loop3A_410 {strides = array<i32>} : memref<64x128xf32, #tpu.memory_space<vmem>>, vector<16xf32>,
        %parallel_loop3A_414 = arith.mulf %parallel_loop3A_264, %parallel_loop3A_385 : vector<16xf32>
        %parallel_loop3A_415 = arith.index_cast %parallel_loop3A_240 : i32 to index
        %parallel_loop3A_416 = arith.constant 112 : index
        %parallel_loop3A_417 = tpu.vector_load %arg11[%parallel_loop3A_415, %parallel_loop3A_416] {strides = array<i32>} : memref<64x128xf32, #tpu.memory_space<vmem>>, vector<16xf32>,
        tpu.vector_store %arg11[%parallel_loop3A_415, %parallel_loop3A_416], %parallel_loop3A_414 {strides = array<i32>} : memref<64x128xf32, #tpu.memory_space<vmem>>, vector<16xf32>,
        %parallel_loop3A_418 = arith.constant 1 : i32
        %parallel_loop3A_419 = vector.broadcast %parallel_loop3A_418 : i32 to vector<16xi32>
        %parallel_loop3A_420 = arith.cmpi slt, %iota3A, %parallel_loop3A_419 : vector<16xi32>
        %parallel_loop3A_421 = vector.broadcast %parallel_loop3A_240 : i32 to vector<16xi32>
        %parallel_loop3A_422 = arith.constant 64 : i32
        %parallel_loop3A_423 = vector.broadcast %parallel_loop3A_422 : i32 to vector<16xi32>
        %parallel_loop3A_424 = arith.select %parallel_loop3A_420, %parallel_loop3A_421, %parallel_loop3A_423 : vector<16xi1>, vector<16xi32>
        tpu.vector_store_idx %arg17[%parallel_loop3A_424], %parallel_loop3A_385 : memref<80xf32, #tpu.memory_space<vmem>>[vector<16xi32>], vector<16xf32>,
      } {sc.loop_unroll_factor = 2 : i64, sc.parallel_access}
      %mul3A_198 = arith.constant 64 : i32
      %mul3A_199 = arith.muli %rem3A_184, %mul3A_198 : i32
      "tpu.region"() ({
        %run_scoped3A = tpu.sem_alloc : memref<!tpu.dma_semaphore, #tpu.memory_space<semaphore_mem>>
        %dma_start3A_240 = tpu.memref_slice %arg10[%mul3A_199] : memref<576xi32, #tpu.memory_space<vmem>> -> memref<64xi32, #tpu.memory_space<vmem>>
        %dma_start3A_241 = arith.constant 0 : i32
        %dma_start3A_242 = arith.constant 0 : i32
        %dma_start3A_243 = tpu.memref_slice %arg21[%dma_start3A_241, %dma_start3A_242] : memref<10240x128xf32, #tpu.memory_space<vmem_shared>> -> memref<10240x128xf32, #tpu.memory_space<vmem_shared>>
        tpu.enqueue_indirect_dma source(%arg11 : memref<64x128xf32, #tpu.memory_space<vmem>>) target(%dma_start3A_243 : memref<10240x128xf32, #tpu.memory_space<vmem_shared>>) offsets(%dma_start3A_240 : memref<64xi32, #tpu.memory_space<vmem>>) semaphore(%run_scoped3A : memref<!tpu.dma_semaphore, #tpu.memory_space<semaphore_mem>>) {add = true}
        %dma_wait3A_244 = tpu.memref_slice %arg10[%mul3A_199] : memref<576xi32, #tpu.memory_space<vmem>> -> memref<64xi32, #tpu.memory_space<vmem>>
        %dma_wait3A_245 = arith.constant 0 : i32
        %dma_wait3A_246 = arith.constant 0 : i32
        %dma_wait3A_247 = tpu.memref_slice %arg21[%dma_wait3A_245, %dma_wait3A_246] : memref<10240x128xf32, #tpu.memory_space<vmem_shared>> -> memref<10240x128xf32, #tpu.memory_space<vmem_shared>>
        tpu.wait_indirect_dma semaphore(%run_scoped3A : memref<!tpu.dma_semaphore, #tpu.memory_space<semaphore_mem>>) src(%arg11 : memref<64x128xf32, #tpu.memory_space<vmem>>) dst(%dma_wait3A_247 : memref<10240x128xf32, #tpu.memory_space<vmem_shared>>)
        tpu.yield
      }) : () -> ()
      %scan3A_200 = arith.constant 0 : i32
      %scan3A_201 = arith.constant 0 : i32
      %scan3A_202 = arith.constant 4 : i32
      %scan3A_203 = arith.addi %scan3A_201, %scan3A_202 : i32
      %scan3A_204 = arith.constant 1 : i32
      scf.for %scan3A_240 = %scan3A_201 to %scan3A_203 step %scan3A_204  : i32 {
        %mul3A_241 = arith.constant 64 : i32
        %mul3A_242 = arith.muli %rem3A_184, %mul3A_241 : i32
        %mul3A_243 = arith.constant 16 : i32
        %mul3A_244 = arith.muli %mul3A_243, %scan3A_240 : i32
        %add3A_245 = arith.addi %mul3A_242, %mul3A_244 : i32
        %get3A_246 = arith.index_cast %add3A_245 : i32 to index
        %get3A_247 = tpu.vector_load %arg10[%get3A_246] {strides = array<i32>} : memref<576xi32, #tpu.memory_space<vmem>>, vector<16xi32>,
        %mul3A_248 = arith.constant 16 : i32
        %mul3A_249 = arith.muli %mul3A_248, %scan3A_240 : i32
        %get3A_250 = arith.index_cast %mul3A_249 : i32 to index
        %get3A_251 = tpu.vector_load %arg17[%get3A_250] {strides = array<i32>} : memref<80xf32, #tpu.memory_space<vmem>>, vector<16xf32>,
        %broadcast_in_dim3A_252 = vector.shape_cast %and3A_51 : vector<16xi32> to vector<16x1xi32>
        %gather3A = vector.shape_cast %broadcast_in_dim3A_252 : vector<16x1xi32> to vector<16xi32>
        %gather3A_253 = tpu.dynamic_gather %get3A_247[%gather3A] in [0] : vector<16xi32>, vector<16xi32> -> vector<16xi32>
        %broadcast_in_dim3A_254 = vector.shape_cast %and3A_51 : vector<16xi32> to vector<16x1xi32>
        %gather3A_255 = vector.shape_cast %broadcast_in_dim3A_254 : vector<16x1xi32> to vector<16xi32>
        %gather3A_256 = tpu.dynamic_gather %get3A_251[%gather3A_255] in [0] : vector<16xf32>, vector<16xi32> -> vector<16xf32>
        %eq3A_257 = arith.cmpi eq, %gather3A_253, %get3A_247 : vector<16xi32>
        %jit3A = arith.constant 0.000000e+00 : f32
        %broadcast_in_dim3A_258 = vector.broadcast %jit3A : f32 to vector<16xf32>
        %select_n3A = arith.select %eq3A_257, %gather3A_256, %broadcast_in_dim3A_258 : vector<16xi1>, vector<16xf32>
        %add3A_259 = arith.addf %get3A_251, %select_n3A : vector<16xf32>
        %broadcast_in_dim3A_260 = vector.shape_cast %and3A_57 : vector<16xi32> to vector<16x1xi32>
        %gather3A_261 = vector.shape_cast %broadcast_in_dim3A_260 : vector<16x1xi32> to vector<16xi32>
        %gather3A_262 = tpu.dynamic_gather %get3A_247[%gather3A_261] in [0] : vector<16xi32>, vector<16xi32> -> vector<16xi32>
        %broadcast_in_dim3A_263 = vector.shape_cast %and3A_57 : vector<16xi32> to vector<16x1xi32>
        %gather3A_264 = vector.shape_cast %broadcast_in_dim3A_263 : vector<16x1xi32> to vector<16xi32>
        %gather3A_265 = tpu.dynamic_gather %get3A_251[%gather3A_264] in [0] : vector<16xf32>, vector<16xi32> -> vector<16xf32>
        %eq3A_266 = arith.cmpi eq, %gather3A_262, %get3A_247 : vector<16xi32>
        %jit3A_267 = arith.constant 0.000000e+00 : f32
        %broadcast_in_dim3A_268 = vector.broadcast %jit3A_267 : f32 to vector<16xf32>
        %select_n3A_269 = arith.select %eq3A_266, %gather3A_265, %broadcast_in_dim3A_268 : vector<16xi1>, vector<16xf32>
        %add3A_270 = arith.addf %add3A_259, %select_n3A_269 : vector<16xf32>
        %broadcast_in_dim3A_271 = vector.shape_cast %and3A_63 : vector<16xi32> to vector<16x1xi32>
        %gather3A_272 = vector.shape_cast %broadcast_in_dim3A_271 : vector<16x1xi32> to vector<16xi32>
        %gather3A_273 = tpu.dynamic_gather %get3A_247[%gather3A_272] in [0] : vector<16xi32>, vector<16xi32> -> vector<16xi32>
        %broadcast_in_dim3A_274 = vector.shape_cast %and3A_63 : vector<16xi32> to vector<16x1xi32>
        %gather3A_275 = vector.shape_cast %broadcast_in_dim3A_274 : vector<16x1xi32> to vector<16xi32>
        %gather3A_276 = tpu.dynamic_gather %get3A_251[%gather3A_275] in [0] : vector<16xf32>, vector<16xi32> -> vector<16xf32>
        %eq3A_277 = arith.cmpi eq, %gather3A_273, %get3A_247 : vector<16xi32>
        %jit3A_278 = arith.constant 0.000000e+00 : f32
        %broadcast_in_dim3A_279 = vector.broadcast %jit3A_278 : f32 to vector<16xf32>
        %select_n3A_280 = arith.select %eq3A_277, %gather3A_276, %broadcast_in_dim3A_279 : vector<16xi1>, vector<16xf32>
        %add3A_281 = arith.addf %add3A_270, %select_n3A_280 : vector<16xf32>
        %broadcast_in_dim3A_282 = vector.shape_cast %and3A_69 : vector<16xi32> to vector<16x1xi32>
        %gather3A_283 = vector.shape_cast %broadcast_in_dim3A_282 : vector<16x1xi32> to vector<16xi32>
        %gather3A_284 = tpu.dynamic_gather %get3A_247[%gather3A_283] in [0] : vector<16xi32>, vector<16xi32> -> vector<16xi32>
        %broadcast_in_dim3A_285 = vector.shape_cast %and3A_69 : vector<16xi32> to vector<16x1xi32>
        %gather3A_286 = vector.shape_cast %broadcast_in_dim3A_285 : vector<16x1xi32> to vector<16xi32>
        %gather3A_287 = tpu.dynamic_gather %get3A_251[%gather3A_286] in [0] : vector<16xf32>, vector<16xi32> -> vector<16xf32>
        %eq3A_288 = arith.cmpi eq, %gather3A_284, %get3A_247 : vector<16xi32>
        %jit3A_289 = arith.constant 0.000000e+00 : f32
        %broadcast_in_dim3A_290 = vector.broadcast %jit3A_289 : f32 to vector<16xf32>
        %select_n3A_291 = arith.select %eq3A_288, %gather3A_287, %broadcast_in_dim3A_290 : vector<16xi1>, vector<16xf32>
        %add3A_292 = arith.addf %add3A_281, %select_n3A_291 : vector<16xf32>
        %broadcast_in_dim3A_293 = vector.shape_cast %and3A_75 : vector<16xi32> to vector<16x1xi32>
        %gather3A_294 = vector.shape_cast %broadcast_in_dim3A_293 : vector<16x1xi32> to vector<16xi32>
        %gather3A_295 = tpu.dynamic_gather %get3A_247[%gather3A_294] in [0] : vector<16xi32>, vector<16xi32> -> vector<16xi32>
        %broadcast_in_dim3A_296 = vector.shape_cast %and3A_75 : vector<16xi32> to vector<16x1xi32>
        %gather3A_297 = vector.shape_cast %broadcast_in_dim3A_296 : vector<16x1xi32> to vector<16xi32>
        %gather3A_298 = tpu.dynamic_gather %get3A_251[%gather3A_297] in [0] : vector<16xf32>, vector<16xi32> -> vector<16xf32>
        %eq3A_299 = arith.cmpi eq, %gather3A_295, %get3A_247 : vector<16xi32>
        %jit3A_300 = arith.constant 0.000000e+00 : f32
        %broadcast_in_dim3A_301 = vector.broadcast %jit3A_300 : f32 to vector<16xf32>
        %select_n3A_302 = arith.select %eq3A_299, %gather3A_298, %broadcast_in_dim3A_301 : vector<16xi1>, vector<16xf32>
        %add3A_303 = arith.addf %add3A_292, %select_n3A_302 : vector<16xf32>
        %broadcast_in_dim3A_304 = vector.shape_cast %and3A_81 : vector<16xi32> to vector<16x1xi32>
        %gather3A_305 = vector.shape_cast %broadcast_in_dim3A_304 : vector<16x1xi32> to vector<16xi32>
        %gather3A_306 = tpu.dynamic_gather %get3A_247[%gather3A_305] in [0] : vector<16xi32>, vector<16xi32> -> vector<16xi32>
        %broadcast_in_dim3A_307 = vector.shape_cast %and3A_81 : vector<16xi32> to vector<16x1xi32>
        %gather3A_308 = vector.shape_cast %broadcast_in_dim3A_307 : vector<16x1xi32> to vector<16xi32>
        %gather3A_309 = tpu.dynamic_gather %get3A_251[%gather3A_308] in [0] : vector<16xf32>, vector<16xi32> -> vector<16xf32>
        %eq3A_310 = arith.cmpi eq, %gather3A_306, %get3A_247 : vector<16xi32>
        %jit3A_311 = arith.constant 0.000000e+00 : f32
        %broadcast_in_dim3A_312 = vector.broadcast %jit3A_311 : f32 to vector<16xf32>
        %select_n3A_313 = arith.select %eq3A_310, %gather3A_309, %broadcast_in_dim3A_312 : vector<16xi1>, vector<16xf32>
        %add3A_314 = arith.addf %add3A_303, %select_n3A_313 : vector<16xf32>
        %broadcast_in_dim3A_315 = vector.shape_cast %and3A_87 : vector<16xi32> to vector<16x1xi32>
        %gather3A_316 = vector.shape_cast %broadcast_in_dim3A_315 : vector<16x1xi32> to vector<16xi32>
        %gather3A_317 = tpu.dynamic_gather %get3A_247[%gather3A_316] in [0] : vector<16xi32>, vector<16xi32> -> vector<16xi32>
        %broadcast_in_dim3A_318 = vector.shape_cast %and3A_87 : vector<16xi32> to vector<16x1xi32>
        %gather3A_319 = vector.shape_cast %broadcast_in_dim3A_318 : vector<16x1xi32> to vector<16xi32>
        %gather3A_320 = tpu.dynamic_gather %get3A_251[%gather3A_319] in [0] : vector<16xf32>, vector<16xi32> -> vector<16xf32>
        %eq3A_321 = arith.cmpi eq, %gather3A_317, %get3A_247 : vector<16xi32>
        %jit3A_322 = arith.constant 0.000000e+00 : f32
        %broadcast_in_dim3A_323 = vector.broadcast %jit3A_322 : f32 to vector<16xf32>
        %select_n3A_324 = arith.select %eq3A_321, %gather3A_320, %broadcast_in_dim3A_323 : vector<16xi1>, vector<16xf32>
        %add3A_325 = arith.addf %add3A_314, %select_n3A_324 : vector<16xf32>
        %broadcast_in_dim3A_326 = vector.shape_cast %and3A_93 : vector<16xi32> to vector<16x1xi32>
        %gather3A_327 = vector.shape_cast %broadcast_in_dim3A_326 : vector<16x1xi32> to vector<16xi32>
        %gather3A_328 = tpu.dynamic_gather %get3A_247[%gather3A_327] in [0] : vector<16xi32>, vector<16xi32> -> vector<16xi32>
        %broadcast_in_dim3A_329 = vector.shape_cast %and3A_93 : vector<16xi32> to vector<16x1xi32>
        %gather3A_330 = vector.shape_cast %broadcast_in_dim3A_329 : vector<16x1xi32> to vector<16xi32>
        %gather3A_331 = tpu.dynamic_gather %get3A_251[%gather3A_330] in [0] : vector<16xf32>, vector<16xi32> -> vector<16xf32>
        %eq3A_332 = arith.cmpi eq, %gather3A_328, %get3A_247 : vector<16xi32>
        %jit3A_333 = arith.constant 0.000000e+00 : f32
        %broadcast_in_dim3A_334 = vector.broadcast %jit3A_333 : f32 to vector<16xf32>
        %select_n3A_335 = arith.select %eq3A_332, %gather3A_331, %broadcast_in_dim3A_334 : vector<16xi1>, vector<16xf32>
        %add3A_336 = arith.addf %add3A_325, %select_n3A_335 : vector<16xf32>
        %broadcast_in_dim3A_337 = vector.shape_cast %and3A_99 : vector<16xi32> to vector<16x1xi32>
        %gather3A_338 = vector.shape_cast %broadcast_in_dim3A_337 : vector<16x1xi32> to vector<16xi32>
        %gather3A_339 = tpu.dynamic_gather %get3A_247[%gather3A_338] in [0] : vector<16xi32>, vector<16xi32> -> vector<16xi32>
        %broadcast_in_dim3A_340 = vector.shape_cast %and3A_99 : vector<16xi32> to vector<16x1xi32>
        %gather3A_341 = vector.shape_cast %broadcast_in_dim3A_340 : vector<16x1xi32> to vector<16xi32>
        %gather3A_342 = tpu.dynamic_gather %get3A_251[%gather3A_341] in [0] : vector<16xf32>, vector<16xi32> -> vector<16xf32>
        %eq3A_343 = arith.cmpi eq, %gather3A_339, %get3A_247 : vector<16xi32>
        %jit3A_344 = arith.constant 0.000000e+00 : f32
        %broadcast_in_dim3A_345 = vector.broadcast %jit3A_344 : f32 to vector<16xf32>
        %select_n3A_346 = arith.select %eq3A_343, %gather3A_342, %broadcast_in_dim3A_345 : vector<16xi1>, vector<16xf32>
        %add3A_347 = arith.addf %add3A_336, %select_n3A_346 : vector<16xf32>
        %broadcast_in_dim3A_348 = vector.shape_cast %and3A_105 : vector<16xi32> to vector<16x1xi32>
        %gather3A_349 = vector.shape_cast %broadcast_in_dim3A_348 : vector<16x1xi32> to vector<16xi32>
        %gather3A_350 = tpu.dynamic_gather %get3A_247[%gather3A_349] in [0] : vector<16xi32>, vector<16xi32> -> vector<16xi32>
        %broadcast_in_dim3A_351 = vector.shape_cast %and3A_105 : vector<16xi32> to vector<16x1xi32>
        %gather3A_352 = vector.shape_cast %broadcast_in_dim3A_351 : vector<16x1xi32> to vector<16xi32>
        %gather3A_353 = tpu.dynamic_gather %get3A_251[%gather3A_352] in [0] : vector<16xf32>, vector<16xi32> -> vector<16xf32>
        %eq3A_354 = arith.cmpi eq, %gather3A_350, %get3A_247 : vector<16xi32>
        %jit3A_355 = arith.constant 0.000000e+00 : f32
        %broadcast_in_dim3A_356 = vector.broadcast %jit3A_355 : f32 to vector<16xf32>
        %select_n3A_357 = arith.select %eq3A_354, %gather3A_353, %broadcast_in_dim3A_356 : vector<16xi1>, vector<16xf32>
        %add3A_358 = arith.addf %add3A_347, %select_n3A_357 : vector<16xf32>
        %broadcast_in_dim3A_359 = vector.shape_cast %and3A_111 : vector<16xi32> to vector<16x1xi32>
        %gather3A_360 = vector.shape_cast %broadcast_in_dim3A_359 : vector<16x1xi32> to vector<16xi32>
        %gather3A_361 = tpu.dynamic_gather %get3A_247[%gather3A_360] in [0] : vector<16xi32>, vector<16xi32> -> vector<16xi32>
        %broadcast_in_dim3A_362 = vector.shape_cast %and3A_111 : vector<16xi32> to vector<16x1xi32>
        %gather3A_363 = vector.shape_cast %broadcast_in_dim3A_362 : vector<16x1xi32> to vector<16xi32>
        %gather3A_364 = tpu.dynamic_gather %get3A_251[%gather3A_363] in [0] : vector<16xf32>, vector<16xi32> -> vector<16xf32>
        %eq3A_365 = arith.cmpi eq, %gather3A_361, %get3A_247 : vector<16xi32>
        %jit3A_366 = arith.constant 0.000000e+00 : f32
        %broadcast_in_dim3A_367 = vector.broadcast %jit3A_366 : f32 to vector<16xf32>
        %select_n3A_368 = arith.select %eq3A_365, %gather3A_364, %broadcast_in_dim3A_367 : vector<16xi1>, vector<16xf32>
        %add3A_369 = arith.addf %add3A_358, %select_n3A_368 : vector<16xf32>
        %broadcast_in_dim3A_370 = vector.shape_cast %and3A_117 : vector<16xi32> to vector<16x1xi32>
        %gather3A_371 = vector.shape_cast %broadcast_in_dim3A_370 : vector<16x1xi32> to vector<16xi32>
        %gather3A_372 = tpu.dynamic_gather %get3A_247[%gather3A_371] in [0] : vector<16xi32>, vector<16xi32> -> vector<16xi32>
        %broadcast_in_dim3A_373 = vector.shape_cast %and3A_117 : vector<16xi32> to vector<16x1xi32>
        %gather3A_374 = vector.shape_cast %broadcast_in_dim3A_373 : vector<16x1xi32> to vector<16xi32>
        %gather3A_375 = tpu.dynamic_gather %get3A_251[%gather3A_374] in [0] : vector<16xf32>, vector<16xi32> -> vector<16xf32>
        %eq3A_376 = arith.cmpi eq, %gather3A_372, %get3A_247 : vector<16xi32>
        %jit3A_377 = arith.constant 0.000000e+00 : f32
        %broadcast_in_dim3A_378 = vector.broadcast %jit3A_377 : f32 to vector<16xf32>
        %select_n3A_379 = arith.select %eq3A_376, %gather3A_375, %broadcast_in_dim3A_378 : vector<16xi1>, vector<16xf32>
        %add3A_380 = arith.addf %add3A_369, %select_n3A_379 : vector<16xf32>
        %broadcast_in_dim3A_381 = vector.shape_cast %and3A_123 : vector<16xi32> to vector<16x1xi32>
        %gather3A_382 = vector.shape_cast %broadcast_in_dim3A_381 : vector<16x1xi32> to vector<16xi32>
        %gather3A_383 = tpu.dynamic_gather %get3A_247[%gather3A_382] in [0] : vector<16xi32>, vector<16xi32> -> vector<16xi32>
        %broadcast_in_dim3A_384 = vector.shape_cast %and3A_123 : vector<16xi32> to vector<16x1xi32>
        %gather3A_385 = vector.shape_cast %broadcast_in_dim3A_384 : vector<16x1xi32> to vector<16xi32>
        %gather3A_386 = tpu.dynamic_gather %get3A_251[%gather3A_385] in [0] : vector<16xf32>, vector<16xi32> -> vector<16xf32>
        %eq3A_387 = arith.cmpi eq, %gather3A_383, %get3A_247 : vector<16xi32>
        %jit3A_388 = arith.constant 0.000000e+00 : f32
        %broadcast_in_dim3A_389 = vector.broadcast %jit3A_388 : f32 to vector<16xf32>
        %select_n3A_390 = arith.select %eq3A_387, %gather3A_386, %broadcast_in_dim3A_389 : vector<16xi1>, vector<16xf32>
        %add3A_391 = arith.addf %add3A_380, %select_n3A_390 : vector<16xf32>
        %broadcast_in_dim3A_392 = vector.shape_cast %and3A_129 : vector<16xi32> to vector<16x1xi32>
        %gather3A_393 = vector.shape_cast %broadcast_in_dim3A_392 : vector<16x1xi32> to vector<16xi32>
        %gather3A_394 = tpu.dynamic_gather %get3A_247[%gather3A_393] in [0] : vector<16xi32>, vector<16xi32> -> vector<16xi32>
        %broadcast_in_dim3A_395 = vector.shape_cast %and3A_129 : vector<16xi32> to vector<16x1xi32>
        %gather3A_396 = vector.shape_cast %broadcast_in_dim3A_395 : vector<16x1xi32> to vector<16xi32>
        %gather3A_397 = tpu.dynamic_gather %get3A_251[%gather3A_396] in [0] : vector<16xf32>, vector<16xi32> -> vector<16xf32>
        %eq3A_398 = arith.cmpi eq, %gather3A_394, %get3A_247 : vector<16xi32>
        %jit3A_399 = arith.constant 0.000000e+00 : f32
        %broadcast_in_dim3A_400 = vector.broadcast %jit3A_399 : f32 to vector<16xf32>
        %select_n3A_401 = arith.select %eq3A_398, %gather3A_397, %broadcast_in_dim3A_400 : vector<16xi1>, vector<16xf32>
        %add3A_402 = arith.addf %add3A_391, %select_n3A_401 : vector<16xf32>
        %broadcast_in_dim3A_403 = vector.shape_cast %and3A_135 : vector<16xi32> to vector<16x1xi32>
        %gather3A_404 = vector.shape_cast %broadcast_in_dim3A_403 : vector<16x1xi32> to vector<16xi32>
        %gather3A_405 = tpu.dynamic_gather %get3A_247[%gather3A_404] in [0] : vector<16xi32>, vector<16xi32> -> vector<16xi32>
        %broadcast_in_dim3A_406 = vector.shape_cast %and3A_135 : vector<16xi32> to vector<16x1xi32>
        %gather3A_407 = vector.shape_cast %broadcast_in_dim3A_406 : vector<16x1xi32> to vector<16xi32>
        %gather3A_408 = tpu.dynamic_gather %get3A_251[%gather3A_407] in [0] : vector<16xf32>, vector<16xi32> -> vector<16xf32>
        %eq3A_409 = arith.cmpi eq, %gather3A_405, %get3A_247 : vector<16xi32>
        %jit3A_410 = arith.constant 0.000000e+00 : f32
        %broadcast_in_dim3A_411 = vector.broadcast %jit3A_410 : f32 to vector<16xf32>
        %select_n3A_412 = arith.select %eq3A_409, %gather3A_408, %broadcast_in_dim3A_411 : vector<16xi1>, vector<16xf32>
        %add3A_413 = arith.addf %add3A_402, %select_n3A_412 : vector<16xf32>
        %gather3A_414 = tpu.vector_load_idx %arg20[%get3A_247] : memref<10240xf32, #tpu.memory_space<vmem>>[vector<16xi32>], vector<16xf32>,
        %add3A_415 = arith.addf %gather3A_414, %add3A_413 : vector<16xf32>
        tpu.vector_store_idx %arg20[%get3A_247], %add3A_415 : memref<10240xf32, #tpu.memory_space<vmem>>[vector<16xi32>], vector<16xf32>,
      }
      %scan3A_205 = arith.constant 4 : i32
      %lt3A = arith.constant 80 : i32
      %lt3A_206 = arith.cmpi slt, %scan3A_182, %lt3A : i32
      %convert_element_type3A_207 = arith.extui %lt3A_206 : i1 to i32
      %cond3A_208 = arith.constant 0 : i32
      %cond3A_209 = arith.cmpi ne, %convert_element_type3A_207, %cond3A_208 : i32
      scf.if %cond3A_209 {
        %add3A_240 = arith.constant 1 : i32
        %add3A_241 = arith.addi %scan3A_182, %add3A_240 : i32
        %rem3A_242 = arith.constant 9 : i32
        %rem3A_243 = arith.remsi %add3A_241, %rem3A_242 : i32
        %eq3A_244 = arith.constant 0 : i32
        %eq3A_245 = arith.cmpi eq, %rem3A_243, %eq3A_244 : i32
        %convert_element_type3A_246 = arith.extui %eq3A_245 : i1 to i32
        %cond3A_247 = arith.constant 0 : i32
        %cond3A_248 = arith.cmpi ne, %convert_element_type3A_246, %cond3A_247 : i32
        scf.if %cond3A_248 {
          %add3A_261 = arith.constant 0 : i32
          %add3A_262 = arith.addi %add3A_261, %add3A_241 : i32
          %mul3A_263 = arith.constant 64 : i32
          %mul3A_264 = arith.muli %add3A_262, %mul3A_263 : i32
          %add3A_265 = arith.addi %mul3A_137, %mul3A_264 : i32
          "tpu.region"() ({
            %run_scoped3A = tpu.sem_alloc : memref<!tpu.dma_semaphore, #tpu.memory_space<semaphore_mem>>
            %dma_start3A_266 = tpu.memref_slice %arg4[%add3A_265] : memref<331904xi32, #tpu.memory_space<hbm>> -> memref<576xi32, #tpu.memory_space<hbm>>
            %dma_start3A_267 = tpu.memref_slice %arg4[%add3A_265] : memref<331904xi32, #tpu.memory_space<hbm>> -> memref<576xi32, #tpu.memory_space<hbm>>
            tpu.enqueue_dma source(%dma_start3A_267 : memref<576xi32, #tpu.memory_space<hbm>>) target(%arg9 : memref<576xi32, #tpu.memory_space<vmem>>) target_semaphore(%run_scoped3A : memref<!tpu.dma_semaphore, #tpu.memory_space<semaphore_mem>>)
            %dma_wait3A_268 = tpu.memref_slice %arg4[%add3A_265] : memref<331904xi32, #tpu.memory_space<hbm>> -> memref<576xi32, #tpu.memory_space<hbm>>
            %dma_wait3A_269 = tpu.memref_slice %arg4[%add3A_265] : memref<331904xi32, #tpu.memory_space<hbm>> -> memref<576xi32, #tpu.memory_space<hbm>>
            tpu.wait_dma2 semaphore(%run_scoped3A : memref<!tpu.dma_semaphore, #tpu.memory_space<semaphore_mem>>) src(%dma_wait3A_269 : memref<576xi32, #tpu.memory_space<hbm>>) dst(%arg9 : memref<576xi32, #tpu.memory_space<vmem>>)
            tpu.yield
          }) : () -> ()
          "tpu.region"() ({
            %run_scoped3A = tpu.sem_alloc : memref<!tpu.dma_semaphore, #tpu.memory_space<semaphore_mem>>
            %dma_start3A_266 = tpu.memref_slice %arg5[%add3A_265] : memref<331904xi32, #tpu.memory_space<hbm>> -> memref<576xi32, #tpu.memory_space<hbm>>
            %dma_start3A_267 = tpu.memref_slice %arg5[%add3A_265] : memref<331904xi32, #tpu.memory_space<hbm>> -> memref<576xi32, #tpu.memory_space<hbm>>
            tpu.enqueue_dma source(%dma_start3A_267 : memref<576xi32, #tpu.memory_space<hbm>>) target(%arg10 : memref<576xi32, #tpu.memory_space<vmem>>) target_semaphore(%run_scoped3A : memref<!tpu.dma_semaphore, #tpu.memory_space<semaphore_mem>>)
            %dma_wait3A_268 = tpu.memref_slice %arg5[%add3A_265] : memref<331904xi32, #tpu.memory_space<hbm>> -> memref<576xi32, #tpu.memory_space<hbm>>
            %dma_wait3A_269 = tpu.memref_slice %arg5[%add3A_265] : memref<331904xi32, #tpu.memory_space<hbm>> -> memref<576xi32, #tpu.memory_space<hbm>>
            tpu.wait_dma2 semaphore(%run_scoped3A : memref<!tpu.dma_semaphore, #tpu.memory_space<semaphore_mem>>) src(%dma_wait3A_269 : memref<576xi32, #tpu.memory_space<hbm>>) dst(%arg10 : memref<576xi32, #tpu.memory_space<vmem>>)
            tpu.yield
          }) : () -> ()
        } else {
        }
        %mul3A_249 = arith.constant 64 : i32
        %mul3A_250 = arith.muli %rem3A_243, %mul3A_249 : i32
        %dma_start3A_251 = tpu.memref_slice %arg9[%mul3A_250] : memref<576xi32, #tpu.memory_space<vmem>> -> memref<64xi32, #tpu.memory_space<vmem>>
        %dma_start3A_252 = arith.constant 0 : i32
        %dma_start3A_253 = arith.constant 0 : i32
        %dma_start3A_254 = tpu.memref_slice %arg2[%dma_start3A_252, %dma_start3A_253] : memref<10000x128xf32, #tpu.memory_space<hbm>> -> memref<10000x128xf32, #tpu.memory_space<hbm>>
        tpu.enqueue_indirect_dma source(%dma_start3A_254 : memref<10000x128xf32, #tpu.memory_space<hbm>>) target(%arg11 : memref<64x128xf32, #tpu.memory_space<vmem>>) offsets(%dma_start3A_251 : memref<64xi32, #tpu.memory_space<vmem>>) semaphore(%arg22 : memref<!tpu.dma_semaphore, #tpu.memory_space<semaphore_mem>>)
        %mul3A_255 = arith.constant 64 : i32
        %mul3A_256 = arith.muli %rem3A_243, %mul3A_255 : i32
        %dma_start3A_257 = tpu.memref_slice %arg10[%mul3A_256] : memref<576xi32, #tpu.memory_space<vmem>> -> memref<64xi32, #tpu.memory_space<vmem>>
        %dma_start3A_258 = arith.constant 0 : i32
        %dma_start3A_259 = arith.constant 0 : i32
        %dma_start3A_260 = tpu.memref_slice %arg3[%dma_start3A_258, %dma_start3A_259] : memref<10240x128xf32, #tpu.memory_space<hbm>> -> memref<10240x128xf32, #tpu.memory_space<hbm>>
        tpu.enqueue_indirect_dma source(%dma_start3A_260 : memref<10240x128xf32, #tpu.memory_space<hbm>>) target(%arg12 : memref<64x128xf32, #tpu.memory_space<vmem>>) offsets(%dma_start3A_257 : memref<64xi32, #tpu.memory_space<vmem>>) semaphore(%arg23 : memref<!tpu.dma_semaphore, #tpu.memory_space<semaphore_mem>>)
      } else {
      }
      %rem3A_210 = arith.constant 9 : i32
      %rem3A_211 = arith.remsi %scan3A_182, %rem3A_210 : i32
      %mul3A_212 = arith.constant 64 : i32
      %mul3A_213 = arith.muli %rem3A_211, %mul3A_212 : i32
      %dma_wait3A_214 = tpu.memref_slice %arg13[%mul3A_213] : memref<576xi32, #tpu.memory_space<vmem>> -> memref<64xi32, #tpu.memory_space<vmem>>
      %dma_wait3A_215 = arith.constant 0 : i32
      %dma_wait3A_216 = arith.constant 0 : i32
      %dma_wait3A_217 = tpu.memref_slice %arg2[%dma_wait3A_215, %dma_wait3A_216] : memref<10000x128xf32, #tpu.memory_space<hbm>> -> memref<10000x128xf32, #tpu.memory_space<hbm>>
      tpu.wait_indirect_dma semaphore(%arg24 : memref<!tpu.dma_semaphore, #tpu.memory_space<semaphore_mem>>) src(%dma_wait3A_217 : memref<10000x128xf32, #tpu.memory_space<hbm>>) dst(%arg15 : memref<64x128xf32, #tpu.memory_space<vmem>>)
      %mul3A_218 = arith.constant 64 : i32
      %mul3A_219 = arith.muli %rem3A_211, %mul3A_218 : i32
      %dma_wait3A_220 = tpu.memref_slice %arg14[%mul3A_219] : memref<576xi32, #tpu.memory_space<vmem>> -> memref<64xi32, #tpu.memory_space<vmem>>
      %dma_wait3A_221 = arith.constant 0 : i32
      %dma_wait3A_222 = arith.constant 0 : i32
      %dma_wait3A_223 = tpu.memref_slice %arg3[%dma_wait3A_221, %dma_wait3A_222] : memref<10240x128xf32, #tpu.memory_space<hbm>> -> memref<10240x128xf32, #tpu.memory_space<hbm>>
      tpu.wait_indirect_dma semaphore(%arg25 : memref<!tpu.dma_semaphore, #tpu.memory_space<semaphore_mem>>) src(%dma_wait3A_223 : memref<10240x128xf32, #tpu.memory_space<hbm>>) dst(%arg16 : memref<64x128xf32, #tpu.memory_space<vmem>>)
      %parallel_loop3A_224 = arith.constant 0 : i32
      %parallel_loop3A_225 = arith.constant 64 : i32
      %parallel_loop3A_226 = arith.constant 1 : i32
      scf.for %parallel_loop3A_240 = %parallel_loop3A_224 to %parallel_loop3A_225 step %parallel_loop3A_226  : i32 {
        %parallel_loop3A_241 = arith.index_cast %parallel_loop3A_240 : i32 to index
        %parallel_loop3A_242 = arith.constant 0 : index
        %parallel_loop3A_243 = tpu.vector_load %arg15[%parallel_loop3A_241, %parallel_loop3A_242] {strides = array<i32>} : memref<64x128xf32, #tpu.memory_space<vmem>>, vector<16xf32>,
        %parallel_loop3A_244 = arith.index_cast %parallel_loop3A_240 : i32 to index
        %parallel_loop3A_245 = arith.constant 16 : index
        %parallel_loop3A_246 = tpu.vector_load %arg15[%parallel_loop3A_244, %parallel_loop3A_245] {strides = array<i32>} : memref<64x128xf32, #tpu.memory_space<vmem>>, vector<16xf32>,
        %parallel_loop3A_247 = arith.index_cast %parallel_loop3A_240 : i32 to index
        %parallel_loop3A_248 = arith.constant 32 : index
        %parallel_loop3A_249 = tpu.vector_load %arg15[%parallel_loop3A_247, %parallel_loop3A_248] {strides = array<i32>} : memref<64x128xf32, #tpu.memory_space<vmem>>, vector<16xf32>,
        %parallel_loop3A_250 = arith.index_cast %parallel_loop3A_240 : i32 to index
        %parallel_loop3A_251 = arith.constant 48 : index
        %parallel_loop3A_252 = tpu.vector_load %arg15[%parallel_loop3A_250, %parallel_loop3A_251] {strides = array<i32>} : memref<64x128xf32, #tpu.memory_space<vmem>>, vector<16xf32>,
        %parallel_loop3A_253 = arith.index_cast %parallel_loop3A_240 : i32 to index
        %parallel_loop3A_254 = arith.constant 64 : index
        %parallel_loop3A_255 = tpu.vector_load %arg15[%parallel_loop3A_253, %parallel_loop3A_254] {strides = array<i32>} : memref<64x128xf32, #tpu.memory_space<vmem>>, vector<16xf32>,
        %parallel_loop3A_256 = arith.index_cast %parallel_loop3A_240 : i32 to index
        %parallel_loop3A_257 = arith.constant 80 : index
        %parallel_loop3A_258 = tpu.vector_load %arg15[%parallel_loop3A_256, %parallel_loop3A_257] {strides = array<i32>} : memref<64x128xf32, #tpu.memory_space<vmem>>, vector<16xf32>,
        %parallel_loop3A_259 = arith.index_cast %parallel_loop3A_240 : i32 to index
        %parallel_loop3A_260 = arith.constant 96 : index
        %parallel_loop3A_261 = tpu.vector_load %arg15[%parallel_loop3A_259, %parallel_loop3A_260] {strides = array<i32>} : memref<64x128xf32, #tpu.memory_space<vmem>>, vector<16xf32>,
        %parallel_loop3A_262 = arith.index_cast %parallel_loop3A_240 : i32 to index
        %parallel_loop3A_263 = arith.constant 112 : index
        %parallel_loop3A_264 = tpu.vector_load %arg15[%parallel_loop3A_262, %parallel_loop3A_263] {strides = array<i32>} : memref<64x128xf32, #tpu.memory_space<vmem>>, vector<16xf32>,
        %parallel_loop3A_265 = arith.index_cast %parallel_loop3A_240 : i32 to index
        %parallel_loop3A_266 = arith.constant 0 : index
        %parallel_loop3A_267 = tpu.vector_load %arg16[%parallel_loop3A_265, %parallel_loop3A_266] {strides = array<i32>} : memref<64x128xf32, #tpu.memory_space<vmem>>, vector<16xf32>,
        %parallel_loop3A_268 = arith.addf %parallel_loop3A_243, %parallel_loop3A_267 : vector<16xf32>
        %parallel_loop3A_269 = arith.constant 0.000000e+00 : f32
        %parallel_loop3A_270 = vector.broadcast %parallel_loop3A_269 : f32 to vector<16xf32>
        %parallel_loop3A_271 = arith.cmpf ogt, %parallel_loop3A_268, %parallel_loop3A_270 : vector<16xf32>
        %parallel_loop3A_272 = arith.constant 2.000000e-01 : f32
        %parallel_loop3A_273 = vector.broadcast %parallel_loop3A_272 : f32 to vector<16xf32>
        %parallel_loop3A_274 = arith.mulf %parallel_loop3A_273, %parallel_loop3A_268 : vector<16xf32>
        %parallel_loop3A_275 = arith.select %parallel_loop3A_271, %parallel_loop3A_268, %parallel_loop3A_274 : vector<16xi1>, vector<16xf32>
        %parallel_loop3A_276 = arith.mulf %parallel_loop3A_275, %get3A_21 : vector<16xf32>
        %parallel_loop3A_277 = arith.addf %broadcast_in_dim3A_1, %parallel_loop3A_276 : vector<16xf32>
        %parallel_loop3A_278 = arith.index_cast %parallel_loop3A_240 : i32 to index
        %parallel_loop3A_279 = arith.constant 16 : index
        %parallel_loop3A_280 = tpu.vector_load %arg16[%parallel_loop3A_278, %parallel_loop3A_279] {strides = array<i32>} : memref<64x128xf32, #tpu.memory_space<vmem>>, vector<16xf32>,
        %parallel_loop3A_281 = arith.addf %parallel_loop3A_246, %parallel_loop3A_280 : vector<16xf32>
        %parallel_loop3A_282 = arith.constant 0.000000e+00 : f32
        %parallel_loop3A_283 = vector.broadcast %parallel_loop3A_282 : f32 to vector<16xf32>
        %parallel_loop3A_284 = arith.cmpf ogt, %parallel_loop3A_281, %parallel_loop3A_283 : vector<16xf32>
        %parallel_loop3A_285 = arith.constant 2.000000e-01 : f32
        %parallel_loop3A_286 = vector.broadcast %parallel_loop3A_285 : f32 to vector<16xf32>
        %parallel_loop3A_287 = arith.mulf %parallel_loop3A_286, %parallel_loop3A_281 : vector<16xf32>
        %parallel_loop3A_288 = arith.select %parallel_loop3A_284, %parallel_loop3A_281, %parallel_loop3A_287 : vector<16xi1>, vector<16xf32>
        %parallel_loop3A_289 = arith.mulf %parallel_loop3A_288, %get3A_23 : vector<16xf32>
        %parallel_loop3A_290 = arith.addf %parallel_loop3A_277, %parallel_loop3A_289 : vector<16xf32>
        %parallel_loop3A_291 = arith.index_cast %parallel_loop3A_240 : i32 to index
        %parallel_loop3A_292 = arith.constant 32 : index
        %parallel_loop3A_293 = tpu.vector_load %arg16[%parallel_loop3A_291, %parallel_loop3A_292] {strides = array<i32>} : memref<64x128xf32, #tpu.memory_space<vmem>>, vector<16xf32>,
        %parallel_loop3A_294 = arith.addf %parallel_loop3A_249, %parallel_loop3A_293 : vector<16xf32>
        %parallel_loop3A_295 = arith.constant 0.000000e+00 : f32
        %parallel_loop3A_296 = vector.broadcast %parallel_loop3A_295 : f32 to vector<16xf32>
        %parallel_loop3A_297 = arith.cmpf ogt, %parallel_loop3A_294, %parallel_loop3A_296 : vector<16xf32>
        %parallel_loop3A_298 = arith.constant 2.000000e-01 : f32
        %parallel_loop3A_299 = vector.broadcast %parallel_loop3A_298 : f32 to vector<16xf32>
        %parallel_loop3A_300 = arith.mulf %parallel_loop3A_299, %parallel_loop3A_294 : vector<16xf32>
        %parallel_loop3A_301 = arith.select %parallel_loop3A_297, %parallel_loop3A_294, %parallel_loop3A_300 : vector<16xi1>, vector<16xf32>
        %parallel_loop3A_302 = arith.mulf %parallel_loop3A_301, %get3A_25 : vector<16xf32>
        %parallel_loop3A_303 = arith.addf %parallel_loop3A_290, %parallel_loop3A_302 : vector<16xf32>
        %parallel_loop3A_304 = arith.index_cast %parallel_loop3A_240 : i32 to index
        %parallel_loop3A_305 = arith.constant 48 : index
        %parallel_loop3A_306 = tpu.vector_load %arg16[%parallel_loop3A_304, %parallel_loop3A_305] {strides = array<i32>} : memref<64x128xf32, #tpu.memory_space<vmem>>, vector<16xf32>,
        %parallel_loop3A_307 = arith.addf %parallel_loop3A_252, %parallel_loop3A_306 : vector<16xf32>
        %parallel_loop3A_308 = arith.constant 0.000000e+00 : f32
        %parallel_loop3A_309 = vector.broadcast %parallel_loop3A_308 : f32 to vector<16xf32>
        %parallel_loop3A_310 = arith.cmpf ogt, %parallel_loop3A_307, %parallel_loop3A_309 : vector<16xf32>
        %parallel_loop3A_311 = arith.constant 2.000000e-01 : f32
        %parallel_loop3A_312 = vector.broadcast %parallel_loop3A_311 : f32 to vector<16xf32>
        %parallel_loop3A_313 = arith.mulf %parallel_loop3A_312, %parallel_loop3A_307 : vector<16xf32>
        %parallel_loop3A_314 = arith.select %parallel_loop3A_310, %parallel_loop3A_307, %parallel_loop3A_313 : vector<16xi1>, vector<16xf32>
        %parallel_loop3A_315 = arith.mulf %parallel_loop3A_314, %get3A_27 : vector<16xf32>
        %parallel_loop3A_316 = arith.addf %parallel_loop3A_303, %parallel_loop3A_315 : vector<16xf32>
        %parallel_loop3A_317 = arith.index_cast %parallel_loop3A_240 : i32 to index
        %parallel_loop3A_318 = arith.constant 64 : index
        %parallel_loop3A_319 = tpu.vector_load %arg16[%parallel_loop3A_317, %parallel_loop3A_318] {strides = array<i32>} : memref<64x128xf32, #tpu.memory_space<vmem>>, vector<16xf32>,
        %parallel_loop3A_320 = arith.addf %parallel_loop3A_255, %parallel_loop3A_319 : vector<16xf32>
        %parallel_loop3A_321 = arith.constant 0.000000e+00 : f32
        %parallel_loop3A_322 = vector.broadcast %parallel_loop3A_321 : f32 to vector<16xf32>
        %parallel_loop3A_323 = arith.cmpf ogt, %parallel_loop3A_320, %parallel_loop3A_322 : vector<16xf32>
        %parallel_loop3A_324 = arith.constant 2.000000e-01 : f32
        %parallel_loop3A_325 = vector.broadcast %parallel_loop3A_324 : f32 to vector<16xf32>
        %parallel_loop3A_326 = arith.mulf %parallel_loop3A_325, %parallel_loop3A_320 : vector<16xf32>
        %parallel_loop3A_327 = arith.select %parallel_loop3A_323, %parallel_loop3A_320, %parallel_loop3A_326 : vector<16xi1>, vector<16xf32>
        %parallel_loop3A_328 = arith.mulf %parallel_loop3A_327, %get3A_29 : vector<16xf32>
        %parallel_loop3A_329 = arith.addf %parallel_loop3A_316, %parallel_loop3A_328 : vector<16xf32>
        %parallel_loop3A_330 = arith.index_cast %parallel_loop3A_240 : i32 to index
        %parallel_loop3A_331 = arith.constant 80 : index
        %parallel_loop3A_332 = tpu.vector_load %arg16[%parallel_loop3A_330, %parallel_loop3A_331] {strides = array<i32>} : memref<64x128xf32, #tpu.memory_space<vmem>>, vector<16xf32>,
        %parallel_loop3A_333 = arith.addf %parallel_loop3A_258, %parallel_loop3A_332 : vector<16xf32>
        %parallel_loop3A_334 = arith.constant 0.000000e+00 : f32
        %parallel_loop3A_335 = vector.broadcast %parallel_loop3A_334 : f32 to vector<16xf32>
        %parallel_loop3A_336 = arith.cmpf ogt, %parallel_loop3A_333, %parallel_loop3A_335 : vector<16xf32>
        %parallel_loop3A_337 = arith.constant 2.000000e-01 : f32
        %parallel_loop3A_338 = vector.broadcast %parallel_loop3A_337 : f32 to vector<16xf32>
        %parallel_loop3A_339 = arith.mulf %parallel_loop3A_338, %parallel_loop3A_333 : vector<16xf32>
        %parallel_loop3A_340 = arith.select %parallel_loop3A_336, %parallel_loop3A_333, %parallel_loop3A_339 : vector<16xi1>, vector<16xf32>
        %parallel_loop3A_341 = arith.mulf %parallel_loop3A_340, %get3A_31 : vector<16xf32>
        %parallel_loop3A_342 = arith.addf %parallel_loop3A_329, %parallel_loop3A_341 : vector<16xf32>
        %parallel_loop3A_343 = arith.index_cast %parallel_loop3A_240 : i32 to index
        %parallel_loop3A_344 = arith.constant 96 : index
        %parallel_loop3A_345 = tpu.vector_load %arg16[%parallel_loop3A_343, %parallel_loop3A_344] {strides = array<i32>} : memref<64x128xf32, #tpu.memory_space<vmem>>, vector<16xf32>,
        %parallel_loop3A_346 = arith.addf %parallel_loop3A_261, %parallel_loop3A_345 : vector<16xf32>
        %parallel_loop3A_347 = arith.constant 0.000000e+00 : f32
        %parallel_loop3A_348 = vector.broadcast %parallel_loop3A_347 : f32 to vector<16xf32>
        %parallel_loop3A_349 = arith.cmpf ogt, %parallel_loop3A_346, %parallel_loop3A_348 : vector<16xf32>
        %parallel_loop3A_350 = arith.constant 2.000000e-01 : f32
        %parallel_loop3A_351 = vector.broadcast %parallel_loop3A_350 : f32 to vector<16xf32>
        %parallel_loop3A_352 = arith.mulf %parallel_loop3A_351, %parallel_loop3A_346 : vector<16xf32>
        %parallel_loop3A_353 = arith.select %parallel_loop3A_349, %parallel_loop3A_346, %parallel_loop3A_352 : vector<16xi1>, vector<16xf32>
        %parallel_loop3A_354 = arith.mulf %parallel_loop3A_353, %get3A_33 : vector<16xf32>
        %parallel_loop3A_355 = arith.addf %parallel_loop3A_342, %parallel_loop3A_354 : vector<16xf32>
        %parallel_loop3A_356 = arith.index_cast %parallel_loop3A_240 : i32 to index
        %parallel_loop3A_357 = arith.constant 112 : index
        %parallel_loop3A_358 = tpu.vector_load %arg16[%parallel_loop3A_356, %parallel_loop3A_357] {strides = array<i32>} : memref<64x128xf32, #tpu.memory_space<vmem>>, vector<16xf32>,
        %parallel_loop3A_359 = arith.addf %parallel_loop3A_264, %parallel_loop3A_358 : vector<16xf32>
        %parallel_loop3A_360 = arith.constant 0.000000e+00 : f32
        %parallel_loop3A_361 = vector.broadcast %parallel_loop3A_360 : f32 to vector<16xf32>
        %parallel_loop3A_362 = arith.cmpf ogt, %parallel_loop3A_359, %parallel_loop3A_361 : vector<16xf32>
        %parallel_loop3A_363 = arith.constant 2.000000e-01 : f32
        %parallel_loop3A_364 = vector.broadcast %parallel_loop3A_363 : f32 to vector<16xf32>
        %parallel_loop3A_365 = arith.mulf %parallel_loop3A_364, %parallel_loop3A_359 : vector<16xf32>
        %parallel_loop3A_366 = arith.select %parallel_loop3A_362, %parallel_loop3A_359, %parallel_loop3A_365 : vector<16xi1>, vector<16xf32>
        %parallel_loop3A_367 = arith.mulf %parallel_loop3A_366, %get3A_35 : vector<16xf32>
        %parallel_loop3A_368 = arith.addf %parallel_loop3A_355, %parallel_loop3A_367 : vector<16xf32>
        %parallel_loop3A_369 = vector.shape_cast %xor3A_37 : vector<16xi32> to vector<16x1xi32>
        %parallel_loop3A_370 = vector.shape_cast %parallel_loop3A_369 : vector<16x1xi32> to vector<16xi32>
        %parallel_loop3A_371 = tpu.dynamic_gather %parallel_loop3A_368[%parallel_loop3A_370] in [0] : vector<16xf32>, vector<16xi32> -> vector<16xf32>
        %parallel_loop3A_372 = arith.addf %parallel_loop3A_368, %parallel_loop3A_371 : vector<16xf32>
        %parallel_loop3A_373 = vector.shape_cast %xor3A_40 : vector<16xi32> to vector<16x1xi32>
        %parallel_loop3A_374 = vector.shape_cast %parallel_loop3A_373 : vector<16x1xi32> to vector<16xi32>
        %parallel_loop3A_375 = tpu.dynamic_gather %parallel_loop3A_372[%parallel_loop3A_374] in [0] : vector<16xf32>, vector<16xi32> -> vector<16xf32>
        %parallel_loop3A_376 = arith.addf %parallel_loop3A_372, %parallel_loop3A_375 : vector<16xf32>
        %parallel_loop3A_377 = vector.shape_cast %xor3A_43 : vector<16xi32> to vector<16x1xi32>
        %parallel_loop3A_378 = vector.shape_cast %parallel_loop3A_377 : vector<16x1xi32> to vector<16xi32>
        %parallel_loop3A_379 = tpu.dynamic_gather %parallel_loop3A_376[%parallel_loop3A_378] in [0] : vector<16xf32>, vector<16xi32> -> vector<16xf32>
        %parallel_loop3A_380 = arith.addf %parallel_loop3A_376, %parallel_loop3A_379 : vector<16xf32>
        %parallel_loop3A_381 = vector.shape_cast %xor3A_46 : vector<16xi32> to vector<16x1xi32>
        %parallel_loop3A_382 = vector.shape_cast %parallel_loop3A_381 : vector<16x1xi32> to vector<16xi32>
        %parallel_loop3A_383 = tpu.dynamic_gather %parallel_loop3A_380[%parallel_loop3A_382] in [0] : vector<16xf32>, vector<16xi32> -> vector<16xf32>
        %parallel_loop3A_384 = arith.addf %parallel_loop3A_380, %parallel_loop3A_383 : vector<16xf32>
        %parallel_loop3A_385 = math.exp %parallel_loop3A_384 : vector<16xf32>
        %parallel_loop3A_386 = arith.mulf %parallel_loop3A_243, %parallel_loop3A_385 : vector<16xf32>
        %parallel_loop3A_387 = arith.index_cast %parallel_loop3A_240 : i32 to index
        %parallel_loop3A_388 = arith.constant 0 : index
        %parallel_loop3A_389 = tpu.vector_load %arg15[%parallel_loop3A_387, %parallel_loop3A_388] {strides = array<i32>} : memref<64x128xf32, #tpu.memory_space<vmem>>, vector<16xf32>,
        tpu.vector_store %arg15[%parallel_loop3A_387, %parallel_loop3A_388], %parallel_loop3A_386 {strides = array<i32>} : memref<64x128xf32, #tpu.memory_space<vmem>>, vector<16xf32>,
        %parallel_loop3A_390 = arith.mulf %parallel_loop3A_246, %parallel_loop3A_385 : vector<16xf32>
        %parallel_loop3A_391 = arith.index_cast %parallel_loop3A_240 : i32 to index
        %parallel_loop3A_392 = arith.constant 16 : index
        %parallel_loop3A_393 = tpu.vector_load %arg15[%parallel_loop3A_391, %parallel_loop3A_392] {strides = array<i32>} : memref<64x128xf32, #tpu.memory_space<vmem>>, vector<16xf32>,
        tpu.vector_store %arg15[%parallel_loop3A_391, %parallel_loop3A_392], %parallel_loop3A_390 {strides = array<i32>} : memref<64x128xf32, #tpu.memory_space<vmem>>, vector<16xf32>,
        %parallel_loop3A_394 = arith.mulf %parallel_loop3A_249, %parallel_loop3A_385 : vector<16xf32>
        %parallel_loop3A_395 = arith.index_cast %parallel_loop3A_240 : i32 to index
        %parallel_loop3A_396 = arith.constant 32 : index
        %parallel_loop3A_397 = tpu.vector_load %arg15[%parallel_loop3A_395, %parallel_loop3A_396] {strides = array<i32>} : memref<64x128xf32, #tpu.memory_space<vmem>>, vector<16xf32>,
        tpu.vector_store %arg15[%parallel_loop3A_395, %parallel_loop3A_396], %parallel_loop3A_394 {strides = array<i32>} : memref<64x128xf32, #tpu.memory_space<vmem>>, vector<16xf32>,
        %parallel_loop3A_398 = arith.mulf %parallel_loop3A_252, %parallel_loop3A_385 : vector<16xf32>
        %parallel_loop3A_399 = arith.index_cast %parallel_loop3A_240 : i32 to index
        %parallel_loop3A_400 = arith.constant 48 : index
        %parallel_loop3A_401 = tpu.vector_load %arg15[%parallel_loop3A_399, %parallel_loop3A_400] {strides = array<i32>} : memref<64x128xf32, #tpu.memory_space<vmem>>, vector<16xf32>,
        tpu.vector_store %arg15[%parallel_loop3A_399, %parallel_loop3A_400], %parallel_loop3A_398 {strides = array<i32>} : memref<64x128xf32, #tpu.memory_space<vmem>>, vector<16xf32>,
        %parallel_loop3A_402 = arith.mulf %parallel_loop3A_255, %parallel_loop3A_385 : vector<16xf32>
        %parallel_loop3A_403 = arith.index_cast %parallel_loop3A_240 : i32 to index
        %parallel_loop3A_404 = arith.constant 64 : index
        %parallel_loop3A_405 = tpu.vector_load %arg15[%parallel_loop3A_403, %parallel_loop3A_404] {strides = array<i32>} : memref<64x128xf32, #tpu.memory_space<vmem>>, vector<16xf32>,
        tpu.vector_store %arg15[%parallel_loop3A_403, %parallel_loop3A_404], %parallel_loop3A_402 {strides = array<i32>} : memref<64x128xf32, #tpu.memory_space<vmem>>, vector<16xf32>,
        %parallel_loop3A_406 = arith.mulf %parallel_loop3A_258, %parallel_loop3A_385 : vector<16xf32>
        %parallel_loop3A_407 = arith.index_cast %parallel_loop3A_240 : i32 to index
        %parallel_loop3A_408 = arith.constant 80 : index
        %parallel_loop3A_409 = tpu.vector_load %arg15[%parallel_loop3A_407, %parallel_loop3A_408] {strides = array<i32>} : memref<64x128xf32, #tpu.memory_space<vmem>>, vector<16xf32>,
        tpu.vector_store %arg15[%parallel_loop3A_407, %parallel_loop3A_408], %parallel_loop3A_406 {strides = array<i32>} : memref<64x128xf32, #tpu.memory_space<vmem>>, vector<16xf32>,
        %parallel_loop3A_410 = arith.mulf %parallel_loop3A_261, %parallel_loop3A_385 : vector<16xf32>
        %parallel_loop3A_411 = arith.index_cast %parallel_loop3A_240 : i32 to index
        %parallel_loop3A_412 = arith.constant 96 : index
        %parallel_loop3A_413 = tpu.vector_load %arg15[%parallel_loop3A_411, %parallel_loop3A_412] {strides = array<i32>} : memref<64x128xf32, #tpu.memory_space<vmem>>, vector<16xf32>,
        tpu.vector_store %arg15[%parallel_loop3A_411, %parallel_loop3A_412], %parallel_loop3A_410 {strides = array<i32>} : memref<64x128xf32, #tpu.memory_space<vmem>>, vector<16xf32>,
        %parallel_loop3A_414 = arith.mulf %parallel_loop3A_264, %parallel_loop3A_385 : vector<16xf32>
        %parallel_loop3A_415 = arith.index_cast %parallel_loop3A_240 : i32 to index
        %parallel_loop3A_416 = arith.constant 112 : index
        %parallel_loop3A_417 = tpu.vector_load %arg15[%parallel_loop3A_415, %parallel_loop3A_416] {strides = array<i32>} : memref<64x128xf32, #tpu.memory_space<vmem>>, vector<16xf32>,
        tpu.vector_store %arg15[%parallel_loop3A_415, %parallel_loop3A_416], %parallel_loop3A_414 {strides = array<i32>} : memref<64x128xf32, #tpu.memory_space<vmem>>, vector<16xf32>,
        %parallel_loop3A_418 = arith.constant 1 : i32
        %parallel_loop3A_419 = vector.broadcast %parallel_loop3A_418 : i32 to vector<16xi32>
        %parallel_loop3A_420 = arith.cmpi slt, %iota3A, %parallel_loop3A_419 : vector<16xi32>
        %parallel_loop3A_421 = vector.broadcast %parallel_loop3A_240 : i32 to vector<16xi32>
        %parallel_loop3A_422 = arith.constant 64 : i32
        %parallel_loop3A_423 = vector.broadcast %parallel_loop3A_422 : i32 to vector<16xi32>
        %parallel_loop3A_424 = arith.select %parallel_loop3A_420, %parallel_loop3A_421, %parallel_loop3A_423 : vector<16xi1>, vector<16xi32>
        tpu.vector_store_idx %arg17[%parallel_loop3A_424], %parallel_loop3A_385 : memref<80xf32, #tpu.memory_space<vmem>>[vector<16xi32>], vector<16xf32>,
      } {sc.loop_unroll_factor = 2 : i64, sc.parallel_access}
      %mul3A_227 = arith.constant 64 : i32
      %mul3A_228 = arith.muli %rem3A_211, %mul3A_227 : i32
      "tpu.region"() ({
        %run_scoped3A = tpu.sem_alloc : memref<!tpu.dma_semaphore, #tpu.memory_space<semaphore_mem>>
        %dma_start3A_240 = tpu.memref_slice %arg14[%mul3A_228] : memref<576xi32, #tpu.memory_space<vmem>> -> memref<64xi32, #tpu.memory_space<vmem>>
        %dma_start3A_241 = arith.constant 0 : i32
        %dma_start3A_242 = arith.constant 0 : i32
        %dma_start3A_243 = tpu.memref_slice %arg21[%dma_start3A_241, %dma_start3A_242] : memref<10240x128xf32, #tpu.memory_space<vmem_shared>> -> memref<10240x128xf32, #tpu.memory_space<vmem_shared>>
        tpu.enqueue_indirect_dma source(%arg15 : memref<64x128xf32, #tpu.memory_space<vmem>>) target(%dma_start3A_243 : memref<10240x128xf32, #tpu.memory_space<vmem_shared>>) offsets(%dma_start3A_240 : memref<64xi32, #tpu.memory_space<vmem>>) semaphore(%run_scoped3A : memref<!tpu.dma_semaphore, #tpu.memory_space<semaphore_mem>>) {add = true}
        %dma_wait3A_244 = tpu.memref_slice %arg14[%mul3A_228] : memref<576xi32, #tpu.memory_space<vmem>> -> memref<64xi32, #tpu.memory_space<vmem>>
        %dma_wait3A_245 = arith.constant 0 : i32
        %dma_wait3A_246 = arith.constant 0 : i32
        %dma_wait3A_247 = tpu.memref_slice %arg21[%dma_wait3A_245, %dma_wait3A_246] : memref<10240x128xf32, #tpu.memory_space<vmem_shared>> -> memref<10240x128xf32, #tpu.memory_space<vmem_shared>>
        tpu.wait_indirect_dma semaphore(%run_scoped3A : memref<!tpu.dma_semaphore, #tpu.memory_space<semaphore_mem>>) src(%arg15 : memref<64x128xf32, #tpu.memory_space<vmem>>) dst(%dma_wait3A_247 : memref<10240x128xf32, #tpu.memory_space<vmem_shared>>)
        tpu.yield
      }) : () -> ()
      %scan3A_229 = arith.constant 0 : i32
      %scan3A_230 = arith.constant 0 : i32
      %scan3A_231 = arith.constant 4 : i32
      %scan3A_232 = arith.addi %scan3A_230, %scan3A_231 : i32
      %scan3A_233 = arith.constant 1 : i32
      scf.for %scan3A_240 = %scan3A_230 to %scan3A_232 step %scan3A_233  : i32 {
        %mul3A_241 = arith.constant 64 : i32
        %mul3A_242 = arith.muli %rem3A_211, %mul3A_241 : i32
        %mul3A_243 = arith.constant 16 : i32
        %mul3A_244 = arith.muli %mul3A_243, %scan3A_240 : i32
        %add3A_245 = arith.addi %mul3A_242, %mul3A_244 : i32
        %get3A_246 = arith.index_cast %add3A_245 : i32 to index
        %get3A_247 = tpu.vector_load %arg14[%get3A_246] {strides = array<i32>} : memref<576xi32, #tpu.memory_space<vmem>>, vector<16xi32>,
        %mul3A_248 = arith.constant 16 : i32
        %mul3A_249 = arith.muli %mul3A_248, %scan3A_240 : i32
        %get3A_250 = arith.index_cast %mul3A_249 : i32 to index
        %get3A_251 = tpu.vector_load %arg17[%get3A_250] {strides = array<i32>} : memref<80xf32, #tpu.memory_space<vmem>>, vector<16xf32>,
        %broadcast_in_dim3A_252 = vector.shape_cast %and3A_51 : vector<16xi32> to vector<16x1xi32>
        %gather3A = vector.shape_cast %broadcast_in_dim3A_252 : vector<16x1xi32> to vector<16xi32>
        %gather3A_253 = tpu.dynamic_gather %get3A_247[%gather3A] in [0] : vector<16xi32>, vector<16xi32> -> vector<16xi32>
        %broadcast_in_dim3A_254 = vector.shape_cast %and3A_51 : vector<16xi32> to vector<16x1xi32>
        %gather3A_255 = vector.shape_cast %broadcast_in_dim3A_254 : vector<16x1xi32> to vector<16xi32>
        %gather3A_256 = tpu.dynamic_gather %get3A_251[%gather3A_255] in [0] : vector<16xf32>, vector<16xi32> -> vector<16xf32>
        %eq3A_257 = arith.cmpi eq, %gather3A_253, %get3A_247 : vector<16xi32>
        %jit3A = arith.constant 0.000000e+00 : f32
        %broadcast_in_dim3A_258 = vector.broadcast %jit3A : f32 to vector<16xf32>
        %select_n3A = arith.select %eq3A_257, %gather3A_256, %broadcast_in_dim3A_258 : vector<16xi1>, vector<16xf32>
        %add3A_259 = arith.addf %get3A_251, %select_n3A : vector<16xf32>
        %broadcast_in_dim3A_260 = vector.shape_cast %and3A_57 : vector<16xi32> to vector<16x1xi32>
        %gather3A_261 = vector.shape_cast %broadcast_in_dim3A_260 : vector<16x1xi32> to vector<16xi32>
        %gather3A_262 = tpu.dynamic_gather %get3A_247[%gather3A_261] in [0] : vector<16xi32>, vector<16xi32> -> vector<16xi32>
        %broadcast_in_dim3A_263 = vector.shape_cast %and3A_57 : vector<16xi32> to vector<16x1xi32>
        %gather3A_264 = vector.shape_cast %broadcast_in_dim3A_263 : vector<16x1xi32> to vector<16xi32>
        %gather3A_265 = tpu.dynamic_gather %get3A_251[%gather3A_264] in [0] : vector<16xf32>, vector<16xi32> -> vector<16xf32>
        %eq3A_266 = arith.cmpi eq, %gather3A_262, %get3A_247 : vector<16xi32>
        %jit3A_267 = arith.constant 0.000000e+00 : f32
        %broadcast_in_dim3A_268 = vector.broadcast %jit3A_267 : f32 to vector<16xf32>
        %select_n3A_269 = arith.select %eq3A_266, %gather3A_265, %broadcast_in_dim3A_268 : vector<16xi1>, vector<16xf32>
        %add3A_270 = arith.addf %add3A_259, %select_n3A_269 : vector<16xf32>
        %broadcast_in_dim3A_271 = vector.shape_cast %and3A_63 : vector<16xi32> to vector<16x1xi32>
        %gather3A_272 = vector.shape_cast %broadcast_in_dim3A_271 : vector<16x1xi32> to vector<16xi32>
        %gather3A_273 = tpu.dynamic_gather %get3A_247[%gather3A_272] in [0] : vector<16xi32>, vector<16xi32> -> vector<16xi32>
        %broadcast_in_dim3A_274 = vector.shape_cast %and3A_63 : vector<16xi32> to vector<16x1xi32>
        %gather3A_275 = vector.shape_cast %broadcast_in_dim3A_274 : vector<16x1xi32> to vector<16xi32>
        %gather3A_276 = tpu.dynamic_gather %get3A_251[%gather3A_275] in [0] : vector<16xf32>, vector<16xi32> -> vector<16xf32>
        %eq3A_277 = arith.cmpi eq, %gather3A_273, %get3A_247 : vector<16xi32>
        %jit3A_278 = arith.constant 0.000000e+00 : f32
        %broadcast_in_dim3A_279 = vector.broadcast %jit3A_278 : f32 to vector<16xf32>
        %select_n3A_280 = arith.select %eq3A_277, %gather3A_276, %broadcast_in_dim3A_279 : vector<16xi1>, vector<16xf32>
        %add3A_281 = arith.addf %add3A_270, %select_n3A_280 : vector<16xf32>
        %broadcast_in_dim3A_282 = vector.shape_cast %and3A_69 : vector<16xi32> to vector<16x1xi32>
        %gather3A_283 = vector.shape_cast %broadcast_in_dim3A_282 : vector<16x1xi32> to vector<16xi32>
        %gather3A_284 = tpu.dynamic_gather %get3A_247[%gather3A_283] in [0] : vector<16xi32>, vector<16xi32> -> vector<16xi32>
        %broadcast_in_dim3A_285 = vector.shape_cast %and3A_69 : vector<16xi32> to vector<16x1xi32>
        %gather3A_286 = vector.shape_cast %broadcast_in_dim3A_285 : vector<16x1xi32> to vector<16xi32>
        %gather3A_287 = tpu.dynamic_gather %get3A_251[%gather3A_286] in [0] : vector<16xf32>, vector<16xi32> -> vector<16xf32>
        %eq3A_288 = arith.cmpi eq, %gather3A_284, %get3A_247 : vector<16xi32>
        %jit3A_289 = arith.constant 0.000000e+00 : f32
        %broadcast_in_dim3A_290 = vector.broadcast %jit3A_289 : f32 to vector<16xf32>
        %select_n3A_291 = arith.select %eq3A_288, %gather3A_287, %broadcast_in_dim3A_290 : vector<16xi1>, vector<16xf32>
        %add3A_292 = arith.addf %add3A_281, %select_n3A_291 : vector<16xf32>
        %broadcast_in_dim3A_293 = vector.shape_cast %and3A_75 : vector<16xi32> to vector<16x1xi32>
        %gather3A_294 = vector.shape_cast %broadcast_in_dim3A_293 : vector<16x1xi32> to vector<16xi32>
        %gather3A_295 = tpu.dynamic_gather %get3A_247[%gather3A_294] in [0] : vector<16xi32>, vector<16xi32> -> vector<16xi32>
        %broadcast_in_dim3A_296 = vector.shape_cast %and3A_75 : vector<16xi32> to vector<16x1xi32>
        %gather3A_297 = vector.shape_cast %broadcast_in_dim3A_296 : vector<16x1xi32> to vector<16xi32>
        %gather3A_298 = tpu.dynamic_gather %get3A_251[%gather3A_297] in [0] : vector<16xf32>, vector<16xi32> -> vector<16xf32>
        %eq3A_299 = arith.cmpi eq, %gather3A_295, %get3A_247 : vector<16xi32>
        %jit3A_300 = arith.constant 0.000000e+00 : f32
        %broadcast_in_dim3A_301 = vector.broadcast %jit3A_300 : f32 to vector<16xf32>
        %select_n3A_302 = arith.select %eq3A_299, %gather3A_298, %broadcast_in_dim3A_301 : vector<16xi1>, vector<16xf32>
        %add3A_303 = arith.addf %add3A_292, %select_n3A_302 : vector<16xf32>
        %broadcast_in_dim3A_304 = vector.shape_cast %and3A_81 : vector<16xi32> to vector<16x1xi32>
        %gather3A_305 = vector.shape_cast %broadcast_in_dim3A_304 : vector<16x1xi32> to vector<16xi32>
        %gather3A_306 = tpu.dynamic_gather %get3A_247[%gather3A_305] in [0] : vector<16xi32>, vector<16xi32> -> vector<16xi32>
        %broadcast_in_dim3A_307 = vector.shape_cast %and3A_81 : vector<16xi32> to vector<16x1xi32>
        %gather3A_308 = vector.shape_cast %broadcast_in_dim3A_307 : vector<16x1xi32> to vector<16xi32>
        %gather3A_309 = tpu.dynamic_gather %get3A_251[%gather3A_308] in [0] : vector<16xf32>, vector<16xi32> -> vector<16xf32>
        %eq3A_310 = arith.cmpi eq, %gather3A_306, %get3A_247 : vector<16xi32>
        %jit3A_311 = arith.constant 0.000000e+00 : f32
        %broadcast_in_dim3A_312 = vector.broadcast %jit3A_311 : f32 to vector<16xf32>
        %select_n3A_313 = arith.select %eq3A_310, %gather3A_309, %broadcast_in_dim3A_312 : vector<16xi1>, vector<16xf32>
        %add3A_314 = arith.addf %add3A_303, %select_n3A_313 : vector<16xf32>
        %broadcast_in_dim3A_315 = vector.shape_cast %and3A_87 : vector<16xi32> to vector<16x1xi32>
        %gather3A_316 = vector.shape_cast %broadcast_in_dim3A_315 : vector<16x1xi32> to vector<16xi32>
        %gather3A_317 = tpu.dynamic_gather %get3A_247[%gather3A_316] in [0] : vector<16xi32>, vector<16xi32> -> vector<16xi32>
        %broadcast_in_dim3A_318 = vector.shape_cast %and3A_87 : vector<16xi32> to vector<16x1xi32>
        %gather3A_319 = vector.shape_cast %broadcast_in_dim3A_318 : vector<16x1xi32> to vector<16xi32>
        %gather3A_320 = tpu.dynamic_gather %get3A_251[%gather3A_319] in [0] : vector<16xf32>, vector<16xi32> -> vector<16xf32>
        %eq3A_321 = arith.cmpi eq, %gather3A_317, %get3A_247 : vector<16xi32>
        %jit3A_322 = arith.constant 0.000000e+00 : f32
        %broadcast_in_dim3A_323 = vector.broadcast %jit3A_322 : f32 to vector<16xf32>
        %select_n3A_324 = arith.select %eq3A_321, %gather3A_320, %broadcast_in_dim3A_323 : vector<16xi1>, vector<16xf32>
        %add3A_325 = arith.addf %add3A_314, %select_n3A_324 : vector<16xf32>
        %broadcast_in_dim3A_326 = vector.shape_cast %and3A_93 : vector<16xi32> to vector<16x1xi32>
        %gather3A_327 = vector.shape_cast %broadcast_in_dim3A_326 : vector<16x1xi32> to vector<16xi32>
        %gather3A_328 = tpu.dynamic_gather %get3A_247[%gather3A_327] in [0] : vector<16xi32>, vector<16xi32> -> vector<16xi32>
        %broadcast_in_dim3A_329 = vector.shape_cast %and3A_93 : vector<16xi32> to vector<16x1xi32>
        %gather3A_330 = vector.shape_cast %broadcast_in_dim3A_329 : vector<16x1xi32> to vector<16xi32>
        %gather3A_331 = tpu.dynamic_gather %get3A_251[%gather3A_330] in [0] : vector<16xf32>, vector<16xi32> -> vector<16xf32>
        %eq3A_332 = arith.cmpi eq, %gather3A_328, %get3A_247 : vector<16xi32>
        %jit3A_333 = arith.constant 0.000000e+00 : f32
        %broadcast_in_dim3A_334 = vector.broadcast %jit3A_333 : f32 to vector<16xf32>
        %select_n3A_335 = arith.select %eq3A_332, %gather3A_331, %broadcast_in_dim3A_334 : vector<16xi1>, vector<16xf32>
        %add3A_336 = arith.addf %add3A_325, %select_n3A_335 : vector<16xf32>
        %broadcast_in_dim3A_337 = vector.shape_cast %and3A_99 : vector<16xi32> to vector<16x1xi32>
        %gather3A_338 = vector.shape_cast %broadcast_in_dim3A_337 : vector<16x1xi32> to vector<16xi32>
        %gather3A_339 = tpu.dynamic_gather %get3A_247[%gather3A_338] in [0] : vector<16xi32>, vector<16xi32> -> vector<16xi32>
        %broadcast_in_dim3A_340 = vector.shape_cast %and3A_99 : vector<16xi32> to vector<16x1xi32>
        %gather3A_341 = vector.shape_cast %broadcast_in_dim3A_340 : vector<16x1xi32> to vector<16xi32>
        %gather3A_342 = tpu.dynamic_gather %get3A_251[%gather3A_341] in [0] : vector<16xf32>, vector<16xi32> -> vector<16xf32>
        %eq3A_343 = arith.cmpi eq, %gather3A_339, %get3A_247 : vector<16xi32>
        %jit3A_344 = arith.constant 0.000000e+00 : f32
        %broadcast_in_dim3A_345 = vector.broadcast %jit3A_344 : f32 to vector<16xf32>
        %select_n3A_346 = arith.select %eq3A_343, %gather3A_342, %broadcast_in_dim3A_345 : vector<16xi1>, vector<16xf32>
        %add3A_347 = arith.addf %add3A_336, %select_n3A_346 : vector<16xf32>
        %broadcast_in_dim3A_348 = vector.shape_cast %and3A_105 : vector<16xi32> to vector<16x1xi32>
        %gather3A_349 = vector.shape_cast %broadcast_in_dim3A_348 : vector<16x1xi32> to vector<16xi32>
        %gather3A_350 = tpu.dynamic_gather %get3A_247[%gather3A_349] in [0] : vector<16xi32>, vector<16xi32> -> vector<16xi32>
        %broadcast_in_dim3A_351 = vector.shape_cast %and3A_105 : vector<16xi32> to vector<16x1xi32>
        %gather3A_352 = vector.shape_cast %broadcast_in_dim3A_351 : vector<16x1xi32> to vector<16xi32>
        %gather3A_353 = tpu.dynamic_gather %get3A_251[%gather3A_352] in [0] : vector<16xf32>, vector<16xi32> -> vector<16xf32>
        %eq3A_354 = arith.cmpi eq, %gather3A_350, %get3A_247 : vector<16xi32>
        %jit3A_355 = arith.constant 0.000000e+00 : f32
        %broadcast_in_dim3A_356 = vector.broadcast %jit3A_355 : f32 to vector<16xf32>
        %select_n3A_357 = arith.select %eq3A_354, %gather3A_353, %broadcast_in_dim3A_356 : vector<16xi1>, vector<16xf32>
        %add3A_358 = arith.addf %add3A_347, %select_n3A_357 : vector<16xf32>
        %broadcast_in_dim3A_359 = vector.shape_cast %and3A_111 : vector<16xi32> to vector<16x1xi32>
        %gather3A_360 = vector.shape_cast %broadcast_in_dim3A_359 : vector<16x1xi32> to vector<16xi32>
        %gather3A_361 = tpu.dynamic_gather %get3A_247[%gather3A_360] in [0] : vector<16xi32>, vector<16xi32> -> vector<16xi32>
        %broadcast_in_dim3A_362 = vector.shape_cast %and3A_111 : vector<16xi32> to vector<16x1xi32>
        %gather3A_363 = vector.shape_cast %broadcast_in_dim3A_362 : vector<16x1xi32> to vector<16xi32>
        %gather3A_364 = tpu.dynamic_gather %get3A_251[%gather3A_363] in [0] : vector<16xf32>, vector<16xi32> -> vector<16xf32>
        %eq3A_365 = arith.cmpi eq, %gather3A_361, %get3A_247 : vector<16xi32>
        %jit3A_366 = arith.constant 0.000000e+00 : f32
        %broadcast_in_dim3A_367 = vector.broadcast %jit3A_366 : f32 to vector<16xf32>
        %select_n3A_368 = arith.select %eq3A_365, %gather3A_364, %broadcast_in_dim3A_367 : vector<16xi1>, vector<16xf32>
        %add3A_369 = arith.addf %add3A_358, %select_n3A_368 : vector<16xf32>
        %broadcast_in_dim3A_370 = vector.shape_cast %and3A_117 : vector<16xi32> to vector<16x1xi32>
        %gather3A_371 = vector.shape_cast %broadcast_in_dim3A_370 : vector<16x1xi32> to vector<16xi32>
        %gather3A_372 = tpu.dynamic_gather %get3A_247[%gather3A_371] in [0] : vector<16xi32>, vector<16xi32> -> vector<16xi32>
        %broadcast_in_dim3A_373 = vector.shape_cast %and3A_117 : vector<16xi32> to vector<16x1xi32>
        %gather3A_374 = vector.shape_cast %broadcast_in_dim3A_373 : vector<16x1xi32> to vector<16xi32>
        %gather3A_375 = tpu.dynamic_gather %get3A_251[%gather3A_374] in [0] : vector<16xf32>, vector<16xi32> -> vector<16xf32>
        %eq3A_376 = arith.cmpi eq, %gather3A_372, %get3A_247 : vector<16xi32>
        %jit3A_377 = arith.constant 0.000000e+00 : f32
        %broadcast_in_dim3A_378 = vector.broadcast %jit3A_377 : f32 to vector<16xf32>
        %select_n3A_379 = arith.select %eq3A_376, %gather3A_375, %broadcast_in_dim3A_378 : vector<16xi1>, vector<16xf32>
        %add3A_380 = arith.addf %add3A_369, %select_n3A_379 : vector<16xf32>
        %broadcast_in_dim3A_381 = vector.shape_cast %and3A_123 : vector<16xi32> to vector<16x1xi32>
        %gather3A_382 = vector.shape_cast %broadcast_in_dim3A_381 : vector<16x1xi32> to vector<16xi32>
        %gather3A_383 = tpu.dynamic_gather %get3A_247[%gather3A_382] in [0] : vector<16xi32>, vector<16xi32> -> vector<16xi32>
        %broadcast_in_dim3A_384 = vector.shape_cast %and3A_123 : vector<16xi32> to vector<16x1xi32>
        %gather3A_385 = vector.shape_cast %broadcast_in_dim3A_384 : vector<16x1xi32> to vector<16xi32>
        %gather3A_386 = tpu.dynamic_gather %get3A_251[%gather3A_385] in [0] : vector<16xf32>, vector<16xi32> -> vector<16xf32>
        %eq3A_387 = arith.cmpi eq, %gather3A_383, %get3A_247 : vector<16xi32>
        %jit3A_388 = arith.constant 0.000000e+00 : f32
        %broadcast_in_dim3A_389 = vector.broadcast %jit3A_388 : f32 to vector<16xf32>
        %select_n3A_390 = arith.select %eq3A_387, %gather3A_386, %broadcast_in_dim3A_389 : vector<16xi1>, vector<16xf32>
        %add3A_391 = arith.addf %add3A_380, %select_n3A_390 : vector<16xf32>
        %broadcast_in_dim3A_392 = vector.shape_cast %and3A_129 : vector<16xi32> to vector<16x1xi32>
        %gather3A_393 = vector.shape_cast %broadcast_in_dim3A_392 : vector<16x1xi32> to vector<16xi32>
        %gather3A_394 = tpu.dynamic_gather %get3A_247[%gather3A_393] in [0] : vector<16xi32>, vector<16xi32> -> vector<16xi32>
        %broadcast_in_dim3A_395 = vector.shape_cast %and3A_129 : vector<16xi32> to vector<16x1xi32>
        %gather3A_396 = vector.shape_cast %broadcast_in_dim3A_395 : vector<16x1xi32> to vector<16xi32>
        %gather3A_397 = tpu.dynamic_gather %get3A_251[%gather3A_396] in [0] : vector<16xf32>, vector<16xi32> -> vector<16xf32>
        %eq3A_398 = arith.cmpi eq, %gather3A_394, %get3A_247 : vector<16xi32>
        %jit3A_399 = arith.constant 0.000000e+00 : f32
        %broadcast_in_dim3A_400 = vector.broadcast %jit3A_399 : f32 to vector<16xf32>
        %select_n3A_401 = arith.select %eq3A_398, %gather3A_397, %broadcast_in_dim3A_400 : vector<16xi1>, vector<16xf32>
        %add3A_402 = arith.addf %add3A_391, %select_n3A_401 : vector<16xf32>
        %broadcast_in_dim3A_403 = vector.shape_cast %and3A_135 : vector<16xi32> to vector<16x1xi32>
        %gather3A_404 = vector.shape_cast %broadcast_in_dim3A_403 : vector<16x1xi32> to vector<16xi32>
        %gather3A_405 = tpu.dynamic_gather %get3A_247[%gather3A_404] in [0] : vector<16xi32>, vector<16xi32> -> vector<16xi32>
        %broadcast_in_dim3A_406 = vector.shape_cast %and3A_135 : vector<16xi32> to vector<16x1xi32>
        %gather3A_407 = vector.shape_cast %broadcast_in_dim3A_406 : vector<16x1xi32> to vector<16xi32>
        %gather3A_408 = tpu.dynamic_gather %get3A_251[%gather3A_407] in [0] : vector<16xf32>, vector<16xi32> -> vector<16xf32>
        %eq3A_409 = arith.cmpi eq, %gather3A_405, %get3A_247 : vector<16xi32>
        %jit3A_410 = arith.constant 0.000000e+00 : f32
        %broadcast_in_dim3A_411 = vector.broadcast %jit3A_410 : f32 to vector<16xf32>
        %select_n3A_412 = arith.select %eq3A_409, %gather3A_408, %broadcast_in_dim3A_411 : vector<16xi1>, vector<16xf32>
        %add3A_413 = arith.addf %add3A_402, %select_n3A_412 : vector<16xf32>
        %gather3A_414 = tpu.vector_load_idx %arg20[%get3A_247] : memref<10240xf32, #tpu.memory_space<vmem>>[vector<16xi32>], vector<16xf32>,
        %add3A_415 = arith.addf %gather3A_414, %add3A_413 : vector<16xf32>
        tpu.vector_store_idx %arg20[%get3A_247], %add3A_415 : memref<10240xf32, #tpu.memory_space<vmem>>[vector<16xi32>], vector<16xf32>,
      }
      %scan3A_234 = arith.constant 4 : i32
      %lt3A_235 = arith.constant 80 : i32
      %lt3A_236 = arith.cmpi slt, %scan3A_182, %lt3A_235 : i32
      %convert_element_type3A_237 = arith.extui %lt3A_236 : i1 to i32
      %cond3A_238 = arith.constant 0 : i32
      %cond3A_239 = arith.cmpi ne, %convert_element_type3A_237, %cond3A_238 : i32
      scf.if %cond3A_239 {
        %add3A_240 = arith.constant 1 : i32
        %add3A_241 = arith.addi %scan3A_182, %add3A_240 : i32
        %rem3A_242 = arith.constant 9 : i32
        %rem3A_243 = arith.remsi %add3A_241, %rem3A_242 : i32
        %eq3A_244 = arith.constant 0 : i32
        %eq3A_245 = arith.cmpi eq, %rem3A_243, %eq3A_244 : i32
        %convert_element_type3A_246 = arith.extui %eq3A_245 : i1 to i32
        %cond3A_247 = arith.constant 0 : i32
        %cond3A_248 = arith.cmpi ne, %convert_element_type3A_246, %cond3A_247 : i32
        scf.if %cond3A_248 {
          %add3A_261 = arith.constant 81 : i32
          %add3A_262 = arith.addi %add3A_261, %add3A_241 : i32
          %mul3A_263 = arith.constant 64 : i32
          %mul3A_264 = arith.muli %add3A_262, %mul3A_263 : i32
          %add3A_265 = arith.addi %mul3A_137, %mul3A_264 : i32
          "tpu.region"() ({
            %run_scoped3A = tpu.sem_alloc : memref<!tpu.dma_semaphore, #tpu.memory_space<semaphore_mem>>
            %dma_start3A_266 = tpu.memref_slice %arg4[%add3A_265] : memref<331904xi32, #tpu.memory_space<hbm>> -> memref<576xi32, #tpu.memory_space<hbm>>
            %dma_start3A_267 = tpu.memref_slice %arg4[%add3A_265] : memref<331904xi32, #tpu.memory_space<hbm>> -> memref<576xi32, #tpu.memory_space<hbm>>
            tpu.enqueue_dma source(%dma_start3A_267 : memref<576xi32, #tpu.memory_space<hbm>>) target(%arg13 : memref<576xi32, #tpu.memory_space<vmem>>) target_semaphore(%run_scoped3A : memref<!tpu.dma_semaphore, #tpu.memory_space<semaphore_mem>>)
            %dma_wait3A_268 = tpu.memref_slice %arg4[%add3A_265] : memref<331904xi32, #tpu.memory_space<hbm>> -> memref<576xi32, #tpu.memory_space<hbm>>
            %dma_wait3A_269 = tpu.memref_slice %arg4[%add3A_265] : memref<331904xi32, #tpu.memory_space<hbm>> -> memref<576xi32, #tpu.memory_space<hbm>>
            tpu.wait_dma2 semaphore(%run_scoped3A : memref<!tpu.dma_semaphore, #tpu.memory_space<semaphore_mem>>) src(%dma_wait3A_269 : memref<576xi32, #tpu.memory_space<hbm>>) dst(%arg13 : memref<576xi32, #tpu.memory_space<vmem>>)
            tpu.yield
          }) : () -> ()
          "tpu.region"() ({
            %run_scoped3A = tpu.sem_alloc : memref<!tpu.dma_semaphore, #tpu.memory_space<semaphore_mem>>
            %dma_start3A_266 = tpu.memref_slice %arg5[%add3A_265] : memref<331904xi32, #tpu.memory_space<hbm>> -> memref<576xi32, #tpu.memory_space<hbm>>
            %dma_start3A_267 = tpu.memref_slice %arg5[%add3A_265] : memref<331904xi32, #tpu.memory_space<hbm>> -> memref<576xi32, #tpu.memory_space<hbm>>
            tpu.enqueue_dma source(%dma_start3A_267 : memref<576xi32, #tpu.memory_space<hbm>>) target(%arg14 : memref<576xi32, #tpu.memory_space<vmem>>) target_semaphore(%run_scoped3A : memref<!tpu.dma_semaphore, #tpu.memory_space<semaphore_mem>>)
            %dma_wait3A_268 = tpu.memref_slice %arg5[%add3A_265] : memref<331904xi32, #tpu.memory_space<hbm>> -> memref<576xi32, #tpu.memory_space<hbm>>
            %dma_wait3A_269 = tpu.memref_slice %arg5[%add3A_265] : memref<331904xi32, #tpu.memory_space<hbm>> -> memref<576xi32, #tpu.memory_space<hbm>>
            tpu.wait_dma2 semaphore(%run_scoped3A : memref<!tpu.dma_semaphore, #tpu.memory_space<semaphore_mem>>) src(%dma_wait3A_269 : memref<576xi32, #tpu.memory_space<hbm>>) dst(%arg14 : memref<576xi32, #tpu.memory_space<vmem>>)
            tpu.yield
          }) : () -> ()
        } else {
        }
        %mul3A_249 = arith.constant 64 : i32
        %mul3A_250 = arith.muli %rem3A_243, %mul3A_249 : i32
        %dma_start3A_251 = tpu.memref_slice %arg13[%mul3A_250] : memref<576xi32, #tpu.memory_space<vmem>> -> memref<64xi32, #tpu.memory_space<vmem>>
        %dma_start3A_252 = arith.constant 0 : i32
        %dma_start3A_253 = arith.constant 0 : i32
        %dma_start3A_254 = tpu.memref_slice %arg2[%dma_start3A_252, %dma_start3A_253] : memref<10000x128xf32, #tpu.memory_space<hbm>> -> memref<10000x128xf32, #tpu.memory_space<hbm>>
        tpu.enqueue_indirect_dma source(%dma_start3A_254 : memref<10000x128xf32, #tpu.memory_space<hbm>>) target(%arg15 : memref<64x128xf32, #tpu.memory_space<vmem>>) offsets(%dma_start3A_251 : memref<64xi32, #tpu.memory_space<vmem>>) semaphore(%arg24 : memref<!tpu.dma_semaphore, #tpu.memory_space<semaphore_mem>>)
        %mul3A_255 = arith.constant 64 : i32
        %mul3A_256 = arith.muli %rem3A_243, %mul3A_255 : i32
        %dma_start3A_257 = tpu.memref_slice %arg14[%mul3A_256] : memref<576xi32, #tpu.memory_space<vmem>> -> memref<64xi32, #tpu.memory_space<vmem>>
        %dma_start3A_258 = arith.constant 0 : i32
        %dma_start3A_259 = arith.constant 0 : i32
        %dma_start3A_260 = tpu.memref_slice %arg3[%dma_start3A_258, %dma_start3A_259] : memref<10240x128xf32, #tpu.memory_space<hbm>> -> memref<10240x128xf32, #tpu.memory_space<hbm>>
        tpu.enqueue_indirect_dma source(%dma_start3A_260 : memref<10240x128xf32, #tpu.memory_space<hbm>>) target(%arg16 : memref<64x128xf32, #tpu.memory_space<vmem>>) offsets(%dma_start3A_257 : memref<64xi32, #tpu.memory_space<vmem>>) semaphore(%arg25 : memref<!tpu.dma_semaphore, #tpu.memory_space<semaphore_mem>>)
      } else {
      }
    }
    %scan3A_180 = arith.constant 81 : i32
    "tpu.region"() ({
      %run_scoped3A = tpu.sem_alloc : memref<!tpu.dma_semaphore, #tpu.memory_space<semaphore_mem>>
      %dma_start3A_182 = arith.constant 0 : i32
      %dma_start3A_183 = tpu.memref_slice %arg8[%add3A, %dma_start3A_182] : memref<32x10240xf32, #tpu.memory_space<hbm>> -> memref<1x10240xf32, #tpu.memory_space<hbm>>
      %dma_start3A_184 = tpu.memref_squeeze %dma_start3A_183 : memref<1x10240xf32, #tpu.memory_space<hbm>> -> memref<10240xf32, #tpu.memory_space<hbm>>
      %dma_start3A_185 = arith.constant 0 : i32
      %dma_start3A_186 = tpu.memref_slice %arg8[%add3A, %dma_start3A_185] : memref<32x10240xf32, #tpu.memory_space<hbm>> -> memref<1x10240xf32, #tpu.memory_space<hbm>>
      %dma_start3A_187 = tpu.memref_squeeze %dma_start3A_186 : memref<1x10240xf32, #tpu.memory_space<hbm>> -> memref<10240xf32, #tpu.memory_space<hbm>>
      tpu.enqueue_dma source(%arg20 : memref<10240xf32, #tpu.memory_space<vmem>>) target(%dma_start3A_187 : memref<10240xf32, #tpu.memory_space<hbm>>) target_semaphore(%run_scoped3A : memref<!tpu.dma_semaphore, #tpu.memory_space<semaphore_mem>>)
      %dma_wait3A = arith.constant 0 : i32
      %dma_wait3A_188 = tpu.memref_slice %arg8[%add3A, %dma_wait3A] : memref<32x10240xf32, #tpu.memory_space<hbm>> -> memref<1x10240xf32, #tpu.memory_space<hbm>>
      %dma_wait3A_189 = tpu.memref_squeeze %dma_wait3A_188 : memref<1x10240xf32, #tpu.memory_space<hbm>> -> memref<10240xf32, #tpu.memory_space<hbm>>
      %dma_wait3A_190 = arith.constant 0 : i32
      %dma_wait3A_191 = tpu.memref_slice %arg8[%add3A, %dma_wait3A_190] : memref<32x10240xf32, #tpu.memory_space<hbm>> -> memref<1x10240xf32, #tpu.memory_space<hbm>>
      %dma_wait3A_192 = tpu.memref_squeeze %dma_wait3A_191 : memref<1x10240xf32, #tpu.memory_space<hbm>> -> memref<10240xf32, #tpu.memory_space<hbm>>
      tpu.wait_dma2 semaphore(%run_scoped3A : memref<!tpu.dma_semaphore, #tpu.memory_space<semaphore_mem>>) src(%arg20 : memref<10240xf32, #tpu.memory_space<vmem>>) dst(%dma_wait3A_192 : memref<10240xf32, #tpu.memory_space<hbm>>)
      tpu.yield
    }) : () -> ()
    %barrier3A_181 = arith.constant 0 : index
    tpu.barrier barrier_id(%barrier3A_181)
    "tpu.region"() ({
      %run_scoped3A = tpu.sem_alloc : memref<!tpu.dma_semaphore, #tpu.memory_space<semaphore_mem>>
      %dma_start3A_182 = arith.constant 0 : i32
      %dma_start3A_183 = arith.constant 0 : i32
      %dma_start3A_184 = tpu.memref_slice %arg7[%arg0, %dma_start3A_182, %dma_start3A_183] : memref<2x10240x128xf32, #tpu.memory_space<hbm>> -> memref<1x10240x128xf32, #tpu.memory_space<hbm>>
      %dma_start3A_185 = tpu.memref_squeeze %dma_start3A_184 : memref<1x10240x128xf32, #tpu.memory_space<hbm>> -> memref<10240x128xf32, #tpu.memory_space<hbm>>
      %dma_start3A_186 = arith.constant 0 : i32
      %dma_start3A_187 = tpu.memref_slice %dma_start3A_185[%mul3A_14, %dma_start3A_186] : memref<10240x128xf32, #tpu.memory_space<hbm>> -> memref<640x128xf32, #tpu.memory_space<hbm>>
      %dma_start3A_188 = arith.constant 0 : i32
      %dma_start3A_189 = tpu.memref_slice %arg21[%mul3A_14, %dma_start3A_188] : memref<10240x128xf32, #tpu.memory_space<vmem_shared>> -> memref<640x128xf32, #tpu.memory_space<vmem_shared>>
      tpu.enqueue_dma source(%dma_start3A_189 : memref<640x128xf32, #tpu.memory_space<vmem_shared>>) target(%dma_start3A_187 : memref<640x128xf32, #tpu.memory_space<hbm>>) target_semaphore(%run_scoped3A : memref<!tpu.dma_semaphore, #tpu.memory_space<semaphore_mem>>)
      %dma_wait3A = arith.constant 0 : i32
      %dma_wait3A_190 = arith.constant 0 : i32
      %dma_wait3A_191 = tpu.memref_slice %arg7[%arg0, %dma_wait3A, %dma_wait3A_190] : memref<2x10240x128xf32, #tpu.memory_space<hbm>> -> memref<1x10240x128xf32, #tpu.memory_space<hbm>>
      %dma_wait3A_192 = tpu.memref_squeeze %dma_wait3A_191 : memref<1x10240x128xf32, #tpu.memory_space<hbm>> -> memref<10240x128xf32, #tpu.memory_space<hbm>>
      %dma_wait3A_193 = arith.constant 0 : i32
      %dma_wait3A_194 = tpu.memref_slice %dma_wait3A_192[%mul3A_14, %dma_wait3A_193] : memref<10240x128xf32, #tpu.memory_space<hbm>> -> memref<640x128xf32, #tpu.memory_space<hbm>>
      %dma_wait3A_195 = arith.constant 0 : i32
      %dma_wait3A_196 = tpu.memref_slice %arg21[%mul3A_14, %dma_wait3A_195] : memref<10240x128xf32, #tpu.memory_space<vmem_shared>> -> memref<640x128xf32, #tpu.memory_space<vmem_shared>>
      tpu.wait_dma2 semaphore(%run_scoped3A : memref<!tpu.dma_semaphore, #tpu.memory_space<semaphore_mem>>) src(%dma_wait3A_196 : memref<640x128xf32, #tpu.memory_space<vmem_shared>>) dst(%dma_wait3A_194 : memref<640x128xf32, #tpu.memory_space<hbm>>)
      tpu.yield
    }) : () -> ()
    return
  }
}

module attributes {stable_mosaic.version = 14 : i64} {
  func.func @_mm_body(%arg0: i32, %arg1: memref<400x128xf32, #tpu.memory_space<vmem>>, %arg2: memref<128x128xf32, #tpu.memory_space<vmem>>, %arg3: memref<128x128xf32, #tpu.memory_space<vmem>>, %arg4: memref<400x128xf32, #tpu.memory_space<vmem>>, %arg5: memref<400x128xf32, #tpu.memory_space<vmem>>) attributes {dimension_semantics = [#tpu.dimension_semantics<arbitrary>], iteration_bounds = array<i64: 25>, scalar_prefetch = 0 : i64, scratch_operands = 0 : i64, tpu.core_type = #tpu.core_type<tc>, window_params = [{transform_indices = @transform_0, window_bounds = array<i64: 400, 128>}, {pipeline_mode = #tpu.pipeline_mode<synchronous>, transform_indices = @transform_1, window_bounds = array<i64: 128, 128>}, {pipeline_mode = #tpu.pipeline_mode<synchronous>, transform_indices = @transform_2, window_bounds = array<i64: 128, 128>}, {transform_indices = @transform_3, window_bounds = array<i64: 400, 128>}, {transform_indices = @transform_4, window_bounds = array<i64: 400, 128>}]} {
    %get3A = arith.constant 0 : index
    %get3A_0 = arith.constant 0 : index
    %get3A_1 = vector.load %arg1[%get3A, %get3A_0] : memref<400x128xf32, #tpu.memory_space<vmem>>, vector<400x128xf32>
    %get3A_2 = arith.constant 0 : index
    %get3A_3 = arith.constant 0 : index
    %get3A_4 = vector.load %arg2[%get3A_2, %get3A_3] : memref<128x128xf32, #tpu.memory_space<vmem>>, vector<128x128xf32>
    %dot_general3A = arith.constant dense<0.000000e+00> : vector<400x128xf32>
    %dot_general3A_5 = tpu.matmul %get3A_1, %get3A_4, %dot_general3A {dimension_numbers = #tpu.dot_dimension_numbers<[1], [0], [0], [1], [0, 0, 1, 1], [], []>, transpose_lhs_hint = false} : vector<400x128xf32>, vector<128x128xf32>, vector<400x128xf32> -> vector<400x128xf32>
    %swap3A = arith.constant 0 : index
    %swap3A_6 = arith.constant 0 : index
    %swap3A_7 = vector.load %arg4[%swap3A, %swap3A_6] : memref<400x128xf32, #tpu.memory_space<vmem>>, vector<400x128xf32>
    tpu.vector_store %arg4[%swap3A, %swap3A_6], %dot_general3A_5 {strides = array<i32>} : memref<400x128xf32, #tpu.memory_space<vmem>>, vector<400x128xf32>,
    %get3A_8 = arith.constant 0 : index
    %get3A_9 = arith.constant 0 : index
    %get3A_10 = vector.load %arg3[%get3A_8, %get3A_9] : memref<128x128xf32, #tpu.memory_space<vmem>>, vector<128x128xf32>
    %dot_general3A_11 = arith.constant dense<0.000000e+00> : vector<400x128xf32>
    %dot_general3A_12 = tpu.matmul %get3A_1, %get3A_10, %dot_general3A_11 {dimension_numbers = #tpu.dot_dimension_numbers<[1], [0], [0], [1], [0, 0, 1, 1], [], []>, transpose_lhs_hint = false} : vector<400x128xf32>, vector<128x128xf32>, vector<400x128xf32> -> vector<400x128xf32>
    %swap3A_13 = arith.constant 0 : index
    %swap3A_14 = arith.constant 0 : index
    %swap3A_15 = vector.load %arg5[%swap3A_13, %swap3A_14] : memref<400x128xf32, #tpu.memory_space<vmem>>, vector<400x128xf32>
    tpu.vector_store %arg5[%swap3A_13, %swap3A_14], %dot_general3A_12 {strides = array<i32>} : memref<400x128xf32, #tpu.memory_space<vmem>>, vector<400x128xf32>,
    return
  }
  func.func @transform_0(%arg0: i32) -> (i32, i32) {
    %c0_i32 = arith.constant 0 : i32
    %c0_i32_0 = arith.constant 0 : i32
    return %arg0, %c0_i32 : i32, i32
  }
  func.func @transform_1(%arg0: i32) -> (i32, i32) {
    %c0_i32 = arith.constant 0 : i32
    %c0_i32_0 = arith.constant 0 : i32
    %c0_i32_1 = arith.constant 0 : i32
    return %c0_i32, %c0_i32_0 : i32, i32
  }
  func.func @transform_2(%arg0: i32) -> (i32, i32) {
    %c0_i32 = arith.constant 0 : i32
    %c0_i32_0 = arith.constant 0 : i32
    %c0_i32_1 = arith.constant 0 : i32
    return %c0_i32, %c0_i32_0 : i32, i32
  }
  func.func @transform_3(%arg0: i32) -> (i32, i32) {
    %c0_i32 = arith.constant 0 : i32
    %c0_i32_0 = arith.constant 0 : i32
    return %arg0, %c0_i32 : i32, i32
  }
  func.func @transform_4(%arg0: i32) -> (i32, i32) {
    %c0_i32 = arith.constant 0 : i32
    %c0_i32_0 = arith.constant 0 : i32
    return %arg0, %c0_i32 : i32, i32
  }
}

module attributes {stable_mosaic.version = 14 : i64} {
  func.func @_fin_d_body(%arg0: i32, %arg1: memref<32x10240xf32, #tpu.memory_space<vmem>>, %arg2: memref<8x10240xf32, #tpu.memory_space<vmem>>) attributes {dimension_semantics = [#tpu.dimension_semantics<arbitrary>], iteration_bounds = array<i64: 1>, scalar_prefetch = 0 : i64, scratch_operands = 0 : i64, tpu.core_type = #tpu.core_type<tc>, window_params = [{pipeline_mode = #tpu.pipeline_mode<synchronous>, transform_indices = @transform_0, window_bounds = array<i64: 32, 10240>}, {pipeline_mode = #tpu.pipeline_mode<synchronous>, transform_indices = @transform_1, window_bounds = array<i64: 8, 10240>}]} {
    %get3A = arith.constant 0 : index
    %get3A_0 = arith.constant 0 : index
    %get3A_1 = vector.load %arg1[%get3A, %get3A_0] : memref<32x10240xf32, #tpu.memory_space<vmem>>, vector<32x10240xf32>
    %reduce_sum3A = arith.constant dense<0.000000e+00> : vector<10240xf32>
    %reduce_sum3A_2 = vector.multi_reduction <add>, %get3A_1, %reduce_sum3A [0] : vector<32x10240xf32> to vector<10240xf32>
    %broadcast_in_dim3A = vector.shape_cast %reduce_sum3A_2 : vector<10240xf32> to vector<1x10240xf32>
    %broadcast_in_dim3A_3 = vector.shape_cast %broadcast_in_dim3A : vector<1x10240xf32> to vector<1x10240xf32>
    %broadcast_in_dim3A_4 = vector.broadcast %broadcast_in_dim3A_3 : vector<1x10240xf32> to vector<8x10240xf32>
    %swap3A = arith.constant 0 : index
    %swap3A_5 = arith.constant 0 : index
    %swap3A_6 = vector.load %arg2[%swap3A, %swap3A_5] : memref<8x10240xf32, #tpu.memory_space<vmem>>, vector<8x10240xf32>
    tpu.vector_store %arg2[%swap3A, %swap3A_5], %broadcast_in_dim3A_4 {strides = array<i32>} : memref<8x10240xf32, #tpu.memory_space<vmem>>, vector<8x10240xf32>,
    return
  }
  func.func @transform_0(%arg0: i32) -> (i32, i32) {
    %c0_i32 = arith.constant 0 : i32
    %c0_i32_0 = arith.constant 0 : i32
    %c0_i32_1 = arith.constant 0 : i32
    return %c0_i32, %c0_i32_0 : i32, i32
  }
  func.func @transform_1(%arg0: i32) -> (i32, i32) {
    %c0_i32 = arith.constant 0 : i32
    %c0_i32_0 = arith.constant 0 : i32
    %c0_i32_1 = arith.constant 0 : i32
    return %c0_i32, %c0_i32_0 : i32, i32
  }
}

module attributes {stable_mosaic.version = 14 : i64} {
  func.func @_fin_a_body(%arg0: i32, %arg1: memref<400x128xf32, #tpu.memory_space<vmem>>, %arg2: memref<400x128xf32, #tpu.memory_space<vmem>>, %arg3: memref<400x1xf32, #tpu.memory_space<vmem>>, %arg4: memref<1x128xf32, #tpu.memory_space<vmem>>, %arg5: memref<400x128xf32, #tpu.memory_space<vmem>>, %arg6: memref<8x128xf32, #tpu.memory_space<vmem>>) attributes {dimension_semantics = [#tpu.dimension_semantics<arbitrary>], iteration_bounds = array<i64: 25>, scalar_prefetch = 0 : i64, scratch_operands = 0 : i64, tpu.core_type = #tpu.core_type<tc>, window_params = [{transform_indices = @transform_0, window_bounds = array<i64: 400, 128>}, {transform_indices = @transform_1, window_bounds = array<i64: 400, 128>}, {transform_indices = @transform_2, window_bounds = array<i64: 400, 1>}, {pipeline_mode = #tpu.pipeline_mode<synchronous>, transform_indices = @transform_3, window_bounds = array<i64: 1, 128>}, {transform_indices = @transform_4, window_bounds = array<i64: 400, 128>}, {pipeline_mode = #tpu.pipeline_mode<synchronous>, transform_indices = @transform_5, window_bounds = array<i64: 8, 128>}]} {
    %get3A = arith.constant 0 : index
    %get3A_0 = arith.constant 0 : index
    %get3A_1 = vector.load %arg1[%get3A, %get3A_0] : memref<400x128xf32, #tpu.memory_space<vmem>>, vector<400x128xf32>
    %get3A_2 = arith.constant 0 : index
    %get3A_3 = arith.constant 0 : index
    %get3A_4 = vector.load %arg2[%get3A_2, %get3A_3] : memref<400x128xf32, #tpu.memory_space<vmem>>, vector<400x128xf32>
    %add3A = arith.addf %get3A_1, %get3A_4 : vector<400x128xf32>
    %get3A_5 = arith.constant 0 : index
    %get3A_6 = arith.constant 0 : index
    %get3A_7 = vector.load %arg3[%get3A_5, %get3A_6] : memref<400x1xf32, #tpu.memory_space<vmem>>, vector<400x1xf32>
    %add3A_8 = arith.constant 1.000000e-16 : f32
    %add3A_9 = vector.broadcast %add3A_8 : f32 to vector<400x1xf32>
    %add3A_10 = arith.addf %get3A_7, %add3A_9 : vector<400x1xf32>
    %div3A = vector.broadcast %add3A_10 : vector<400x1xf32> to vector<400x128xf32>
    %div3A_11 = arith.divf %add3A, %div3A : vector<400x128xf32>
    %get3A_12 = arith.constant 0 : index
    %get3A_13 = arith.constant 0 : index
    %get3A_14 = vector.load %arg4[%get3A_12, %get3A_13] : memref<1x128xf32, #tpu.memory_space<vmem>>, vector<1x128xf32>
    %add3A_15 = vector.broadcast %get3A_14 : vector<1x128xf32> to vector<400x128xf32>
    %add3A_16 = arith.addf %div3A_11, %add3A_15 : vector<400x128xf32>
    %swap3A = arith.constant 0 : index
    %swap3A_17 = arith.constant 0 : index
    %swap3A_18 = vector.load %arg5[%swap3A, %swap3A_17] : memref<400x128xf32, #tpu.memory_space<vmem>>, vector<400x128xf32>
    tpu.vector_store %arg5[%swap3A, %swap3A_17], %add3A_16 {strides = array<i32>} : memref<400x128xf32, #tpu.memory_space<vmem>>, vector<400x128xf32>,
    %reduce_sum3A = arith.constant dense<0.000000e+00> : vector<128xf32>
    %reduce_sum3A_19 = vector.multi_reduction <add>, %add3A_16, %reduce_sum3A [0] : vector<400x128xf32> to vector<128xf32>
    %broadcast_in_dim3A = vector.shape_cast %reduce_sum3A_19 : vector<128xf32> to vector<1x128xf32>
    %mul3A = arith.mulf %add3A_16, %add3A_16 : vector<400x128xf32>
    %reduce_sum3A_20 = arith.constant dense<0.000000e+00> : vector<128xf32>
    %reduce_sum3A_21 = vector.multi_reduction <add>, %mul3A, %reduce_sum3A_20 [0] : vector<400x128xf32> to vector<128xf32>
    %broadcast_in_dim3A_22 = vector.shape_cast %reduce_sum3A_21 : vector<128xf32> to vector<1x128xf32>
    %broadcast_in_dim3A_23 = arith.constant 0.000000e+00 : f32
    %broadcast_in_dim3A_24 = vector.broadcast %broadcast_in_dim3A_23 : f32 to vector<6x128xf32>
    %concatenate3A = tpu.concatenate %broadcast_in_dim3A, %broadcast_in_dim3A_22, %broadcast_in_dim3A_24 in 0 : vector<1x128xf32>, vector<1x128xf32>, vector<6x128xf32> -> vector<8x128xf32>
    %eq3A = arith.constant 0 : i32
    %eq3A_25 = arith.cmpi eq, %arg0, %eq3A : i32
    %convert_element_type3A = arith.extui %eq3A_25 : i1 to i32
    %cond3A = arith.constant 0 : i32
    %cond3A_26 = arith.cmpi ne, %convert_element_type3A, %cond3A : i32
    scf.if %cond3A_26 {
      %swap3A_31 = arith.constant 0 : index
      %swap3A_32 = arith.constant 0 : index
      %swap3A_33 = vector.load %arg6[%swap3A_31, %swap3A_32] : memref<8x128xf32, #tpu.memory_space<vmem>>, vector<8x128xf32>
      tpu.vector_store %arg6[%swap3A_31, %swap3A_32], %concatenate3A {strides = array<i32>} : memref<8x128xf32, #tpu.memory_space<vmem>>, vector<8x128xf32>,
    } else {
    }
    %ne3A = arith.constant 0 : i32
    %ne3A_27 = arith.cmpi ne, %arg0, %ne3A : i32
    %convert_element_type3A_28 = arith.extui %ne3A_27 : i1 to i32
    %cond3A_29 = arith.constant 0 : i32
    %cond3A_30 = arith.cmpi ne, %convert_element_type3A_28, %cond3A_29 : i32
    scf.if %cond3A_30 {
      %get3A_31 = arith.constant 0 : index
      %get3A_32 = arith.constant 0 : index
      %get3A_33 = vector.load %arg6[%get3A_31, %get3A_32] : memref<8x128xf32, #tpu.memory_space<vmem>>, vector<8x128xf32>
      %add3A_34 = arith.addf %get3A_33, %concatenate3A : vector<8x128xf32>
      %swap3A_35 = arith.constant 0 : index
      %swap3A_36 = arith.constant 0 : index
      %swap3A_37 = vector.load %arg6[%swap3A_35, %swap3A_36] : memref<8x128xf32, #tpu.memory_space<vmem>>, vector<8x128xf32>
      tpu.vector_store %arg6[%swap3A_35, %swap3A_36], %add3A_34 {strides = array<i32>} : memref<8x128xf32, #tpu.memory_space<vmem>>, vector<8x128xf32>,
    } else {
    }
    return
  }
  func.func @transform_0(%arg0: i32) -> (i32, i32) {
    %c0_i32 = arith.constant 0 : i32
    %c0_i32_0 = arith.constant 0 : i32
    return %arg0, %c0_i32 : i32, i32
  }
  func.func @transform_1(%arg0: i32) -> (i32, i32) {
    %c0_i32 = arith.constant 0 : i32
    %c0_i32_0 = arith.constant 0 : i32
    return %arg0, %c0_i32 : i32, i32
  }
  func.func @transform_2(%arg0: i32) -> (i32, i32) {
    %c0_i32 = arith.constant 0 : i32
    %c0_i32_0 = arith.constant 0 : i32
    return %arg0, %c0_i32 : i32, i32
  }
  func.func @transform_3(%arg0: i32) -> (i32, i32) {
    %c0_i32 = arith.constant 0 : i32
    %c0_i32_0 = arith.constant 0 : i32
    %c0_i32_1 = arith.constant 0 : i32
    return %c0_i32, %c0_i32_0 : i32, i32
  }
  func.func @transform_4(%arg0: i32) -> (i32, i32) {
    %c0_i32 = arith.constant 0 : i32
    %c0_i32_0 = arith.constant 0 : i32
    return %arg0, %c0_i32 : i32, i32
  }
  func.func @transform_5(%arg0: i32) -> (i32, i32) {
    %c0_i32 = arith.constant 0 : i32
    %c0_i32_0 = arith.constant 0 : i32
    %c0_i32_1 = arith.constant 0 : i32
    return %c0_i32, %c0_i32_0 : i32, i32
  }
}

module attributes {stable_mosaic.version = 14 : i64} {
  func.func @_fin_b_body(%arg0: i32, %arg1: memref<400x128xf32, #tpu.memory_space<vmem>>, %arg2: memref<8x128xf32, #tpu.memory_space<vmem>>, %arg3: memref<1x128xf32, #tpu.memory_space<vmem>>, %arg4: memref<1x128xf32, #tpu.memory_space<vmem>>, %arg5: memref<1x128xf32, #tpu.memory_space<vmem>>, %arg6: memref<400x128xf32, #tpu.memory_space<vmem>>) attributes {dimension_semantics = [#tpu.dimension_semantics<arbitrary>], iteration_bounds = array<i64: 25>, scalar_prefetch = 0 : i64, scratch_operands = 0 : i64, tpu.core_type = #tpu.core_type<tc>, window_params = [{transform_indices = @transform_0, window_bounds = array<i64: 400, 128>}, {pipeline_mode = #tpu.pipeline_mode<synchronous>, transform_indices = @transform_1, window_bounds = array<i64: 8, 128>}, {pipeline_mode = #tpu.pipeline_mode<synchronous>, transform_indices = @transform_2, window_bounds = array<i64: 1, 128>}, {pipeline_mode = #tpu.pipeline_mode<synchronous>, transform_indices = @transform_3, window_bounds = array<i64: 1, 128>}, {pipeline_mode = #tpu.pipeline_mode<synchronous>, transform_indices = @transform_4, window_bounds = array<i64: 1, 128>}, {transform_indices = @transform_5, window_bounds = array<i64: 400, 128>}]} {
    %get3A = arith.constant 0 : index
    %get3A_0 = arith.constant 0 : index
    %get3A_1 = vector.load %arg2[%get3A, %get3A_0] : memref<8x128xf32, #tpu.memory_space<vmem>>, vector<1x128xf32>
    %mul3A = arith.constant 9.99999974E-5 : f32
    %mul3A_2 = vector.broadcast %mul3A : f32 to vector<1x128xf32>
    %mul3A_3 = arith.mulf %get3A_1, %mul3A_2 : vector<1x128xf32>
    %get3A_4 = arith.constant 1 : index
    %get3A_5 = arith.constant 0 : index
    %get3A_6 = vector.load %arg2[%get3A_4, %get3A_5] : memref<8x128xf32, #tpu.memory_space<vmem>>, vector<1x128xf32>
    %mul3A_7 = arith.constant 9.99999974E-5 : f32
    %mul3A_8 = vector.broadcast %mul3A_7 : f32 to vector<1x128xf32>
    %mul3A_9 = arith.mulf %get3A_6, %mul3A_8 : vector<1x128xf32>
    %get3A_10 = arith.constant 0 : index
    %get3A_11 = arith.constant 0 : index
    %get3A_12 = vector.load %arg5[%get3A_10, %get3A_11] : memref<1x128xf32, #tpu.memory_space<vmem>>, vector<1x128xf32>
    %mul3A_13 = arith.constant 2.000000e+00 : f32
    %mul3A_14 = vector.broadcast %mul3A_13 : f32 to vector<1x128xf32>
    %mul3A_15 = arith.mulf %mul3A_14, %get3A_12 : vector<1x128xf32>
    %mul3A_16 = arith.mulf %get3A_12, %get3A_12 : vector<1x128xf32>
    %sub3A = arith.subf %mul3A_15, %mul3A_16 : vector<1x128xf32>
    %mul3A_17 = arith.mulf %sub3A, %mul3A_3 : vector<1x128xf32>
    %mul3A_18 = arith.mulf %mul3A_17, %mul3A_3 : vector<1x128xf32>
    %sub3A_19 = arith.subf %mul3A_9, %mul3A_18 : vector<1x128xf32>
    %add3A = arith.constant 9.99999974E-6 : f32
    %add3A_20 = vector.broadcast %add3A : f32 to vector<1x128xf32>
    %add3A_21 = arith.addf %sub3A_19, %add3A_20 : vector<1x128xf32>
    %rsqrt3A = math.rsqrt %add3A_21 : vector<1x128xf32>
    %get3A_22 = arith.constant 0 : index
    %get3A_23 = arith.constant 0 : index
    %get3A_24 = vector.load %arg3[%get3A_22, %get3A_23] : memref<1x128xf32, #tpu.memory_space<vmem>>, vector<1x128xf32>
    %get3A_25 = arith.constant 0 : index
    %get3A_26 = arith.constant 0 : index
    %get3A_27 = vector.load %arg1[%get3A_25, %get3A_26] : memref<400x128xf32, #tpu.memory_space<vmem>>, vector<400x128xf32>
    %mul3A_28 = arith.mulf %get3A_12, %mul3A_3 : vector<1x128xf32>
    %sub3A_29 = vector.broadcast %mul3A_28 : vector<1x128xf32> to vector<400x128xf32>
    %sub3A_30 = arith.subf %get3A_27, %sub3A_29 : vector<400x128xf32>
    %mul3A_31 = vector.broadcast %get3A_24 : vector<1x128xf32> to vector<400x128xf32>
    %mul3A_32 = arith.mulf %mul3A_31, %sub3A_30 : vector<400x128xf32>
    %mul3A_33 = vector.broadcast %rsqrt3A : vector<1x128xf32> to vector<400x128xf32>
    %mul3A_34 = arith.mulf %mul3A_32, %mul3A_33 : vector<400x128xf32>
    %get3A_35 = arith.constant 0 : index
    %get3A_36 = arith.constant 0 : index
    %get3A_37 = vector.load %arg4[%get3A_35, %get3A_36] : memref<1x128xf32, #tpu.memory_space<vmem>>, vector<1x128xf32>
    %add3A_38 = vector.broadcast %get3A_37 : vector<1x128xf32> to vector<400x128xf32>
    %add3A_39 = arith.addf %mul3A_34, %add3A_38 : vector<400x128xf32>
    %swap3A = arith.constant 0 : index
    %swap3A_40 = arith.constant 0 : index
    %swap3A_41 = vector.load %arg6[%swap3A, %swap3A_40] : memref<400x128xf32, #tpu.memory_space<vmem>>, vector<400x128xf32>
    tpu.vector_store %arg6[%swap3A, %swap3A_40], %add3A_39 {strides = array<i32>} : memref<400x128xf32, #tpu.memory_space<vmem>>, vector<400x128xf32>,
    return
  }
  func.func @transform_0(%arg0: i32) -> (i32, i32) {
    %c0_i32 = arith.constant 0 : i32
    %c0_i32_0 = arith.constant 0 : i32
    return %arg0, %c0_i32 : i32, i32
  }
  func.func @transform_1(%arg0: i32) -> (i32, i32) {
    %c0_i32 = arith.constant 0 : i32
    %c0_i32_0 = arith.constant 0 : i32
    %c0_i32_1 = arith.constant 0 : i32
    return %c0_i32, %c0_i32_0 : i32, i32
  }
  func.func @transform_2(%arg0: i32) -> (i32, i32) {
    %c0_i32 = arith.constant 0 : i32
    %c0_i32_0 = arith.constant 0 : i32
    %c0_i32_1 = arith.constant 0 : i32
    return %c0_i32, %c0_i32_0 : i32, i32
  }
  func.func @transform_3(%arg0: i32) -> (i32, i32) {
    %c0_i32 = arith.constant 0 : i32
    %c0_i32_0 = arith.constant 0 : i32
    %c0_i32_1 = arith.constant 0 : i32
    return %c0_i32, %c0_i32_0 : i32, i32
  }
  func.func @transform_4(%arg0: i32) -> (i32, i32) {
    %c0_i32 = arith.constant 0 : i32
    %c0_i32_0 = arith.constant 0 : i32
    %c0_i32_1 = arith.constant 0 : i32
    return %c0_i32, %c0_i32_0 : i32, i32
  }
  func.func @transform_5(%arg0: i32) -> (i32, i32) {
    %c0_i32 = arith.constant 0 : i32
    %c0_i32_0 = arith.constant 0 : i32
    return %arg0, %c0_i32 : i32, i32
  }
}

</mosaic_0001>

<sc_bundles>
// kernel: kernel.7.cloned.1.call-start
scs
__scs_entry_jumppad:
0x0: {  	(pc) =	sbr.rel $0x88, $3  }
0x1: {  	(tag) =	ssettag $0x0;
	lr =	simm.s32 $0x1  }
0x2: {  	[smem:$0x3F98] =	sst lr;
	_ =	strace $0xD0000000  }
0x3: {  	_ = 	snop  }
0x4: {  	_ = 	snop  }
0x5: {  	_ = 	snop  }
0x6: {  	_ = 	snop  }
0x7: {  	_ = 	snop  }
__scs_overlays_trampoline_lowered:
0x8: {  	[smem:$0x3FA7] =	sst s0  }
0x9: {  	[smem:$0x3FA8] =	sst s1  }
0xa: {  	[smem:$0x3FA9] =	sst s2  }
0xb: {  	[smem:$0x3FAA] =	sst s3  }
0xc: {  	[smem:$0x3FAB] =	sst s4  }
0xd: {  	[smem:$0x3FAC] =	sst s5  }
0xe: {  	[smem:$0x3FAD] =	sst s6  }
0xf: {  	[smem:$0x3FAE] =	sst s7  }
0x10: {  	[smem:$0x3FAF] =	sst s8  }
0x11: {  	[smem:$0x3FB0] =	sst s9;
	s0 =	simm.s32 @!p0 $0x0  }
0x12: {  	s1 =	sld [smem:$0x3F96];
	s0 =	simm.s32 @p0 $0x1  }
0x13: {  	[smem:$0x3FB1] =	sst s0;
	s0 =	simm.s32 @!p1 $0x0  }
0x14: {  	s2 =	sld [smem:$0x3F95];
	s0 =	simm.s32 @p1 $0x1  }
0x15: {  	[smem:$0x3FB2] =	sst s0;
	s0 =	simm.s32 @!p2 $0x0  }
0x16: {  	s3 =	sld [smem:$0x3FDB];
	s0 =	simm.s32 @p2 $0x1  }
0x17: {  	s4 =	simm.s32 $0x1BF5;
	[smem:$0x3FB4] =	sst s0  }
0x18: {  	s0 =	sld [smem:$0x3F97];
	_ =	swait.ge [sflag:s4], $0x0  }
0x19: {  	s7 =	sld [smem:$0x3F98]  }
0x1a: {  	s8 =	sadd.s32 $0xFFFFE003, lr  }
0x1b: {  	s9 =	sadd.s32 $0xFFFFFEF7, lr;
	s5 =	simm.s32 $0xFFFFFFFF;
	p2 =	slt.u32 s8, $0xFFFFF086  }
0x1c: {  	p1 =	slt.u32 s9, $0xF7A;
	s5 =	simm.s32 @!p2 $0x0  }
0x1d: {  	s5 =	simm.s32 @p1 $0x1;
	p0 =	seq.s32 s7, s2  }
0x1e: {  	s7 =	smul.u32 @!p0 $0xF7A, s2;
	p2 =	seq.s32 @!p0 s5, $0x0  }
0x1f: {  	s9 =	smul.u32 $0xF7A, s1;
	s8 =	simm.s32 @!p0 $0x1BF5;
	p2 =	por !p2, p0  }
0x20: {  	[sflag:s8] =	ssyncset.s32 @!p0 $0xFFFFF086;
	s6 =	sadd.s32 @!p0 s3, s7;
	s7 =	simm.s32 @!p0 $0x108  }
0x21: {  	s3 =	sadd.s32 s3, s9;
	s6 =	sadd.s32 @!p0 $0x88, s6;
	s7 =	simm.s32 @p2 $0x1082  }
0x22: {  	[simem:s7], [sflag:s8] =	dma.local @!p0 [hbm:s6], $0xF7A  }
0x23: {  	s9 =	sor.u32 $0xD0000000, s2;
	s6 =	simm.s32 $0x108;
	_ =	swait.ge @!p0 [sflag:s8], $0x0  }
0x24: {  	s3 =	sadd.s32 $0x88, s3;
	s6 =	simm.s32 @!p1 $0x1082;
	[sflag:s4] =	ssyncset.s32 $0xFFFFF086  }
0x25: {  	[simem:s6], [sflag:s4] =	dma.local [hbm:s3], $0xF7A  }
0x26: {  	[smem:$0x3F98] =	sst s1;
	(tag) =	ssettag s2;
	_ =	strace s9  }
0x27: {  	s1 =	sld [smem:$0x3FA8]  }
0x28: {  	s2 =	sld [smem:$0x3FA9]  }
0x29: {  	s4 =	sld [smem:$0x3FAB]  }
0x2a: {  	p0 =	seq.s32 s5, $0x0;
	s5 =	sld [smem:$0x3FAC]  }
0x2b: {  	s6 =	sld [smem:$0x3FAD]  }
0x2c: {  	s7 =	sld [smem:$0x3FAE]  }
0x2d: {  	s3 =	simm.s32 $0x108;
	s8 =	sld [smem:$0x3FAF]  }
0x2e: {  	s3 =	simm.s32 @!p0 $0x1082;
	s9 =	sld [smem:$0x3FB0]  }
0x2f: {  	lr =	sadd.s32 s0, s3;
	s0 =	sld [smem:$0x3FA7]  }
0x30: {  	s3 =	sld [smem:$0x3FAA]  }
0x31: {  	[smem:$0x3FB3] =	sst s10  }
0x32: {  	s10 =	sld [smem:$0x3FB1];
	_ =	sdelay $0x3  }
0x33: {  	p0 =	seq.s32 s10, $0x1;
	s10 =	sld [smem:$0x3FB3];
	_ =	sdelay $0x3  }
0x34: {  	[smem:$0x3FB3] =	sst s10  }
0x35: {  	s10 =	sld [smem:$0x3FB2];
	_ =	sdelay $0x3  }
0x36: {  	p1 =	seq.s32 s10, $0x1;
	s10 =	sld [smem:$0x3FB3];
	_ =	sdelay $0x3  }
0x37: {  	[smem:$0x3FB3] =	sst s10  }
0x38: {  	s10 =	sld [smem:$0x3FB4]  }
0x39: {  	_ = 	snop;
	(pc) =	sbr.ind lr, $3  }
0x3a: {  	_ = 	snop  }
0x3b: {  	_ = 	snop  }
0x3c: {  	p2 =	seq.s32 s10, $0x1;
	s10 =	sld [smem:$0x3FB3]  }
0x3d: {  	_ =	shalt  }
0x3e: {  	_ =	shalt  }
0x3f: {  	_ =	shalt  }
0x40: {  	_ =	shalt  }
0x41: {  	_ =	shalt  }
0x42: {  	_ =	shalt  }
0x43: {  	_ =	shalt  }
0x44: {  	_ =	shalt  }
0x45: {  	_ =	shalt  }
0x46: {  	_ =	shalt  }
0x47: {  	_ =	shalt  }
0x48: {  	_ =	shalt  }
0x49: {  	_ =	shalt  }
0x4a: {  	_ =	shalt  }
0x4b: {  	_ =	shalt  }
0x4c: {  	_ =	shalt  }
0x4d: {  	_ =	shalt  }
0x4e: {  	_ =	shalt  }
0x4f: {  	_ =	shalt  }
0x50: {  	_ =	shalt  }
0x51: {  	_ =	shalt  }
0x52: {  	_ =	shalt  }
0x53: {  	_ =	shalt  }
0x54: {  	_ =	shalt  }
0x55: {  	_ =	shalt  }
0x56: {  	_ =	shalt  }
0x57: {  	_ =	shalt  }
0x58: {  	_ =	shalt  }
0x59: {  	_ =	shalt  }
0x5a: {  	_ =	shalt  }
0x5b: {  	_ =	shalt  }
0x5c: {  	_ =	shalt  }
0x5d: {  	_ =	shalt  }
0x5e: {  	_ =	shalt  }
0x5f: {  	_ =	shalt  }
0x60: {  	_ =	shalt  }
0x61: {  	_ =	shalt  }
0x62: {  	_ =	shalt  }
0x63: {  	_ =	shalt  }
0x64: {  	_ =	shalt  }
0x65: {  	_ =	shalt  }
0x66: {  	_ =	shalt  }
0x67: {  	_ =	shalt  }
0x68: {  	_ =	shalt  }
0x69: {  	_ =	shalt  }
0x6a: {  	_ =	shalt  }
0x6b: {  	_ =	shalt  }
0x6c: {  	_ =	shalt  }
0x6d: {  	_ =	shalt  }
0x6e: {  	_ =	shalt  }
0x6f: {  	_ =	shalt  }
0x70: {  	_ =	shalt  }
0x71: {  	_ =	shalt  }
0x72: {  	_ =	shalt  }
0x73: {  	_ =	shalt  }
0x74: {  	_ =	shalt  }
0x75: {  	_ =	shalt  }
0x76: {  	_ =	shalt  }
0x77: {  	_ =	shalt  }
0x78: {  	_ =	shalt  }
0x79: {  	_ =	shalt  }
0x7a: {  	_ =	shalt  }
0x7b: {  	_ =	shalt  }
0x7c: {  	_ =	shalt  }
0x7d: {  	_ =	shalt  }
0x7e: {  	_ =	shalt  }
0x7f: {  	_ =	shalt  }
0x80: {  	_ =	shalt  }
0x81: {  	_ =	shalt  }
0x82: {  	_ =	shalt  }
0x83: {  	_ =	shalt  }
0x84: {  	_ =	shalt  }
0x85: {  	_ =	shalt  }
0x86: {  	_ =	shalt  }
0x87: {  	_ =	shalt  }
.Lfunc_end0:
.L_simem_size_0:
called_computation_lowered:
.L_overlay_start_0:
0x88: {  	s2 =	sld [smem:$0x3FD9]  }
0x89: {  	s3 =	sld [smem:$0x3FFE];
	_ =	sdelay $0x1  }
0x8a: {  	s1 =	srdreg.scid  }
0x8b: {  	s0 =	sand.u32 $0x1, s1  }
0x8c: {  	s17 =	sshll.u32 s0, $0xA;
	s2 =	sadd.s32 s3, s2  }
0x8d: {  	s2 =	sadd.s32 s2, s17  }
0x8e: {  	[smem:$0x3FBF] =	sst s2  }
0x8f: {  	_ = 	snop  }
0x90: {  	s2 =	sld [smem:$0x3FC5]  }
0x91: {  	s18 =	sld [smem:$0x3FD0];
	(tm) =	ssettm $0x1  }
0x92: {  	s4 =	sld [smem:$0x3FFB];
	_ =	sdelay $0x3  }
0x93: {  	_ =	strace s4  }
0x94: {  	s4 =	sld [smem:$0x3FFC];
	_ =	sdelay $0x3  }
0x95: {  	_ =	strace s4  }
0x96: {  	s4 =	sld [smem:$0x3FFD];
	_ =	sdelay $0x3  }
0x97: {  	_ =	strace s4  }
0x98: {  	_ =	strace $0x8FFFFFFF  }
0x99: {  	s19 =	sld [smem:$0x3FDB];
	_ =	sdelay $0x1  }
0x9a: {  	s5 =	simm.s32 $_scs_section_size  }
0x9b: {  	s6 =	simm.s32 $_size__tile_overlayer_lowered;
	s7 =	simm.s32 $_tile_overlayer_lowered  }
0x9c: {  	s22 =	simm.s32 $0x1BFF;
	s21 =	sshll.u32 s7, $0x1;
	s4 =	sadd.s32 s5, s19  }
0x9d: {  	s8 =	simm.s32 $0x0;
	s20 =	sshll.u32 s6, $0x1;
	s6 =	sadd.s32 s21, s4  }
0x9e: {  	[timem:s8], [sflag:s22] =	dma.local [hbm:s6], s20  }
0x9f: {  	_ =	swait.ge [sflag:s22], s20  }
0xa0: {  	s5 =	ssub.s32 $0x0, s20;
	[sflag:s22] =	ssyncset.done $0x0  }
0xa1: {  	[sflag:s22] =	ssyncadd.s32 s5;
	_ =	sdelay $0x1  }
0xa2: {  	s23 =	simm.s32 $0x1B8B  }
0xa3: {  	_ =	swait.ge [sflag:s23], $0x1  }
0xa4: {  	[sflag:s23] =	ssyncset.done $0x0  }
0xa5: {  	s25 =	simm.s32 $0x1B8E;
	s24 =	sld [smem:$0x3FFE];
	[sflag:s23] =	ssyncadd.s32 $0xFFFFFFFF  }
0xa6: {  	s26 =	simm.s32 $execute0_lowered;
	[smem:$0x3FD2] =	sst s25  }
0xa7: {  	s6 =	sshll.u32 s26, $0x1;
	_ =	strace $0x80000046;
	[dreg:$0x1] =	wrdreg $0xFFFFFFFF  }
0xa8: {  	s28 =	simm.s32 $_size_execute0_lowered;
	s4 =	sadd.s32 s4, s6;
	[dreg:$0x0] =	wrdreg $0x0  }
0xa9: {  	s6 =	sshll.u32 s28, $0x1;
	[dreg:$0x2] =	wrdreg s4  }
0xaa: {  	[dreg:$0x3] =	wrdreg s6  }
0xab: {  	[dreg:$0x4] =	wrdreg $0xC0  }
0xac: {  	_ =	task [dreg:s8], $0x5FFFF  }
0xad: {  	[dreg:$0x1] =	wrdreg $0xFFFFFFFF  }
0xae: {  	[dreg:$0x0] =	wrdreg $0x60  }
0xaf: {  	[dreg:$0x2] =	wrdreg s18  }
0xb0: {  	[dreg:$0x3] =	wrdreg s24  }
0xb1: {  	[dreg:$0x4] =	wrdreg s2  }
0xb2: {  	[dreg:$0x5] =	wrdreg $0xBB000  }
0xb3: {  	[dreg:$0x6] =	wrdreg $0x9  }
0xb4: {  	_ =	task.clear_ibuf [dreg:s8], $0x7FFFF;
	_ =	strace $0x90000046  }
0xb5: {  	s29 =	simm.s32 $0x9;
	_ =	strace $0x80000048  }
0xb6: {  	_ =	swait.ge [sflag:s29], $0x1  }
0xb7: {  	[sflag:s29] =	ssyncadd.s32 $0xFFFFFFFF  }
0xb8: {  	_ =	strace $0x90000048  }
0xb9: {  	_ =	sfence  }
0xba: {  	s30 =	sld [smem:$0x0];
	_ =	sdelay $0x2  }
0xbb: {  	s31 =	sshll.u32 s1, $0xD;
	s1 =	sshrl.u32 s1, $0x2  }
0xbc: {  	s3 =	sand.u32 $0x4000, s31;
	s1 =	sadd.s32 s1, s30  }
0xbd: {  	s0 =	sor.u32 s3, s0;
	s1 =	sshll.u32 s1, $0x11  }
0xbe: {  	s0 =	sor.u32 s1, s0  }
0xbf: {  	s0 =	sadd.s32 $0x8F2B, s0  }
0xc0: {  	[sflag:s0] =	ssyncadd.remote.s32 $0x1  }
0xc1: {  	_ =	sfence.sel $0xFFFF  }
0xc2: {  	[dreg:$0x0] =	wrdreg $0xFFFFFFFF;
	(pc) =	sbr.abs _section_cstart, $3  }
0xc3: {  	[dreg:$0x1] =	wrdreg $0xFFFFFFFF  }
0xc4: {  	_ =	task.clear_ibuf [dreg:s8], $0x2FFFF;
	_ =	strace $0x9FFFFFFF  }
0xc5: {  	(tm) =	ssettm $0x7FFFFFFF  }
tec
execute0_lowered:
.L_overlay_start_1:
0x0: {  	(tag) =	ssettag $0x1  }
0x1: {  	v0 =	vimm.s32 $0xEFCDAB89;
	v1 =	vimm.s32 $0x67452301;
	v2 =	vimm.s32 $0xDCFE98BA  }
0x2: {  	v3 =	vimm.s32 $0x54761032;
	v4 =	vimm.s32 $0xBA98FEDC;
	v5 =	vimm.s32 $0x32107654  }
0x3: {  	v6 =	vimm.s32 $0xFEDCBA98;
	v7 =	vimm.s32 $0x76543210;
	v43 =	vimm.s32 $0xFEDCBA9  }
0x4: {  	v44 =	vimm.s32 $0x87654321;
	v45 =	vimm.s32 $0x10FEDCBA;
	v0 =	vunpack.c.l.s4.s8 v0  }
0x5: {  	v1 =	vunpack.c.l.s4.s8 v1;
	v2 =	vunpack.c.l.s4.s8 v2;
	v3 =	vunpack.c.l.s4.s8 v3  }
0x6: {  	v4 =	vunpack.c.l.s4.s8 v4;
	v5 =	vunpack.c.l.s4.s8 v5;
	v6 =	vunpack.c.l.s4.s8 v6  }
0x7: {  	v0 =	vunpack.c.0.s8.s32 v0;
	v2 =	vunpack.c.0.s8.s32 v2;
	v3 =	vunpack.c.0.s8.s32 v3  }
0x8: {  	v1 =	vunpack.c.0.s8.s32 v1;
	v4 =	vunpack.c.0.s8.s32 v4;
	v5 =	vunpack.c.0.s8.s32 v5  }
0x9: {  	v46 =	vimm.s32 $0x98765432;
	v7 =	vunpack.c.l.s4.s8 v7;
	v39 =	vcombine.low v3, v2  }
0xa: {  	s1 =	rddreg [dreg:$0x1];
	s12 =	simm.s32 $0x0;
	v40 =	vunpack.c.0.s8.s32 v6;
	v0 =	vcombine.low v1, v0;
	v41 =	vcombine.low v5, v4  }
0xb: {  	[smem:$0x7FF] =	sst s12;
	v4 =	vunpack.c.0.s8.s32 v7;
	v1 =	vunpack.c.l.s4.s8 v44;
	v37 =	vand.u32 $0xF, v39  }
0xc: {  	s26 =	rddreg [dreg:$0x3];
	_ =	strace $0x80000047;
	v42 =	vand.u32 $0xF, v40;
	v2 =	vunpack.c.l.s4.s8 v45;
	v20 =	vand.u32 $0xF, v41;
	[tilespmem:$0x1FFC0] =	vst v37  }
0xd: {  	v3 =	vunpack.c.l.s4.s8 v46;
	v35 =	vand.u32 $0xF, v0;
	v1 =	vunpack.c.0.s8.s32 v1;
	[tilespmem:$0x1FFD0] =	vst v20  }
0xe: {  	v50 =	vimm.s32 $0x3210FEDC;
	v34 =	vcombine.low v42, v4;
	v2 =	vunpack.c.0.s8.s32 v2;
	[tilespmem:$0x1FFF0] =	vst v35  }
0xf: {  	s2 =	srdreg.scid;
	s9 =	stileid.u32;
	s29 =	simm.s32 $0x1;
	v0 =	vunpack.c.l.s4.s8 v43;
	v4 =	vimm.s32 $0x210FEDCB;
	v3 =	vunpack.c.0.s8.s32 v3;
	[tilespmem:$0x1FEC0] =	vst v1  }
0x10: {  	s30 =	simm.s32 $0x2;
	s31 =	simm.s32 $0x8A00;
	s2 =	sand.u32 $0x1, s2;
	v5 =	vimm.s32 $0xA9876543;
	v47 =	vunpack.c.l.s4.s8 v4;
	[tilespmem:$0x1FED0] =	vst v2  }
0x11: {  	v58 =	vimm.s32 $0xDCBA9876;
	s3 =	sshll.u32 s9, $0x1;
	s4 =	sshrl.u32 s9, $0x2;
	s17 =	smul.u32 $0x50000, s9;
	v4 =	vunpack.c.l.s4.s8 v5;
	v7 =	vunpack.c.0.s8.s32 v0;
	[tilespmem:$0x1FEE0] =	vst v3  }
0x12: {  	s6 =	sadd.s32 $0x16000, s1;
	s7 =	sadd.s32 $0xBC00, s1;
	s28 =	smul.u32 $0x2800, s9;
	[tilespmem:$0x1FFE0] =	vst v34;
	v5 =	vunpack.c.0.s8.s32 v47  }
0x13: {  	s8 =	sadd.s32 $0x1800, s1;
	s3 =	sor.u32 s2, s3;
	s4 =	smul.u32 $0x14000, s4;
	v49 =	vcombine.low v3, v2;
	v2 =	vunpack.c.l.s4.s8 v50;
	v4 =	vunpack.c.0.s8.s32 v4;
	[tilespmem:$0x1FEB0] =	vst v7  }
0x14: {  	v56 =	vimm.s32 $0xCBA98765;
	s10 =	smul.u32 $0x28000, s2;
	s2 =	ssub.s32 $0x2, s2;
	s5 =	sshll.u32 s3, $0x7;
	v3 =	vunpack.c.l.s4.s8 v58;
	[tilespmem:$0x1FEF0] =	vst v5  }
0x15: {  	v57 =	vimm.s32 $0x543210FE;
	s13 =	smul.u32 $0x2880, s3;
	s19 =	sshrl.u32 s2, $0x1;
	s5 =	sand.u32 $0x380, s5;
	v8 =	vand.u32 $0xF, v49;
	v53 =	vunpack.c.0.s8.s32 v2;
	[tilespmem:$0x1FF00] =	vst v4  }
0x16: {  	s18 =	sadd.s32 s10, s1;
	s2 =	ssub.s32 s2, s19;
	s19 =	simm.s32 $0x5;
	v48 =	vcombine.low v1, v7;
	v1 =	vunpack.c.l.s4.s8 v56;
	v61 =	vunpack.c.0.s8.s32 v3;
	[tilespmem:$0x1FF90] =	vst v8  }
0x17: {  	s4 =	sor.u32 s4, s5;
	s5 =	sshrl.u32 s17, $0x2;
	s11 =	sshrl.u32 s13, $0x3;
	v2 =	vunpack.c.l.s4.s8 v57;
	v51 =	vcombine.low v4, v5;
	[tilespmem:$0x1FF10] =	vst v53  }
0x18: {  	s24 =	sadd.s32 $0x1480, s13;
	s25 =	sadd.s32 $0x3E000, s18;
	s2 =	smax.u32 s2, $0x1;
	v4 =	vimm.s32 $0xBA987654;
	v7 =	vand.u32 $0xF, v48;
	v59 =	vunpack.c.0.s8.s32 v1;
	[tilespmem:$0x1FF60] =	vst v61  }
0x19: {  	s18 =	simm.s32 $0x8B00;
	s4 =	sshrl.u32 s4, $0x3;
	[dreg:$0xa] =	wrdreg s24;
	v5 =	vimm.s32 $0xEDCBA987;
	v52 =	vunpack.c.l.s4.s8 v4;
	v60 =	vunpack.c.0.s8.s32 v2;
	[tilespmem:$0x1FF80] =	vst v7  }
0x1a: {  	v54 =	vimm.s32 $0x43210FED;
	s10 =	sadd.s32 s5, s26;
	s0 =	sadd.s32 s7, s11;
	[dreg:$0xc] =	wrdreg s2;
	v4 =	vimm.s32 $0x6543210F;
	v5 =	vunpack.c.l.s4.s8 v5;
	[tilespmem:$0x1FF40] =	vst v59  }
0x1b: {  	s20 =	sadd.s32 $0x288, s11;
	s21 =	sadd.s32 s8, s11;
	[dreg:$0x6] =	wrdreg s0;
	v9 =	vand.u32 $0xF, v51;
	v4 =	vunpack.c.l.s4.s8 v4;
	v0 =	vunpack.c.0.s8.s32 v52;
	[tilespmem:$0x1FF50] =	vst v60  }
0x1c: {  	v55 =	vunpack.c.l.s4.s8 v54;
	s2 =	simm.s32 $0x9300;
	[dreg:$0x7] =	wrdreg s21;
	s22 =	sadd.s32 s7, s20;
	v63 =	vunpack.c.0.s8.s32 v5;
	[tilespmem:$0x1FFA0] =	vst v9  }
0x1d: {  	s1 =	sadd.s32 s4, s1;
	s23 =	sadd.s32 s8, s20;
	[dreg:$0x8] =	wrdreg s22;
	v62 =	vunpack.c.0.s8.s32 v4;
	[tilespmem:$0x1FF20] =	vst v0  }
0x1e: {  	s0 =	smov.u32 s13;
	[dreg:$0x9] =	wrdreg s23;
	s1 =	sadd.s32 $0x8E000, s1;
	v0 =	vunpack.c.0.s8.s32 v55;
	[tilespmem:$0x1FFB0] =	vst v63  }
0x1f: {  	s21 =	simm.s32 $0x40;
	[dreg:$0xb] =	wrdreg s1;
	s1 =	sadd.s32 s28, s25;
	[tilespmem:$0x1FF70] =	vst v62  }
0x20: {  	v31 =	vlaneseq.u32;
	v6 =	vimm.f32 $0.0e+00;
	s20 =	simm.s32 $0x4;
	[dreg:$0xd] =	wrdreg s1;
	s1 =	simm.s32 $0x3;
	[tilespmem:$0x1FF30] =	vst v0  }
.LBB2_1:
0x21: {  	s3 =	simm.s32 $0x0;
	s4 =	simm.s32 $0x200  }
.LBB2_2:
0x22: {  	p0 =	sne.s32 s4, $0x1E00;
	[tilespmem:s3+$0x8B70] =	vst v6  }
0x23: {  	[tilespmem:s3+$0x8B00] =	vst v6  }
0x24: {  	[tilespmem:s3+$0x8B10] =	vst v6  }
.Ltmp0:
0x25: {  	[tilespmem:s3+$0x8B20] =	vst v6;
	(pc) =	sbr.rel @p0 .LBB2_2-.Ltmp0, $4  }
0x26: {  	[tilespmem:s3+$0x8B30] =	vst v6  }
0x27: {  	[tilespmem:s3+$0x8B40] =	vst v6  }
0x28: {  	[tilespmem:s3+$0x8B50] =	vst v6  }
0x29: {  	[tilespmem:s3+$0x8B60] =	vst v6;
	s3 =	sshra.s32 s4, $0x2;
	s4 =	sadd.s32 $0x200, s4  }
0x2a: {  	[tilespmem:s3+$0x8B70] =	vst v6  }
0x2b: {  	[tilespmem:s3+$0x8B00] =	vst v6  }
0x2c: {  	[tilespmem:s3+$0x8B10] =	vst v6  }
0x2d: {  	[tilespmem:s3+$0x8B20] =	vst v6  }
0x2e: {  	[tilespmem:s3+$0x8B30] =	vst v6  }
0x2f: {  	[tilespmem:s3+$0x8B40] =	vst v6  }
0x30: {  	[tilespmem:s3+$0x8B50] =	vst v6  }
0x31: {  	[tilespmem:s3+$0x8B60] =	vst v6;
	s3 =	simm.s32 $0x40;
	s4 =	simm.s32 $0x0  }
.LBB2_4:
0x32: {  	p0 =	sne.s32 s3, $0x9FC0;
	[tilespmem:s4+$0x9300] =	vst v6;
	s4 =	smov.u32 s3;
	s3 =	sadd.s32 $0x40, s3  }
.Ltmp1:
0x33: {  	(pc) =	sbr.rel @p0 .LBB2_4-.Ltmp1, $2  }
0x34: {  	_ =	sdelay $0x2  }
0x35: {  	s4 =	sshra.s32 s4, $0x2  }
0x36: {  	[dreg:$0x5] =	wrdreg s12;
	[tilespmem:s4+$0x9300] =	vst v6;
	s3 =	sadd.s32 $0x0, s10  }
0x37: {  	[spmem:s3] =	stream.linear.scatter [tilespmem:s18], [sflag:$0x5], $0x800, $0x38;
	[tilespmem:$0x1FB00] =	vst v63  }
0x38: {  	s3 =	simm.s32 $0x2000;
	_ =	swait.ge [sflag:s19], $0x800  }
.LBB2_6:
0x39: {  	s4 =	sshra.s32 s3, $0x2;
	[sflag:s19] =	ssyncset.done $0x0;
	p0 =	sne.s32 s3, $0x4E000  }
.Ltmp2:
0x3a: {  	s4 =	sadd.s32 s4, s10;
	[sflag:s19] =	ssyncadd.s32 $0xFFFFF800;
	(pc) =	sbr.rel @p0 .LBB2_6-.Ltmp2, $3  }
0x3b: {  	[spmem:s4] =	stream.linear.scatter [tilespmem:s18], [sflag:$0x5], $0x800, $0x38;
	[tilespmem:$0x1FB00] =	vst v63  }
0x3c: {  	s3 =	sadd.s32 $0x2000, s3;
	_ =	sdelay $0x1  }
0x3d: {  	_ =	swait.ge [sflag:s19], $0x800  }
0x3e: {  	[sflag:s19] =	ssyncset.done $0x0  }
0x3f: {  	[sflag:s19] =	ssyncadd.s32 $0xFFFFF800  }
0x40: {  	[bflag:$0x0] =	sbarrier.arrive $0xFFFF  }
0x41: {  	s11 =	simm.s32 $0x0;
	s4 =	simm.s32 $0x8A80;
	s3 =	rddreg [dreg:$0x2]  }
0x42: {  	[tilespmem:s4], [sflag:$0x5] =	stream.linear.gather [hbm4b:s3+s11], $0x80, $0x38;
	[tilespmem:$0x1FB00] =	vst v63  }
0x43: {  	_ =	swait.ge [sflag:s19], $0x80  }
0x44: {  	[sflag:s19] =	ssyncset.done $0x0  }
0x45: {  	[sflag:s19] =	ssyncadd.s32 $0xFFFFFF80  }
0x46: {  	v50 =	vld [tilespmem:$0x8A80]  }
0x47: {  	v47 =	vld [tilespmem:$0x8A90]  }
0x48: {  	v48 =	vld [tilespmem:$0x8AA0]  }
0x49: {  	v0 =	vld [tilespmem:$0x8AC0]  }
0x4a: {  	v60 =	vld [tilespmem:$0x8AD0]  }
0x4b: {  	v61 =	vld [tilespmem:$0x8AE0]  }
0x4c: {  	s14 =	rddreg [dreg:$0x6];
	v63 =	vld [tilespmem:$0x8AF0]  }
0x4d: {  	v62 =	vld [tilespmem:$0x8AB0];
	[tilespmem:s11], [sflag:$0x5] =	stream.linear.gather [hbm4b:s14+s11], $0x240, $0x38  }
0x4e: {  	[tilespmem:$0x1FE30] =	vst v0  }
0x4f: {  	[tilespmem:$0x1FE40] =	vst v60  }
0x50: {  	[tilespmem:$0x1FE50] =	vst v61  }
0x51: {  	[tilespmem:$0x1FE60] =	vst v63  }
0x52: {  	_ =	swait.ge [sflag:s19], $0x240  }
0x53: {  	[sflag:s19] =	ssyncset.done $0x0  }
0x54: {  	s28 =	simm.s32 $0x280;
	s15 =	rddreg [dreg:$0x7];
	[sflag:s19] =	ssyncadd.s32 $0xFFFFFDC0  }
0x55: {  	[tilespmem:s28], [sflag:$0x5] =	stream.linear.gather [hbm4b:s15+s11], $0x240, $0x38;
	[tilespmem:$0x1FB00] =	vst v63  }
0x56: {  	_ =	swait.ge [sflag:s19], $0x240  }
0x57: {  	[sflag:s19] =	ssyncset.done $0x0  }
0x58: {  	[sflag:s19] =	ssyncadd.s32 $0xFFFFFDC0  }
0x59: {  	s17 =	simm.s32 $0x500;
	s16 =	rddreg [dreg:$0x0]  }
0x5a: {  	[tilespmem:s17], [sflag:$0x1] =	stream.indirect.gather [hbm4b:s16+s21], $0x80, s11, s21, $0xb8;
	[tilespmem:$0x1FB00] =	vst v63  }
0x5b: {  	s22 =	simm.s32 $0x2500  }
0x5c: {  	[tilespmem:s22], [sflag:$0x2] =	stream.indirect.gather [hbm4b:s6+s21], $0x80, s28, s21, $0xb8;
	[tilespmem:$0x1FB00] =	vst v63  }
0x5d: {  	s9 =	simm.s32 $0x4500;
	s23 =	rddreg [dreg:$0x8]  }
0x5e: {  	[tilespmem:s9], [sflag:$0x5] =	stream.linear.gather [hbm4b:s23+s11], $0x240, $0x38;
	[tilespmem:$0x1FB00] =	vst v63  }
0x5f: {  	_ =	swait.ge [sflag:s19], $0x240  }
0x60: {  	[sflag:s19] =	ssyncset.done $0x0  }
0x61: {  	s4 =	simm.s32 $0x4780;
	s5 =	rddreg [dreg:$0x9];
	[sflag:s19] =	ssyncadd.s32 $0xFFFFFDC0  }
0x62: {  	[tilespmem:s4], [sflag:$0x5] =	stream.linear.gather [hbm4b:s5+s11], $0x240, $0x38;
	[tilespmem:$0x1FB00] =	vst v63  }
0x63: {  	_ =	swait.ge [sflag:s19], $0x240  }
0x64: {  	[tilespmem:$0x1FE70] =	vst v50  }
0x65: {  	[sflag:s19] =	ssyncset.done $0x0;
	[tilespmem:$0x1FE80] =	vst v47  }
0x66: {  	s24 =	simm.s32 $0x4A00;
	[tilespmem:$0x1FE90] =	vst v48;
	[sflag:s19] =	ssyncadd.s32 $0xFFFFFDC0  }
0x67: {  	[tilespmem:s24], [sflag:$0x3] =	stream.indirect.gather [hbm4b:s16+s21], $0x80, s9, s21, $0xb8;
	[tilespmem:$0x1FB00] =	vst v63  }
0x68: {  	s25 =	simm.s32 $0x6A00;
	s12 =	simm.s32 $0x0;
	[tilespmem:$0x1FEA0] =	vst v62  }
0x69: {  	[tilespmem:s25], [sflag:$0x4] =	stream.indirect.gather [hbm4b:s6+s21], $0x80, s4, s21, $0xb8;
	[tilespmem:$0x1FB00] =	vst v63  }
.LBB2_8:
0x6a: {  	_ =	swait.ge [sflag:s29], $0x2000  }
0x6b: {  	[sflag:s29] =	ssyncset.done $0x0  }
0x6c: {  	[sflag:s29] =	ssyncadd.s32 $0xFFFFE000  }
0x6d: {  	_ =	swait.ge [sflag:s30], $0x2000  }
0x6e: {  	[sflag:s30] =	ssyncset.done $0x0;
	v33 =	vld [tilespmem:$0x1FE30]  }
0x6f: {  	s13 =	simm.s32 $0x580;
	v32 =	vld [tilespmem:$0x1FE40];
	[sflag:s30] =	ssyncadd.s32 $0xFFFFE000  }
0x70: {  	s3 =	simm.s32 $0x2580;
	v9 =	vld [tilespmem:s13+$0x0]  }
0x71: {  	v0 =	vld [tilespmem:s3+$0x0]  }
0x72: {  	v8 =	vld [tilespmem:s13+$0x10]  }
0x73: {  	v1 =	vld [tilespmem:s3+$0x10]  }
0x74: {  	v7 =	vld [tilespmem:s13+$0x20]  }
0x75: {  	v2 =	vld [tilespmem:s3+$0x20]  }
0x76: {  	v4 =	vld [tilespmem:s13+$0x30]  }
0x77: {  	v5 =	vld [tilespmem:s3+$0x30]  }
0x78: {  	v6 =	vld [tilespmem:s13+$0x40];
	v3 =	vadd.f32 v0, v9  }
0x79: {  	v11 =	vld [tilespmem:s3+$0x40]  }
0x7a: {  	v12 =	vld [tilespmem:s3+$0x50];
	v1 =	vadd.f32 v1, v8;
	v10 =	vmul.f32 $2.000000030e-01, v3  }
0x7b: {  	v49 =	vld [tilespmem:s13+$0x60];
	vm0 =	vgt.f32 v3, $0.0e+00  }
0x7c: {  	v15 =	vld [tilespmem:s3+$0x60];
	v2 =	vadd.f32 v2, v7;
	v3 =	vsel vm0, v3, v10;
	v10 =	vmul.f32 $2.000000030e-01, v1  }
0x7d: {  	v0 =	vld [tilespmem:s13+$0x50];
	vm0 =	vgt.f32 v1, $0.0e+00;
	v13 =	vmul.f32 v3, v50  }
0x7e: {  	v16 =	vld [tilespmem:s3+$0xFFFFFF80];
	v14 =	vadd.f32 v5, v4;
	v1 =	vsel vm0, v1, v10;
	v10 =	vmul.f32 $2.000000030e-01, v2  }
0x7f: {  	v18 =	vld [tilespmem:s13+$0xFFFFFF90];
	vm0 =	vgt.f32 v2, $0.0e+00;
	v13 =	vadd.f32 $0.0e+00, v13;
	v1 =	vmul.f32 v1, v47  }
0x80: {  	v17 =	vld [tilespmem:s13+$0xFFFFFFA0];
	v11 =	vadd.f32 v11, v6;
	v2 =	vsel vm0, v2, v10;
	v10 =	vmul.f32 $2.000000030e-01, v14  }
0x81: {  	v21 =	vld [tilespmem:s13+$0xFFFFFFB0];
	vm0 =	vgt.f32 v14, $0.0e+00;
	v1 =	vadd.f32 v1, v13;
	v2 =	vmul.f32 v2, v48  }
0x82: {  	v12 =	vadd.f32 v12, v0;
	v3 =	vld [tilespmem:s13+$0xFFFFFF80];
	v10 =	vsel vm0, v14, v10;
	v14 =	vmul.f32 $2.000000030e-01, v11  }
0x83: {  	v5 =	vld [tilespmem:s13+$0x70];
	vm0 =	vgt.f32 v11, $0.0e+00;
	v1 =	vadd.f32 v2, v1;
	v2 =	vmul.f32 v10, v62  }
0x84: {  	v13 =	vld [tilespmem:s3+$0x70];
	v10 =	vadd.f32 v15, v49;
	v11 =	vsel vm0, v11, v14;
	v14 =	vmul.f32 $2.000000030e-01, v12  }
0x85: {  	v15 =	vld [tilespmem:s3+$0xFFFFFF90];
	vm0 =	vgt.f32 v12, $0.0e+00;
	v1 =	vadd.f32 v2, v1;
	v2 =	vmul.f32 v11, v33  }
0x86: {  	v11 =	vsel vm0, v12, v14;
	v14 =	vld [tilespmem:s3+$0xFFFFFFA0]  }
0x87: {  	[tilespmem:$0x1FD70] =	vst v3;
	v1 =	vadd.f32 v2, v1;
	v2 =	vmul.f32 v11, v32;
	v11 =	vadd.f32 v16, v3;
	v3 =	vld [tilespmem:$0x1FE50];
	_ =	sdelay $0x1  }
0x88: {  	v24 =	vld [tilespmem:$0x1FE60];
	v12 =	vmul.f32 $2.000000030e-01, v10;
	v13 =	vadd.f32 v13, v5  }
0x89: {  	vm0 =	vgt.f32 v10, $0.0e+00  }
0x8a: {  	v10 =	vsel vm0, v10, v12;
	v12 =	vmul.f32 $2.000000030e-01, v13  }
0x8b: {  	v16 =	vld [tilespmem:s3+$0xFFFFFFB0];
	vm0 =	vgt.f32 v13, $0.0e+00;
	v1 =	vadd.f32 v2, v1;
	v2 =	vmul.f32 v10, v3  }
0x8c: {  	v22 =	vld [tilespmem:s13+$0xFFFFFFC0];
	[tilespmem:$0x1FD80] =	vst v18;
	v15 =	vadd.f32 v15, v18;
	v12 =	vsel vm0, v13, v12;
	v10 =	vmul.f32 $2.000000030e-01, v11  }
0x8d: {  	v13 =	vld [tilespmem:s3+$0xFFFFFFC0];
	vm0 =	vgt.f32 v11, $0.0e+00;
	[tilespmem:$0x1FD90] =	vst v17;
	v1 =	vadd.f32 v2, v1;
	v2 =	vmul.f32 v12, v24  }
0x8e: {  	v38 =	vld [tilespmem:s13+$0xFFFFFFD0];
	v10 =	vsel vm0, v11, v10;
	v11 =	vmul.f32 $2.000000030e-01, v15;
	v12 =	vadd.f32 v14, v17  }
0x8f: {  	vm0 =	vgt.f32 v15, $0.0e+00;
	v10 =	vmul.f32 v10, v50;
	v1 =	vadd.f32 v2, v1;
	v2 =	vld [tilespmem:s3+$0xFFFFFFD0];
	[tilespmem:$0x1FDA0] =	vst v21  }
0x90: {  	v11 =	vsel vm0, v15, v11;
	v15 =	vadd.f32 v16, v21;
	v21 =	vld [tilespmem:s13+$0xFFFFFFE0]  }
0x91: {  	s14 =	simm.s32 $0x680;
	v14 =	vmul.f32 $2.000000030e-01, v12;
	v10 =	vadd.f32 $0.0e+00, v10;
	v11 =	vmul.f32 v11, v47;
	v17 =	vld [tilespmem:s3+$0xFFFFFFE0];
	[tilespmem:$0x1FDB0] =	vst v22  }
0x92: {  	v13 =	vadd.f32 v13, v22;
	vm0 =	vgt.f32 v12, $0.0e+00;
	v25 =	vld [tilespmem:s14+$0x60]  }
0x93: {  	v18 =	vmul.f32 $2.000000030e-01, v15;
	v22 =	vld [tilespmem:s13+$0xFFFFFFF0];
	v10 =	vadd.f32 v11, v10;
	v11 =	vsel vm0, v12, v14  }
0x94: {  	v12 =	vld [tilespmem:s3+$0xFFFFFFF0];
	vm0 =	vgt.f32 v15, $0.0e+00;
	v11 =	vmul.f32 v11, v48  }
0x95: {  	v15 =	vsel vm0, v15, v18  }
0x96: {  	v10 =	vadd.f32 v11, v10;
	v11 =	vmul.f32 v15, v62;
	[tilespmem:$0x1FDC0] =	vst v21  }
0x97: {  	s9 =	simm.s32 $0x2680;
	[tilespmem:$0x1FE20] =	vst v25  }
0x98: {  	v10 =	vadd.f32 v11, v10;
	v15 =	vld [tilespmem:s9+$0x60];
	[tilespmem:$0x1FDD0] =	vst v22  }
0x99: {  	v11 =	vadd.f32 v17, v21;
	v17 =	vadd.f32 v12, v22;
	v12 =	vld [tilespmem:s14+$0x50]  }
0x9a: {  	v16 =	vperm.xlane v1, v35;
	_ =	sdelay $0x1  }
0x9b: {  	v1 =	vadd.f32 v1, v16;
	_ =	sdelay $0x1  }
0x9c: {  	v14 =	vmul.f32 $2.000000030e-01, v13;
	v16 =	vadd.f32 v2, v38;
	v2 =	vperm.xlane v1, v37;
	[tilespmem:$0x1FE10] =	vst v12  }
0x9d: {  	vm0 =	vgt.f32 v13, $0.0e+00;
	v29 =	vld [tilespmem:s14+$0x40]  }
0x9e: {  	v13 =	vsel vm0, v13, v14;
	v14 =	vmul.f32 $2.000000030e-01, v16;
	v1 =	vadd.f32 v1, v2  }
0x9f: {  	v13 =	vmul.f32 v13, v33;
	vm0 =	vgt.f32 v16, $0.0e+00  }
0xa0: {  	v14 =	vsel vm0, v16, v14;
	v18 =	vperm.xlane v1, v20;
	v16 =	vmul.f32 $2.000000030e-01, v11  }
0xa1: {  	v10 =	vadd.f32 v13, v10;
	v14 =	vmul.f32 v14, v32;
	vm0 =	vgt.f32 v11, $0.0e+00  }
0xa2: {  	v41 =	vmovc v20;
	v1 =	vadd.f32 v1, v18;
	v11 =	vsel vm0, v11, v16;
	v16 =	vmul.f32 $2.000000030e-01, v17;
	v20 =	vld [tilespmem:s9+$0x50];
	[tilespmem:$0x1FE00] =	vst v29  }
0xa3: {  	vm0 =	vgt.f32 v17, $0.0e+00;
	v10 =	vadd.f32 v14, v10;
	v11 =	vmul.f32 v11, v3;
	v21 =	vld [tilespmem:s9+$0x40]  }
0xa4: {  	v16 =	vsel vm0, v17, v16;
	v13 =	vld [tilespmem:s14+$0x30]  }
0xa5: {  	v17 =	vperm.xlane v1, v34;
	v10 =	vadd.f32 v11, v10;
	v11 =	vmul.f32 v16, v24;
	v22 =	vld [tilespmem:s9+$0x30]  }
0xa6: {  	v19 =	vld [tilespmem:s14+$0x0]  }
0xa7: {  	v1 =	vadd.f32 v1, v17;
	v10 =	vadd.f32 v11, v10;
	v11 =	vld [tilespmem:s9+$0x0]  }
0xa8: {  	v18 =	vld [tilespmem:s14+$0x10]  }
0xa9: {  	v16 =	vmul.f32 $1.442695020e+00, v1;
	v23 =	vld [tilespmem:s9+$0x10]  }
0xaa: {  	v1 =	vld [tilespmem:s14+$0x20]  }
0xab: {  	v17 =	vperm.xlane v10, v35;
	(erf) = vpow2.f32 v16;
	v27 =	vld [tilespmem:s9+$0x20]  }
0xac: {  	v28 =	vadd.f32 v20, v12  }
0xad: {  	s11 =	simm.s32 $0x1;
	vm0 =	veq.s32 v31, $0x0;
	v2 =	vadd.f32 v10, v17;
	v11 =	vadd.f32 v11, v19  }
0xae: {  	v10 =	vadd.f32 v15, v25;
	v15 =	vmov s11;
	v17 =	vadd.f32 v23, v18  }
0xaf: {  	v22 =	vadd.f32 v22, v13;
	v29 =	vadd.f32 v21, v29;
	v16 =	vmul.f32 $2.000000030e-01, v11  }
0xb0: {  	v20 =	vadd.f32 v27, v1;
	vm1 =	vgt.f32 v11, $0.0e+00;
	v21 =	vmul.f32 $2.000000030e-01, v17  }
0xb1: {  	vm2 =	vgt.f32 v22, $0.0e+00;
	vm3 =	vgt.f32 v29, $0.0e+00;
	v11 =	vsel vm1, v11, v16  }
0xb2: {  	v30 =	vld [tilespmem:s9+$0x70];
	v27 =	vmul.f32 $2.000000030e-01, v22;
	vm1 =	vgt.f32 v17, $0.0e+00;
	v11 =	vmul.f32 v11, v50  }
0xb3: {  	v31 =	vld [tilespmem:s9+$0xFFFFFF80];
	v16 =	vnsel vm0, $0x40, v15;
	v15 =	vsel vm1, v17, v21;
	v21 =	vmul.f32 $2.000000030e-01, v20  }
0xb4: {  	vm1 =	vgt.f32 v20, $0.0e+00;
	v17 =	vpop (erf);
	v23 =	vmul.f32 v15, v47;
	v15 =	vld [tilespmem:s14+$0x70];
	v11 =	vadd.f32 $0.0e+00, v11  }
0xb5: {  	v12 =	vld [tilespmem:s14+$0xFFFFFF80];
	v21 =	vsel vm1, v20, v21;
	v20 =	vmul.f32 v17, v9;
	vm1 =	vgt.f32 v28, $0.0e+00  }
0xb6: {  	v14 =	vld [tilespmem:s14+$0xFFFFFF90];
	v9 =	vadd.f32 v23, v11;
	v11 =	vmul.f32 v21, v48;
	v23 =	vmul.f32 v17, v8  }
0xb7: {  	v36 =	vld [tilespmem:s14+$0xFFFFFFA0];
	v8 =	vsel vm2, v22, v27;
	v27 =	vmul.f32 $2.000000030e-01, v29;
	v22 =	vmul.f32 v17, v7  }
0xb8: {  	v8 =	vmul.f32 v8, v62;
	v7 =	vadd.f32 v11, v9;
	v9 =	vmul.f32 $2.000000030e-01, v28;
	v11 =	vld [tilespmem:s9+$0xFFFFFF90]  }
0xb9: {  	v21 =	vmul.f32 v17, v4;
	v4 =	vsel vm3, v29, v27;
	v27 =	vadd.f32 v30, v15;
	v30 =	vld [tilespmem:s14+$0xFFFFFFB0]  }
0xba: {  	v7 =	vadd.f32 v8, v7;
	v8 =	vsel vm1, v28, v9;
	v28 =	vld [tilespmem:s9+$0xFFFFFFA0];
	[tilespmem:$0x1FDE0] =	vst v12  }
0xbb: {  	v4 =	vmul.f32 v4, v33;
	v29 =	vld [tilespmem:s9+$0xFFFFFFB0]  }
0xbc: {  	s16 =	simm.s32 $0x780;
	v25 =	vperm.xlane v2, v37;
	v9 =	vmul.f32 $2.000000030e-01, v10;
	vm1 =	vgt.f32 v10, $0.0e+00;
	v39 =	vld [tilespmem:s14+$0xFFFFFFC0];
	[tilespmem:$0x1FDF0] =	vst v14  }
0xbd: {  	s15 =	simm.s32 $0x2780;
	v4 =	vadd.f32 v4, v7;
	v7 =	vmul.f32 v8, v32;
	v8 =	vadd.f32 v31, v12;
	v54 =	vld [tilespmem:s16+$0x50]  }
0xbe: {  	v9 =	vsel vm1, v10, v9;
	v10 =	vmul.f32 $2.000000030e-01, v27;
	vm1 =	vgt.f32 v27, $0.0e+00;
	v58 =	vld [tilespmem:s15+$0x50]  }
0xbf: {  	v4 =	vadd.f32 v7, v4;
	v7 =	vmul.f32 v9, v3;
	v9 =	vmul.f32 $2.000000030e-01, v8  }
0xc0: {  	v11 =	vadd.f32 v11, v14;
	v10 =	vsel vm1, v27, v10;
	vm1 =	vgt.f32 v8, $0.0e+00  }
0xc1: {  	v27 =	vld [tilespmem:s9+$0xFFFFFFC0];
	v4 =	vadd.f32 v7, v4;
	v7 =	vmul.f32 v10, v24;
	v8 =	vsel vm1, v8, v9  }
0xc2: {  	v9 =	vmul.f32 $2.000000030e-01, v11;
	v10 =	vadd.f32 v28, v36;
	vm1 =	vgt.f32 v11, $0.0e+00  }
0xc3: {  	v44 =	vld [tilespmem:s14+$0xFFFFFFD0];
	v28 =	vadd.f32 v29, v30;
	v8 =	vmul.f32 v8, v50;
	v53 =	vadd.f32 v58, v54  }
0xc4: {  	v4 =	vadd.f32 v7, v4;
	v7 =	vld [tilespmem:s9+$0xFFFFFFD0];
	v9 =	vsel vm1, v11, v9;
	v11 =	vmul.f32 $2.000000030e-01, v10  }
0xc5: {  	v45 =	vld [tilespmem:s14+$0xFFFFFFE0];
	vm1 =	vgt.f32 v10, $0.0e+00;
	v8 =	vadd.f32 $0.0e+00, v8;
	v9 =	vmul.f32 v9, v47  }
0xc6: {  	v43 =	vmovc v30;
	v30 =	vld [tilespmem:s9+$0xFFFFFFE0];
	v31 =	vmul.f32 $2.000000030e-01, v28;
	v27 =	vadd.f32 v27, v39;
	v29 =	vperm.xlane v4, v35  }
0xc7: {  	v46 =	vld [tilespmem:s14+$0xFFFFFFF0];
	v8 =	vadd.f32 v9, v8;
	v9 =	vsel vm1, v10, v11;
	vm1 =	vgt.f32 v28, $0.0e+00  }
0xc8: {  	v11 =	vld [tilespmem:s9+$0xFFFFFFF0];
	v10 =	vadd.f32 v4, v29;
	v4 =	vmul.f32 v9, v48;
	v9 =	vmul.f32 $2.000000030e-01, v27  }
0xc9: {  	v28 =	vsel vm1, v28, v31;
	vm1 =	vgt.f32 v27, $0.0e+00;
	v7 =	vadd.f32 v7, v44  }
0xca: {  	v28 =	vmul.f32 v28, v62;
	v29 =	vperm.xlane v10, v37;
	v8 =	vadd.f32 v4, v8  }
0xcb: {  	v4 =	vmul.f32 v17, v6;
	v6 =	vsel vm1, v27, v9;
	v27 =	vadd.f32 v30, v45  }
0xcc: {  	v6 =	vmul.f32 v6, v33;
	v9 =	vadd.f32 v10, v29;
	v10 =	vmul.f32 $2.000000030e-01, v7  }
0xcd: {  	vm1 =	vgt.f32 v7, $0.0e+00;
	v8 =	vadd.f32 v28, v8;
	v28 =	vadd.f32 v11, v46  }
0xce: {  	v57 =	vld [tilespmem:s15+$0x40];
	v29 =	vperm.xlane v9, v41;
	v7 =	vsel vm1, v7, v10;
	v10 =	vmul.f32 $2.000000030e-01, v27  }
0xcf: {  	v31 =	vld [tilespmem:s15+$0x20];
	v6 =	vadd.f32 v6, v8;
	vm1 =	vgt.f32 v27, $0.0e+00;
	v7 =	vmul.f32 v7, v32  }
0xd0: {  	v11 =	vld [tilespmem:s16+$0x0];
	v9 =	vadd.f32 v9, v29;
	v8 =	vsel vm1, v27, v10;
	v27 =	vmul.f32 $2.000000030e-01, v28  }
0xd1: {  	v29 =	vld [tilespmem:s15+$0x0];
	vm1 =	vgt.f32 v28, $0.0e+00;
	v6 =	vadd.f32 v7, v6;
	v7 =	vmul.f32 v8, v3  }
0xd2: {  	v10 =	vld [tilespmem:s16+$0x10];
	v30 =	vperm.xlane v9, v34;
	v8 =	vsel vm1, v28, v27;
	v27 =	vadd.f32 v2, v25  }
0xd3: {  	s5 =	simm.s32 $0x0;
	v28 =	vld [tilespmem:s15+$0x10];
	v25 =	vmul.f32 v17, v0;
	v0 =	vadd.f32 v7, v6;
	v6 =	vmul.f32 v8, v24  }
0xd4: {  	v26 =	vmov s5;
	v12 =	vmul.f32 v17, v5;
	v61 =	vmul.f32 $2.000000030e-01, v53;
	v8 =	vld [tilespmem:s16+$0x20]  }
0xd5: {  	v7 =	vld [tilespmem:s16+$0x30];
	v9 =	vadd.f32 v9, v30;
	v30 =	vperm.xlane v27, v41;
	v0 =	vadd.f32 v6, v0  }
0xd6: {  	v2 =	vmul.f32 v17, v49;
	v49 =	vnsel vm0, $0x40, v26;
	v5 =	vadd.f32 v29, v11;
	v29 =	vld [tilespmem:s15+$0x30]  }
0xd7: {  	v6 =	vld [tilespmem:s16+$0x40];
	v9 =	vmul.f32 $1.442695020e+00, v9;
	v27 =	vadd.f32 v27, v30;
	v26 =	vperm.xlane v0, v35  }
0xd8: {  	v30 =	vmul.f32 $2.000000030e-01, v5;
	v28 =	vadd.f32 v28, v10;
	vm1 =	vgt.f32 v5, $0.0e+00  }
0xd9: {  	v59 =	vld [tilespmem:s15+$0x60];
	(erf) = vpow2.f32 v9;
	v9 =	vperm.xlane v27, v34;
	v31 =	vadd.f32 v31, v8  }
0xda: {  	v55 =	vld [tilespmem:s15+$0xFFFFFF80];
	v5 =	vsel vm1, v5, v30;
	v30 =	vmul.f32 $2.000000030e-01, v28;
	v26 =	vadd.f32 v0, v26  }
0xdb: {  	v14 =	vmovc v48;
	v48 =	vld [tilespmem:s16+$0xFFFFFF80];
	vm1 =	vgt.f32 v28, $0.0e+00;
	v5 =	vmul.f32 v5, v50;
	v29 =	vadd.f32 v29, v7  }
0xdc: {  	v42 =	vmovc v36;
	v60 =	vld [tilespmem:s15+$0x70];
	v36 =	vmovc v47;
	v52 =	vadd.f32 v57, v6;
	v28 =	vsel vm1, v28, v30;
	v30 =	vmul.f32 $2.000000030e-01, v31  }
0xdd: {  	v0 =	vld [tilespmem:s16+$0x60];
	vm1 =	vgt.f32 v31, $0.0e+00;
	v51 =	vadd.f32 $0.0e+00, v5;
	v28 =	vmul.f32 v28, v36  }
0xde: {  	v27 =	vadd.f32 v27, v9;
	v5 =	vld [tilespmem:s16+$0x70];
	v30 =	vsel vm1, v31, v30;
	v31 =	vmul.f32 $2.000000030e-01, v29  }
0xdf: {  	v56 =	vld [tilespmem:s15+$0xFFFFFF90];
	vm1 =	vgt.f32 v29, $0.0e+00;
	v28 =	vadd.f32 v28, v51;
	v30 =	vmul.f32 v30, v14  }
0xe0: {  	[tilespmem:s13+$0x0] =	vst v20;
	v58 =	vld [tilespmem:s15+$0xFFFFFFA0];
	v9 =	vadd.f32 v55, v48;
	v29 =	vsel vm1, v29, v31;
	v31 =	vmul.f32 $2.000000030e-01, v52  }
0xe1: {  	[tilespmem:s13+$0x10] =	vst v23;
	v47 =	vld [tilespmem:s16+$0xFFFFFF90];
	vm1 =	vgt.f32 v52, $0.0e+00;
	v28 =	vadd.f32 v30, v28;
	v29 =	vmul.f32 v29, v62  }
0xe2: {  	v40 =	vmovc v50;
	[tilespmem:s13+$0x20] =	vst v22;
	v50 =	vld [tilespmem:s16+$0xFFFFFFA0];
	v30 =	vadd.f32 v59, v0;
	v31 =	vsel vm1, v52, v31;
	vm1 =	vgt.f32 v53, $0.0e+00  }
0xe3: {  	[tilespmem:s13+$0x30] =	vst v21;
	v57 =	vadd.f32 v60, v5;
	v28 =	vadd.f32 v29, v28;
	v29 =	vmul.f32 v31, v33  }
0xe4: {  	s5 =	simm.s32 $0x880;
	[tilespmem:s13+$0x70] =	vst v12;
	v27 =	vmul.f32 $1.442695020e+00, v27;
	v31 =	vsel vm1, v53, v61;
	v63 =	vmul.f32 $2.000000030e-01, v30  }
0xe5: {  	v20 =	vld [tilespmem:s5+$0x50];
	[tilespmem:s13+$0x40] =	vst v4;
	vm1 =	vgt.f32 v30, $0.0e+00;
	v60 =	vmul.f32 $2.000000030e-01, v57;
	v28 =	vadd.f32 v29, v28  }
0xe6: {  	[tilespmem:s13+$0x50] =	vst v25;
	v53 =	vld [tilespmem:s16+$0xFFFFFFB0];
	v29 =	vmul.f32 v31, v32;
	v30 =	vsel vm1, v30, v63;
	vm1 =	vgt.f32 v57, $0.0e+00  }
0xe7: {  	[tilespmem:s13+$0x60] =	vst v2;
	v61 =	vadd.f32 v56, v47;
	v31 =	vld [tilespmem:s15+$0xFFFFFFB0];
	v52 =	vsel vm1, v57, v60;
	v57 =	vadd.f32 v58, v50  }
0xe8: {  	v2 =	vld [tilespmem:$0x1FE00];
	v58 =	vpop (erf);
	(erf) = vpow2.f32 v27;
	v28 =	vadd.f32 v29, v28;
	v29 =	vmul.f32 v30, v3  }
0xe9: {  	v51 =	vld [tilespmem:s16+$0xFFFFFFC0];
	vm1 =	vgt.f32 v9, $0.0e+00;
	v30 =	vmul.f32 $2.000000030e-01, v9;
	v63 =	vmul.f32 v52, v24  }
0xea: {  	v56 =	vld [tilespmem:s15+$0xFFFFFFD0];
	v4 =	vmul.f32 v58, v1;
	v55 =	vmul.f32 $2.000000030e-01, v57;
	v28 =	vadd.f32 v29, v28  }
0xeb: {  	v52 =	vld [tilespmem:s16+$0xFFFFFFD0];
	v9 =	vsel vm1, v9, v30;
	v30 =	vmul.f32 $2.000000030e-01, v61;
	vm1 =	vgt.f32 v61, $0.0e+00  }
0xec: {  	v29 =	vld [tilespmem:s15+$0xFFFFFFC0];
	v9 =	vmul.f32 v9, v40;
	v31 =	vadd.f32 v31, v53;
	v28 =	vadd.f32 v63, v28  }
0xed: {  	v1 =	vld [tilespmem:s5+$0x30];
	v30 =	vsel vm1, v61, v30;
	vm1 =	vgt.f32 v57, $0.0e+00;
	v63 =	vmul.f32 v58, v18  }
0xee: {  	v61 =	vld [tilespmem:s15+$0xFFFFFFE0];
	v40 =	vadd.f32 $0.0e+00, v9;
	v30 =	vmul.f32 v30, v36;
	v60 =	vmul.f32 $2.000000030e-01, v31  }
0xef: {  	[tilespmem:v16+s31+$0x0] =	vst.idx.msk $0xffff, v17;
	v9 =	vld [tilespmem:s16+$0xFFFFFFE0];
	v57 =	vsel vm1, v57, v55;
	vm1 =	vgt.f32 v31, $0.0e+00;
	v59 =	vperm.xlane v28, v35  }
0xf0: {  	v55 =	vld [tilespmem:s16+$0xFFFFFFF0];
	v56 =	vadd.f32 v56, v52;
	v57 =	vmul.f32 v57, v14;
	v14 =	vmul.f32 v58, v19  }
0xf1: {  	s22 =	simm.s32 $0x2880;
	v19 =	vld [tilespmem:s15+$0xFFFFFFF0];
	v29 =	vadd.f32 v29, v51;
	v30 =	vadd.f32 v30, v40;
	v31 =	vsel vm1, v31, v60  }
0xf2: {  	v60 =	vld [tilespmem:s22+$0x50];
	v28 =	vadd.f32 v28, v59;
	v59 =	vperm.xlane v26, v37;
	v31 =	vmul.f32 v31, v62;
	[tilespmem:s14+$0x0] =	vst v14  }
0xf3: {  	v14 =	vmul.f32 v58, v15;
	v40 =	vmul.f32 $2.000000030e-01, v29;
	v30 =	vadd.f32 v57, v30;
	v12 =	vld [tilespmem:$0x1FE10];
	[tilespmem:s14+$0x10] =	vst v63  }
0xf4: {  	v62 =	vld [tilespmem:s22+$0x30];
	vm1 =	vgt.f32 v29, $0.0e+00;
	[tilespmem:s14+$0x20] =	vst v4;
	v36 =	vperm.xlane v28, v37;
	v26 =	vadd.f32 v26, v59  }
0xf5: {  	v4 =	vld [tilespmem:$0x1FE20];
	v29 =	vsel vm1, v29, v40;
	v40 =	vmul.f32 $2.000000030e-01, v56;
	v30 =	vadd.f32 v31, v30  }
0xf6: {  	v31 =	vadd.f32 v61, v9;
	vm1 =	vgt.f32 v56, $0.0e+00;
	v28 =	vadd.f32 v28, v36  }
0xf7: {  	v29 =	vmul.f32 v29, v33;
	v36 =	vadd.f32 v19, v55;
	v61 =	vadd.f32 v60, v20  }
0xf8: {  	v18 =	vld [tilespmem:s5+$0x60];
	v56 =	vsel vm1, v56, v40;
	v40 =	vmul.f32 $2.000000030e-01, v31;
	v19 =	vperm.xlane v28, v41  }
0xf9: {  	v33 =	vld [tilespmem:s22+$0x60];
	vm1 =	vgt.f32 v31, $0.0e+00;
	v63 =	vadd.f32 v62, v1;
	v23 =	vadd.f32 v29, v30  }
0xfa: {  	v30 =	vmul.f32 v56, v32;
	v29 =	vld [tilespmem:s22+$0x40];
	v27 =	vmul.f32 v58, v4;
	v22 =	vadd.f32 v28, v19  }
0xfb: {  	v19 =	vld [tilespmem:s5+$0x40];
	v28 =	vsel vm1, v31, v40;
	v31 =	vmul.f32 $2.000000030e-01, v36;
	vm1 =	vgt.f32 v36, $0.0e+00  }
0xfc: {  	v21 =	vadd.f32 v30, v23;
	v30 =	vperm.xlane v26, v41;
	v23 =	vmul.f32 v28, v3;
	v3 =	vld [tilespmem:s5+$0x20]  }
0xfd: {  	vm2 =	vgt.f32 v63, $0.0e+00;
	v28 =	vsel vm1, v36, v31;
	v25 =	vperm.xlane v22, v34;
	v31 =	vld [tilespmem:s22+$0x20]  }
0xfe: {  	v40 =	vmul.f32 v58, v2;
	v17 =	vadd.f32 v26, v30;
	v26 =	vld [tilespmem:s22+$0x0];
	v21 =	vadd.f32 v23, v21  }
0xff: {  	s17 =	simm.s32 $0x2;
	v23 =	vmul.f32 v28, v24;
	v24 =	vmul.f32 v58, v13;
	v13 =	vld [tilespmem:s5+$0x0];
	v16 =	vadd.f32 v22, v25  }
0x100: {  	s23 =	simm.s32 $0x3;
	s24 =	smulhi.u32 $0x38E38E39, s12;
	v56 =	vadd.f32 v33, v18;
	v36 =	vmov s17;
	v28 =	vld [tilespmem:s22+$0x10];
	v25 =	vmul.f32 v58, v12  }
0x101: {  	s25 =	simm.s32 $0x5;
	v22 =	vld [tilespmem:s5+$0x10];
	v2 =	vadd.f32 v23, v21;
	v21 =	vmov s23;
	v16 =	vmul.f32 $1.442695020e+00, v16  }
0x102: {  	s3 =	sshrl.u32 s24, $0x1;
	v15 =	vld [tilespmem:s5+$0xFFFFFF80];
	v23 =	vperm.xlane v17, v34;
	[tilespmem:s14+$0x30] =	vst v24;
	v24 =	vmov s25;
	v41 =	vnsel vm0, $0x40, v21  }
0x103: {  	s3 =	smul.u32 $0xFFFFF700, s3;
	v57 =	vld [tilespmem:s22+$0xFFFFFF90];
	[tilespmem:s14+$0x70] =	vst v14;
	v62 =	vadd.f32 v29, v19;
	v12 =	vperm.xlane v2, v35;
	(erf) = vpow2.f32 v16  }
0x104: {  	s11 =	simm.s32 $0x4;
	v14 =	vld [tilespmem:s5+$0xFFFFFFA0];
	v21 =	vnsel vm0, $0x40, v36;
	[tilespmem:s14+$0x50] =	vst v25;
	v25 =	vnsel vm0, $0x40, v24;
	v23 =	vadd.f32 v17, v23  }
0x105: {  	s3 =	sshra.s32 s3, $0x2;
	v59 =	vld [tilespmem:s22+$0xFFFFFFA0];
	[tilespmem:s14+$0x60] =	vst v27;
	v17 =	vmov s11;
	v4 =	vadd.f32 v26, v13;
	v2 =	vadd.f32 v2, v12  }
0x106: {  	s24 =	simm.s32 $0x6;
	v30 =	vld [tilespmem:s22+$0xFFFFFF80];
	[tilespmem:s14+$0x40] =	vst v40;
	s17 =	sadd.s32 s3, s28;
	v31 =	vadd.f32 v31, v3;
	vm1 =	vgt.f32 v62, $0.0e+00;
	v29 =	vadd.f32 v28, v22  }
0x107: {  	s23 =	simm.s32 $0x8;
	s25 =	simm.s32 $0x880;
	s11 =	sadd.s32 s3, s4;
	v16 =	vld [tilespmem:s5+$0xFFFFFF90];
	v24 =	vpop (erf);
	v27 =	vmul.f32 $2.000000030e-01, v4;
	vm3 =	vgt.f32 v4, $0.0e+00;
	v12 =	vperm.xlane v2, v37;
	[tilespmem:v41+s31+$0x0] =	vst.idx.msk $0xffff, v58  }
.LBB2_9:
0x108: {  	v41 =	vmov v38;
	v38 =	vld [tilespmem:$0x1FE70]  }
0x109: {  	v4 =	vsel vm3, v4, v27;
	v27 =	vld [tilespmem:$0x1FDC0];
	_ =	sdelay $0x2  }
0x10a: {  	v58 =	vpop (erf)  }
0x10b: {  	v36 =	vmul.f32 v58, v11  }
0x10c: {  	v60 =	vmul.f32 v4, v38;
	v4 =	vmovc v27;
	v27 =	vmov v45;
	v45 =	vmov v9;
	v9 =	vld [tilespmem:$0x1FDD0]  }
0x10d: {  	[tilespmem:s16+$0x0] =	vst v36;
	v36 =	vld [tilespmem:$0x1FE90]  }
0x10e: {  	v28 =	vmul.f32 $2.000000030e-01, v29;
	v33 =	vmul.f32 $2.000000030e-01, v31  }
0x10f: {  	v40 =	vmovc v39;
	v39 =	vmovc v35;
	v35 =	vld [tilespmem:$0x1FE80];
	vm3 =	vgt.f32 v31, $0.0e+00;
	vm4 =	vgt.f32 v29, $0.0e+00;
	v10 =	vmul.f32 v58, v10  }
0x110: {  	v28 =	vsel vm4, v29, v28;
	v31 =	vsel vm3, v31, v33  }
0x111: {  	v8 =	vmul.f32 v58, v8;
	[tilespmem:s16+$0x10] =	vst v10;
	v29 =	vmovc v9;
	v9 =	vadd.f32 $0.0e+00, v60;
	v60 =	vmul.f32 $2.000000030e-01, v63  }
0x112: {  	v10 =	vmul.f32 v31, v36;
	v31 =	vld [tilespmem:s22+$0x70]  }
0x113: {  	v37 =	vmul.f32 $2.000000030e-01, v62;
	[tilespmem:s16+$0x20] =	vst v8;
	v8 =	vsel vm2, v63, v60;
	v63 =	vld [tilespmem:$0x1FEA0]  }
0x114: {  	v28 =	vmul.f32 v28, v35  }
0x115: {  	v33 =	vsel vm1, v62, v37;
	v37 =	vld [tilespmem:$0x1FE30];
	v11 =	vmov v46  }
0x116: {  	v7 =	vmul.f32 v58, v7;
	[tilespmem:$0x1FDD0] =	vst v11;
	v11 =	vld [tilespmem:s5+$0x70];
	v9 =	vadd.f32 v28, v9  }
0x117: {  	v6 =	vmul.f32 v58, v6  }
0x118: {  	[tilespmem:s16+$0x30] =	vst v7;
	v7 =	vmul.f32 v58, v54;
	v10 =	vadd.f32 v10, v9;
	v8 =	vmul.f32 v8, v63  }
0x119: {  	vm1 =	vgt.f32 v61, $0.0e+00;
	[tilespmem:s16+$0x40] =	vst v6;
	v6 =	vmul.f32 v58, v0;
	v60 =	vmul.f32 $2.000000030e-01, v61  }
0x11a: {  	v0 =	vmovc v18;
	v18 =	vmul.f32 $2.000000030e-01, v56;
	v8 =	vadd.f32 v8, v10;
	v10 =	vmul.f32 v33, v37;
	v33 =	vld [tilespmem:$0x1FE40]  }
0x11b: {  	[tilespmem:s16+$0x50] =	vst v7;
	v7 =	vmul.f32 v58, v5;
	v5 =	vmovc v11;
	v11 =	vsel vm1, v61, v60;
	vm1 =	vgt.f32 v56, $0.0e+00  }
0x11c: {  	[tilespmem:s16+$0x60] =	vst v6;
	v18 =	vsel vm1, v56, v18;
	v56 =	vld [tilespmem:$0x1FE50]  }
0x11d: {  	v26 =	vld [tilespmem:s5+$0xFFFFFFB0];
	[tilespmem:s16+$0x70] =	vst v7;
	v31 =	vadd.f32 v31, v5  }
0x11e: {  	[tilespmem:v25+s31+$0x0] =	vst.idx.msk $0xffff, v58;
	v58 =	vmov v49;
	v49 =	vmov v21;
	v21 =	vadd.f32 v57, v16;
	v57 =	vld [tilespmem:$0x1FE60]  }
0x11f: {  	v61 =	vadd.f32 v10, v8;
	v60 =	vmul.f32 v11, v33;
	v11 =	vmov v13;
	v13 =	vld [tilespmem:$0x1FD90]  }
0x120: {  	v32 =	vld [tilespmem:s22+$0xFFFFFFB0];
	v25 =	vadd.f32 v30, v15;
	v30 =	vmul.f32 $2.000000030e-01, v31  }
0x121: {  	v34 =	vld [tilespmem:s22+$0xFFFFFFC0];
	v7 =	vmovc v1;
	vm1 =	vgt.f32 v31, $0.0e+00;
	v8 =	vmovc v3;
	v3 =	vmul.f32 v18, v56;
	v1 =	vadd.f32 v60, v61  }
0x122: {  	v62 =	vld [tilespmem:s22+$0xFFFFFFE0];
	[tilespmem:$0x1FDC0] =	vst v27;
	v30 =	vsel vm1, v31, v30;
	v18 =	vmul.f32 $2.000000030e-01, v25  }
0x123: {  	v27 =	vld [tilespmem:s5+$0xFFFFFFC0];
	v54 =	vmovc v20;
	vm1 =	vgt.f32 v25, $0.0e+00;
	v10 =	vmovc v22;
	v1 =	vadd.f32 v3, v1;
	v3 =	vmul.f32 v30, v57  }
0x124: {  	v20 =	vld [tilespmem:s22+$0xFFFFFFD0];
	v60 =	vmovc v24;
	v24 =	vadd.f32 v59, v14;
	v22 =	vmovc v13;
	v13 =	vsel vm1, v25, v18;
	v18 =	vmul.f32 $2.000000030e-01, v21  }
0x125: {  	v28 =	vld [tilespmem:s5+$0xFFFFFFD0];
	v25 =	vmovc v42;
	vm1 =	vgt.f32 v21, $0.0e+00;
	v13 =	vmul.f32 v13, v38;
	v1 =	vadd.f32 v3, v1  }
0x126: {  	v61 =	vld [tilespmem:$0x1FFC0];
	v42 =	vmovc v50;
	v50 =	vmovc v14;
	v14 =	vmul.f32 $2.000000030e-01, v24;
	v3 =	vsel vm1, v21, v18;
	v18 =	vadd.f32 v32, v26  }
0x127: {  	v46 =	vmovc v55;
	v55 =	vld [tilespmem:s5+$0xFFFFFFF0];
	v13 =	vadd.f32 $0.0e+00, v13;
	v3 =	vmul.f32 v3, v35;
	v21 =	vperm.xlane v1, v39  }
0x128: {  	v9 =	vld [tilespmem:s5+$0xFFFFFFE0];
	v30 =	vadd.f32 v34, v27;
	[tilespmem:$0x1FD90] =	vst v25;
	vm1 =	vgt.f32 v24, $0.0e+00;
	v25 =	vmul.f32 $2.000000030e-01, v18  }
0x129: {  	v6 =	vmovc v19;
	v19 =	vld [tilespmem:s22+$0xFFFFFFF0];
	v3 =	vadd.f32 v3, v13;
	v13 =	vsel vm1, v24, v14;
	v1 =	vadd.f32 v1, v21  }
0x12a: {  	v38 =	vld [tilespmem:$0x1FFD0];
	vm1 =	vgt.f32 v18, $0.0e+00;
	v14 =	vmul.f32 $2.000000030e-01, v30;
	v13 =	vmul.f32 v13, v36  }
0x12b: {  	v21 =	vadd.f32 v20, v28;
	v18 =	vsel vm1, v18, v25;
	v20 =	vperm.xlane v1, v61  }
0x12c: {  	vm1 =	vgt.f32 v30, $0.0e+00;
	v3 =	vadd.f32 v13, v3;
	v13 =	vmul.f32 v18, v63  }
0x12d: {  	v14 =	vsel vm1, v30, v14;
	v24 =	vmul.f32 $2.000000030e-01, v21;
	v1 =	vadd.f32 v1, v20  }
0x12e: {  	v3 =	vadd.f32 v13, v3;
	v13 =	vmul.f32 v14, v37;
	v14 =	vadd.f32 v62, v9  }
0x12f: {  	vm1 =	vgt.f32 v21, $0.0e+00;
	v30 =	vadd.f32 v19, v55;
	v19 =	vperm.xlane v1, v38  }
0x130: {  	v3 =	vadd.f32 v13, v3;
	v13 =	vsel vm1, v21, v24;
	v21 =	vmul.f32 $2.000000030e-01, v14  }
0x131: {  	vm1 =	vgt.f32 v14, $0.0e+00;
	v13 =	vmul.f32 v13, v33  }
0x132: {  	v31 =	vadd.f32 v1, v19;
	v1 =	vsel vm1, v14, v21  }
0x133: {  	v3 =	vadd.f32 v13, v3;
	v13 =	vmul.f32 v1, v56;
	v56 =	vld [tilespmem:$0x1FFE0];
	_ =	sdelay $0x4  }
0x134: {  	v21 =	vperm.xlane v31, v56;
	_ =	sdelay $0x1  }
0x135: {  	v2 =	vadd.f32 v2, v12;
	v12 =	vmul.f32 $1.442695020e+00, v23;
	v23 =	vadd.f32 v31, v21;
	_ =	sdelay $0x1  }
0x136: {  	v14 =	vmul.f32 $2.000000030e-01, v30;
	v59 =	vmul.f32 $1.442695020e+00, v23;
	v23 =	vld [tilespmem:$0x1FDE0]  }
0x137: {  	vm1 =	vgt.f32 v30, $0.0e+00  }
0x138: {  	v14 =	vsel vm1, v30, v14  }
0x139: {  	v13 =	vadd.f32 v13, v3;
	v14 =	vmul.f32 v14, v57  }
0x13a: {  	v30 =	vperm.xlane v2, v38  }
0x13b: {  	(erf) = vpow2.f32 v12;
	v12 =	vadd.f32 v14, v13;
	v13 =	vld [tilespmem:$0x1FD70];
	v23 =	vmov v23  }
0x13c: {  	[tilespmem:$0x1FD70] =	vst v23;
	v23 =	vadd.f32 v2, v30;
	v2 =	vld [tilespmem:$0x1FD80]  }
0x13d: {  	s22 =	sadd.s32 $0x100, s22  }
0x13e: {  	v32 =	vld [tilespmem:s22+$0x40]  }
0x13f: {  	s5 =	sadd.s32 $0x100, s5;
	v25 =	vld [tilespmem:s22+$0x60]  }
0x140: {  	v18 =	vld [tilespmem:s5+$0x60]  }
0x141: {  	v20 =	vld [tilespmem:s5+$0x50];
	v2 =	vmul.f32 v60, v2  }
0x142: {  	v62 =	vld [tilespmem:s22+$0x0]  }
0x143: {  	[tilespmem:s13+$0xFFFFFF90] =	vst v2;
	v2 =	vld [tilespmem:$0x1FDA0]  }
0x144: {  	v19 =	vld [tilespmem:s5+$0x40];
	v21 =	vnsel vm0, $0x40, v17;
	v17 =	vmul.f32 v60, v13  }
0x145: {  	v33 =	vld [tilespmem:s22+$0x30]  }
0x146: {  	[tilespmem:s13+$0xFFFFFF80] =	vst v17;
	v17 =	vld [tilespmem:$0x1FDF0]  }
0x147: {  	v3 =	vld [tilespmem:s5+$0x20];
	v13 =	vmov v48;
	v48 =	vmov v15;
	v15 =	vperm.xlane v12, v39  }
0x148: {  	v14 =	vmovc v47;
	v47 =	vmov v16;
	v31 =	vld [tilespmem:s22+$0x20];
	v16 =	vmul.f32 v60, v2;
	v2 =	vmov v43  }
0x149: {  	[tilespmem:$0x1FDA0] =	vst v2;
	v2 =	vadd.f32 v12, v15;
	v12 =	vld [tilespmem:$0x1FDB0]  }
0x14a: {  	[tilespmem:$0x1FDE0] =	vst v13;
	v13 =	vld [tilespmem:s5+$0x0];
	(erf) = vpow2.f32 v59  }
0x14b: {  	[tilespmem:$0x1FDF0] =	vst v14;
	v59 =	vld [tilespmem:s22+$0x10];
	v30 =	vmul.f32 v60, v22;
	v17 =	vmov v17;
	v14 =	vperm.xlane v23, v56  }
0x14c: {  	v22 =	vld [tilespmem:s5+$0x10];
	[tilespmem:$0x1FD80] =	vst v17  }
0x14d: {  	v1 =	vld [tilespmem:s5+$0x30];
	[tilespmem:s13+$0xFFFFFFA0] =	vst v30;
	v23 =	vadd.f32 v23, v14;
	v14 =	vmul.f32 v60, v4;
	v4 =	vmov v40  }
0x14e: {  	v24 =	vld [tilespmem:s22+$0x50];
	[tilespmem:$0x1FDB0] =	vst v4;
	v63 =	vmul.f32 v60, v12  }
0x14f: {  	p0 =	slt.u32 s23, $0x3E;
	v41 =	vmul.f32 v60, v41;
	v35 =	vmul.f32 v60, v29;
	v31 =	vadd.f32 v31, v3;
	v30 =	vld [tilespmem:s22+$0xFFFFFF80];
	[tilespmem:s13+$0xFFFFFFB0] =	vst v16  }
.Ltmp3:
0x150: {  	s3 =	sadd.s32 $0x1, s24;
	v37 =	vmovc v39;
	v38 =	vmovc v44;
	v56 =	vadd.f32 v25, v18;
	v17 =	vmov s24;
	v4 =	vadd.f32 v62, v13;
	v15 =	vld [tilespmem:s5+$0xFFFFFF80];
	[tilespmem:s13+$0xFFFFFFC0] =	vst v63;
	(pc) =	sbr.rel @p0 .LBB2_9-.Ltmp3, $4  }
0x151: {  	v29 =	vadd.f32 v59, v22;
	[tilespmem:s13+$0xFFFFFFD0] =	vst v41;
	v43 =	vmovc v53;
	v53 =	vmovc v26;
	v26 =	vmov s3;
	v62 =	vadd.f32 v32, v19;
	v16 =	vld [tilespmem:s5+$0xFFFFFF90]  }
0x152: {  	v39 =	vmovc v51;
	v51 =	vmovc v27;
	v25 =	vnsel vm0, $0x40, v26;
	v27 =	vmul.f32 $2.000000030e-01, v4;
	v63 =	vadd.f32 v33, v1;
	v57 =	vld [tilespmem:s22+$0xFFFFFF90];
	[tilespmem:s13+$0xFFFFFFE0] =	vst v14  }
0x153: {  	v44 =	vmovc v52;
	v52 =	vmovc v28;
	s24 =	smov.u32 s23;
	s23 =	sadd.s32 $0x2, s23;
	vm3 =	vgt.f32 v4, $0.0e+00;
	vm1 =	vgt.f32 v62, $0.0e+00;
	v12 =	vperm.xlane v2, v61;
	v14 =	vld [tilespmem:s5+$0xFFFFFFA0];
	[tilespmem:s13+$0xFFFFFFF0] =	vst v35;
	s13 =	smov.u32 s14  }
0x154: {  	v61 =	vadd.f32 v24, v20;
	v24 =	vpop (erf);
	v35 =	vmov v37;
	s14 =	smov.u32 s16;
	s16 =	smov.u32 s25;
	s25 =	smov.u32 s5;
	v59 =	vld [tilespmem:s22+$0xFFFFFFA0];
	vm2 =	vgt.f32 v63, $0.0e+00;
	[tilespmem:v58+s31+$0x0] =	vst.idx.msk $0xffff, v60  }
0x155: {  	v40 =	vld [tilespmem:$0x1FE70];
	_ =	sdelay $0x1  }
0x156: {  	v58 =	vld [tilespmem:$0x1FE80];
	_ =	sdelay $0x1  }
0x157: {  	v4 =	vsel vm3, v4, v27;
	v26 =	vmul.f32 $2.000000030e-01, v29;
	v36 =	vld [tilespmem:$0x1FE90]  }
0x158: {  	vm14 =	vgt.f32 v29, $0.0e+00;
	v4 =	vmul.f32 v4, v40  }
0x159: {  	v27 =	vmul.f32 $2.000000030e-01, v31;
	v28 =	vld [tilespmem:$0x1FEA0];
	v26 =	vsel vm14, v29, v26  }
0x15a: {  	vm15 =	vgt.f32 v31, $0.0e+00;
	v60 =	vld [tilespmem:s5+$0x70];
	v26 =	vmul.f32 v26, v58;
	v4 =	vadd.f32 $0.0e+00, v4  }
0x15b: {  	v41 =	vld [tilespmem:$0x1FE30];
	v27 =	vsel vm15, v31, v27;
	v29 =	vmul.f32 $2.000000030e-01, v63  }
0x15c: {  	v4 =	vadd.f32 v26, v4;
	v26 =	vmul.f32 v27, v36;
	v27 =	vld [tilespmem:s22+$0x70]  }
0x15d: {  	v31 =	vmul.f32 $2.000000030e-01, v62;
	v29 =	vsel vm2, v63, v29;
	v63 =	vld [tilespmem:$0x1FE40]  }
0x15e: {  	v4 =	vadd.f32 v26, v4;
	v26 =	vmul.f32 v29, v28  }
0x15f: {  	v29 =	vsel vm1, v62, v31;
	v31 =	vmul.f32 $2.000000030e-01, v61;
	v62 =	vld [tilespmem:$0x1FE50]  }
0x160: {  	vm4 =	vgt.f32 v61, $0.0e+00;
	v4 =	vadd.f32 v26, v4;
	v26 =	vmul.f32 v29, v41  }
0x161: {  	v29 =	vsel vm4, v61, v31;
	v31 =	vmul.f32 $2.000000030e-01, v56;
	v61 =	vld [tilespmem:$0x1FE60];
	v27 =	vadd.f32 v27, v60  }
0x162: {  	vm5 =	vgt.f32 v56, $0.0e+00;
	v4 =	vadd.f32 v26, v4;
	v26 =	vmul.f32 v29, v63  }
0x163: {  	v29 =	vsel vm5, v56, v31;
	v31 =	vmul.f32 $2.000000030e-01, v27;
	vm6 =	vgt.f32 v27, $0.0e+00  }
0x164: {  	v4 =	vadd.f32 v26, v4;
	v26 =	vmul.f32 v29, v62;
	v29 =	vadd.f32 v30, v15  }
0x165: {  	v27 =	vsel vm6, v27, v31  }
0x166: {  	v4 =	vadd.f32 v26, v4;
	v26 =	vmul.f32 v27, v61;
	v32 =	vmul.f32 $2.000000030e-01, v29  }
0x167: {  	vm7 =	vgt.f32 v29, $0.0e+00  }
0x168: {  	v27 =	vadd.f32 v26, v4;
	v29 =	vsel vm7, v29, v32  }
0x169: {  	v33 =	vadd.f32 v57, v16;
	v34 =	vadd.f32 v59, v14;
	v29 =	vmul.f32 v29, v40;
	v40 =	vld [tilespmem:$0x1FFC0]  }
0x16a: {  	v56 =	vld [tilespmem:s5+$0xFFFFFFB0];
	v31 =	vperm.xlane v27, v35  }
0x16b: {  	v57 =	vmul.f32 $2.000000030e-01, v33;
	v30 =	vld [tilespmem:s22+$0xFFFFFFB0];
	v4 =	vmul.f32 $2.000000030e-01, v34  }
0x16c: {  	vm8 =	vgt.f32 v33, $0.0e+00;
	vm9 =	vgt.f32 v34, $0.0e+00;
	v26 =	vld [tilespmem:s5+$0xFFFFFFC0];
	v27 =	vadd.f32 v27, v31  }
0x16d: {  	v32 =	vsel vm8, v33, v57;
	v33 =	vsel vm9, v34, v4;
	v4 =	vld [tilespmem:$0x1FFD0]  }
0x16e: {  	v31 =	vld [tilespmem:s22+$0xFFFFFFC0];
	v35 =	vperm.xlane v27, v40;
	_ =	sdelay $0x1  }
0x16f: {  	v35 =	vadd.f32 v27, v35;
	_ =	sdelay $0x1  }
0x170: {  	v30 =	vadd.f32 v30, v56;
	v34 =	vperm.xlane v35, v4  }
0x171: {  	v59 =	vmovc v56;
	v32 =	vmul.f32 v32, v58;
	v29 =	vadd.f32 $0.0e+00, v29;
	v31 =	vadd.f32 v31, v26  }
0x172: {  	v56 =	vmul.f32 $2.000000030e-01, v30;
	v33 =	vmul.f32 v33, v36;
	v34 =	vadd.f32 v35, v34;
	v35 =	vpop (erf)  }
0x173: {  	vm10 =	vgt.f32 v30, $0.0e+00;
	v58 =	vmul.f32 $2.000000030e-01, v31;
	v11 =	vmul.f32 v35, v11  }
0x174: {  	v32 =	vadd.f32 v32, v29;
	vm11 =	vgt.f32 v31, $0.0e+00;
	v10 =	vmul.f32 v35, v10  }
0x175: {  	v30 =	vsel vm10, v30, v56;
	v31 =	vsel vm11, v31, v58;
	v58 =	vld [tilespmem:$0x1FFE0];
	v7 =	vmul.f32 v35, v7;
	[tilespmem:s16+$0x0] =	vst v11  }
0x176: {  	v30 =	vmul.f32 v30, v28;
	v32 =	vadd.f32 v33, v32;
	v6 =	vmul.f32 v35, v6;
	[tilespmem:s16+$0x10] =	vst v10  }
0x177: {  	v29 =	vld [tilespmem:s5+$0xFFFFFFE0];
	v0 =	vmul.f32 v35, v0;
	[tilespmem:s16+$0x30] =	vst v7  }
0x178: {  	v33 =	vld [tilespmem:s22+$0xFFFFFFE0];
	v30 =	vadd.f32 v30, v32;
	v31 =	vmul.f32 v31, v41;
	v11 =	vmul.f32 v35, v8;
	[tilespmem:s16+$0x40] =	vst v6  }
0x179: {  	v57 =	vld [tilespmem:s22+$0xFFFFFFD0];
	v5 =	vmul.f32 v35, v5;
	[tilespmem:s16+$0x60] =	vst v0  }
0x17a: {  	v27 =	vld [tilespmem:s5+$0xFFFFFFD0];
	[tilespmem:s16+$0x20] =	vst v11;
	v11 =	vadd.f32 v31, v30;
	v30 =	vmul.f32 v35, v54  }
0x17b: {  	[tilespmem:s16+$0x70] =	vst v5  }
0x17c: {  	[tilespmem:s16+$0x50] =	vst v30  }
0x17d: {  	v23 =	vmul.f32 $1.442695020e+00, v23;
	v31 =	vadd.f32 v33, v29;
	v33 =	vld [tilespmem:$0x1FD70];
	_ =	sdelay $0x1  }
0x17e: {  	(erf) = vpow2.f32 v23;
	v23 =	vadd.f32 v57, v27;
	v56 =	vperm.xlane v34, v58  }
0x17f: {  	[tilespmem:v25+s31+$0x0] =	vst.idx.msk $0xffff, v35  }
0x180: {  	v57 =	vmul.f32 $2.000000030e-01, v23;
	v56 =	vadd.f32 v34, v56;
	v34 =	vld [tilespmem:$0x1FD80]  }
0x181: {  	vm12 =	vgt.f32 v23, $0.0e+00;
	v7 =	vmul.f32 v24, v33  }
0x182: {  	v8 =	vld [tilespmem:s5+$0xFFFFFFF0];
	v54 =	vsel vm12, v23, v57  }
0x183: {  	v10 =	vld [tilespmem:s22+$0xFFFFFFF0];
	v6 =	vmul.f32 v54, v63;
	[tilespmem:s13+$0xFFFFFF80] =	vst v7  }
0x184: {  	v7 =	vld [tilespmem:$0x1FD90]  }
0x185: {  	v6 =	vadd.f32 v6, v11;
	v11 =	vmul.f32 v24, v34;
	_ =	sdelay $0x1  }
0x186: {  	[tilespmem:s13+$0xFFFFFF90] =	vst v11  }
0x187: {  	v54 =	vld [tilespmem:$0x1FDA0]  }
0x188: {  	v0 =	vadd.f32 v10, v8;
	v7 =	vmul.f32 v24, v7  }
0x189: {  	v32 =	vmul.f32 $1.442695020e+00, v56;
	v56 =	vmul.f32 $2.000000030e-01, v31  }
0x18a: {  	vm13 =	vgt.f32 v31, $0.0e+00;
	v10 =	vmul.f32 $2.000000030e-01, v0;
	[tilespmem:s13+$0xFFFFFFA0] =	vst v7  }
0x18b: {  	vm14 =	vgt.f32 v0, $0.0e+00;
	(erf) = vpow2.f32 v32;
	v57 =	vsel vm13, v31, v56;
	v56 =	vld [tilespmem:$0x1FDB0]  }
0x18c: {  	v0 =	vsel vm14, v0, v10;
	v10 =	vmul.f32 v24, v54;
	_ =	sdelay $0x1  }
0x18d: {  	v5 =	vmul.f32 v57, v62;
	[tilespmem:s13+$0xFFFFFFB0] =	vst v10  }
0x18e: {  	v11 =	vld [tilespmem:$0x1FDC0]  }
0x18f: {  	v5 =	vadd.f32 v5, v6;
	v6 =	vmul.f32 v24, v56  }
0x190: {  	v0 =	vmul.f32 v0, v61  }
0x191: {  	[tilespmem:s13+$0xFFFFFFC0] =	vst v6  }
0x192: {  	v57 =	vmul.f32 v24, v38;
	v32 =	vpop (erf);
	v0 =	vadd.f32 v0, v5;
	v10 =	vld [tilespmem:$0x1FDD0]  }
0x193: {  	v2 =	vadd.f32 v2, v12;
	v34 =	vpop (erf);
	v5 =	vmul.f32 v24, v11  }
0x194: {  	v35 =	vmov v37;
	v33 =	vperm.xlane v0, v37;
	v37 =	vmul.f32 v34, v13;
	[tilespmem:s13+$0xFFFFFFD0] =	vst v57  }
0x195: {  	v38 =	vmul.f32 v34, v22;
	[tilespmem:s13+$0xFFFFFFE0] =	vst v5  }
0x196: {  	v12 =	vperm.xlane v2, v4;
	v3 =	vmul.f32 v34, v3;
	[tilespmem:s25+$0x0] =	vst v37  }
0x197: {  	[tilespmem:s25+$0x10] =	vst v38;
	v10 =	vmul.f32 v24, v10  }
0x198: {  	v2 =	vadd.f32 v2, v12;
	[tilespmem:s25+$0x20] =	vst v3  }
0x199: {  	s3 =	sadd.s32 $0x1, s24;
	v1 =	vmul.f32 v34, v1;
	v56 =	vmul.f32 v34, v19;
	v38 =	vlaneseq.u32;
	[tilespmem:s13+$0xFFFFFFF0] =	vst v10  }
0x19a: {  	v3 =	vmov s3;
	vm15 =	veq.s32 v38, $0x0;
	[tilespmem:v49+s31+$0x0] =	vst.idx.msk $0xffff, v24;
	v49 =	vperm.xlane v2, v58  }
0x19b: {  	[tilespmem:s25+$0x30] =	vst v1;
	v1 =	vnsel vm15, $0x40, v3;
	v3 =	vmul.f32 v34, v20  }
0x19c: {  	[tilespmem:s25+$0x40] =	vst v56;
	v57 =	vmul.f32 v34, v18;
	v2 =	vadd.f32 v2, v49  }
0x19d: {  	v0 =	vadd.f32 v0, v33;
	[tilespmem:s25+$0x50] =	vst v3;
	v3 =	vmul.f32 v34, v60  }
0x19e: {  	[tilespmem:s25+$0x60] =	vst v57;
	v2 =	vmul.f32 $1.442695020e+00, v2  }
0x19f: {  	v54 =	vperm.xlane v0, v40;
	[tilespmem:s25+$0x70] =	vst v3  }
0x1a0: {  	(erf) = vpow2.f32 v2;
	v2 =	vld [tilespmem:$0x1FDE0]  }
0x1a1: {  	v0 =	vadd.f32 v0, v54  }
0x1a2: {  	[tilespmem:v1+s31+$0x0] =	vst.idx.msk $0xffff, v34  }
0x1a3: {  	v10 =	vperm.xlane v0, v4;
	v1 =	vld [tilespmem:$0x1FDF0];
	_ =	sdelay $0x1  }
0x1a4: {  	v0 =	vadd.f32 v0, v10;
	v2 =	vmul.f32 v32, v2;
	_ =	sdelay $0x1  }
0x1a5: {  	[tilespmem:s14+$0xFFFFFF80] =	vst v2;
	v2 =	vperm.xlane v0, v58  }
0x1a6: {  	v1 =	vmul.f32 v32, v1  }
0x1a7: {  	v0 =	vadd.f32 v0, v2  }
0x1a8: {  	[tilespmem:s14+$0xFFFFFF90] =	vst v1;
	v1 =	vmul.f32 v32, v43  }
0x1a9: {  	v0 =	vmul.f32 $1.442695020e+00, v0  }
0x1aa: {  	[tilespmem:s14+$0xFFFFFFB0] =	vst v1;
	v1 =	vmul.f32 v32, v44  }
0x1ab: {  	v3 =	vmul.f32 v32, v42  }
0x1ac: {  	[tilespmem:s14+$0xFFFFFFD0] =	vst v1;
	v1 =	vmul.f32 v32, v46  }
0x1ad: {  	[tilespmem:s14+$0xFFFFFFA0] =	vst v3;
	v2 =	vmul.f32 v32, v39;
	(erf) = vpow2.f32 v0;
	v0 =	vpop (erf)  }
0x1ae: {  	[tilespmem:s14+$0xFFFFFFF0] =	vst v1;
	v1 =	vmul.f32 v0, v48  }
0x1af: {  	[tilespmem:s14+$0xFFFFFFC0] =	vst v2;
	v2 =	vmul.f32 v32, v45  }
0x1b0: {  	[tilespmem:s16+$0xFFFFFF80] =	vst v1;
	v1 =	vmul.f32 v0, v50  }
0x1b1: {  	[tilespmem:s14+$0xFFFFFFE0] =	vst v2;
	v2 =	vmul.f32 v0, v47  }
0x1b2: {  	[tilespmem:s16+$0xFFFFFFA0] =	vst v1;
	v1 =	vmul.f32 v0, v51  }
0x1b3: {  	[tilespmem:s16+$0xFFFFFF90] =	vst v2;
	v2 =	vmul.f32 v0, v53  }
0x1b4: {  	[tilespmem:s16+$0xFFFFFFC0] =	vst v1;
	v1 =	vmul.f32 v0, v9  }
0x1b5: {  	v3 =	vmul.f32 v0, v52;
	[tilespmem:s16+$0xFFFFFFB0] =	vst v2;
	v2 =	vnsel vm0, $0x40, v17  }
0x1b6: {  	[tilespmem:v21+s31+$0x0] =	vst.idx.msk $0xffff, v32  }
0x1b7: {  	[tilespmem:s16+$0xFFFFFFD0] =	vst v3;
	v3 =	vmul.f32 v0, v55  }
0x1b8: {  	[tilespmem:s16+$0xFFFFFFE0] =	vst v1;
	v1 =	vpop (erf)  }
0x1b9: {  	[tilespmem:s16+$0xFFFFFFF0] =	vst v3;
	v3 =	vmul.f32 v1, v15  }
0x1ba: {  	s23 =	smul.u32 $0x39, s12;
	[tilespmem:v2+s31+$0x0] =	vst.idx.msk $0xffff, v0;
	v0 =	vmul.f32 v1, v16  }
0x1bb: {  	v2 =	vmul.f32 v1, v14;
	[tilespmem:s25+$0xFFFFFF80] =	vst v3  }
0x1bc: {  	s3 =	sshrl.u32 s23, $0x9;
	[tilespmem:s25+$0xFFFFFF90] =	vst v0;
	v0 =	vmul.f32 v1, v59  }
0x1bd: {  	s3 =	sand.u32 $0x7F, s3;
	[tilespmem:s25+$0xFFFFFFA0] =	vst v2;
	v2 =	vmov s24;
	v3 =	vmul.f32 v1, v26  }
0x1be: {  	s3 =	smul.u32 $0x9, s3;
	[tilespmem:s25+$0xFFFFFFB0] =	vst v0;
	v0 =	vnsel vm15, $0x40, v2;
	v2 =	vmul.f32 v1, v27  }
0x1bf: {  	[tilespmem:s25+$0xFFFFFFC0] =	vst v3;
	v3 =	vmul.f32 v1, v29  }
0x1c0: {  	s3 =	ssub.s32 s12, s3;
	[tilespmem:s25+$0xFFFFFFD0] =	vst v2;
	v2 =	vmul.f32 v1, v8  }
0x1c1: {  	s3 =	sand.u32 $0xFF, s3;
	[tilespmem:s25+$0xFFFFFFE0] =	vst v3  }
0x1c2: {  	s13 =	sshll.u32 s3, $0x6;
	[tilespmem:s25+$0xFFFFFFF0] =	vst v2  }
0x1c3: {  	s3 =	sadd.s32 $0x280, s13;
	s25 =	simm.s32 $0x500;
	[tilespmem:v0+s31+$0x0] =	vst.idx.msk $0xffff, v1  }
0x1c4: {  	[spmem:s26] =	stream.indirect.scatter.add.f32 [tilespmem:s25], [sflag:$0x5], $0x80, s3, s21, $0xb8;
	[tilespmem:$0x1FB00] =	vst v63  }
0x1c5: {  	_ =	swait.ge [sflag:s19], $0x2000  }
0x1c6: {  	v17 =	vld [tilespmem:$0x1FEB0]  }
0x1c7: {  	v18 =	vld [tilespmem:$0x1FEC0]  }
0x1c8: {  	v19 =	vld [tilespmem:$0x1FED0]  }
0x1c9: {  	v20 =	vld [tilespmem:$0x1FEE0]  }
0x1ca: {  	v21 =	vld [tilespmem:$0x1FEF0]  }
0x1cb: {  	v22 =	vld [tilespmem:$0x1FF00]  }
0x1cc: {  	v23 =	vld [tilespmem:$0x1FF80]  }
0x1cd: {  	v24 =	vld [tilespmem:$0x1FF90]  }
0x1ce: {  	v26 =	vld [tilespmem:$0x1FFA0]  }
0x1cf: {  	v27 =	vld [tilespmem:$0x1FF10]  }
0x1d0: {  	v36 =	vmov v28;
	v28 =	vld [tilespmem:$0x1FF20]  }
0x1d1: {  	v29 =	vld [tilespmem:$0x1FF30]  }
0x1d2: {  	v0 =	vmov s17;
	v31 =	vld [tilespmem:$0x1FF50]  }
0x1d3: {  	v33 =	vld [tilespmem:$0x1FF60]  }
0x1d4: {  	v34 =	vld [tilespmem:$0x1FF70]  }
0x1d5: {  	s15 =	smov.u32 s26;
	v25 =	vmov v4;
	v37 =	vmov v58;
	v45 =	vmov v36;
	[sflag:s19] =	ssyncset.done $0x0;
	v42 =	vld [tilespmem:$0x1FFB0]  }
0x1d6: {  	s5 =	simm.s32 $0x0;
	v36 =	vmovc v61;
	v46 =	vmovc v41;
	v32 =	vmov v40;
	v47 =	vmov v63;
	v48 =	vmov v62;
	s3 =	simm.s32 $0x40;
	v30 =	vld [tilespmem:$0x1FF40];
	[sflag:s19] =	ssyncadd.s32 $0xFFFFE000  }
.LBB2_11:
0x1d7: {  	p0 =	sne.s32 s3, $0xC0;
	v1 =	vld.idx.msk [tilespmem:v0+s5+$0x0 ss:$0x1], $0xffff;
	_ =	sdelay $0x1  }
0x1d8: {  	v2 =	vld [tilespmem:s5+$0x8A00]  }
0x1d9: {  	v3 =	vcombine.low v31, v33;
	v4 =	vcombine.low v34, v42  }
0x1da: {  	v5 =	vcombine.low v27, v28;
	v6 =	vcombine.low v29, v30  }
0x1db: {  	v7 =	vcombine.low v19, v20;
	v8 =	vcombine.low v21, v22  }
0x1dc: {  	v10 =	vcombine.low v42, v34;
	v9 =	vperm.xlane v1, v23  }
0x1dd: {  	v12 =	vcombine.low v33, v31;
	v11 =	vperm.xlane v2, v23  }
0x1de: {  	v13 =	vcombine.low v30, v29;
	vm0 =	veq.s32 v9, v1;
	v9 =	vperm.xlane v1, v24  }
0x1df: {  	v15 =	vcombine.low v28, v27;
	v14 =	vperm.xlane v2, v24;
	v11 =	vnsel vm0, $0x0, v11  }
0x1e0: {  	vm0 =	veq.s32 v9, v1;
	v9 =	vperm.xlane v1, v26;
	v11 =	vadd.f32 v11, v2  }
0x1e1: {  	v43 =	vand.u32 $0xF, v15;
	v16 =	vperm.xlane v2, v26;
	v14 =	vnsel vm0, $0x0, v14  }
0x1e2: {  	vm0 =	veq.s32 v9, v1;
	v9 =	vperm.xlane v1, v43;
	v11 =	vadd.f32 v14, v11  }
0x1e3: {  	v15 =	vperm.xlane v2, v43;
	v14 =	vnsel vm0, $0x0, v16;
	v16 =	vand.u32 $0xF, v13  }
0x1e4: {  	vm0 =	veq.s32 v9, v1;
	v9 =	vperm.xlane v1, v16;
	v11 =	vadd.f32 v14, v11  }
0x1e5: {  	v13 =	vnsel vm0, $0x0, v15;
	v14 =	vperm.xlane v2, v16;
	v15 =	vand.u32 $0xF, v12  }
0x1e6: {  	vm0 =	veq.s32 v9, v1;
	v9 =	vperm.xlane v1, v15;
	v11 =	vadd.f32 v13, v11  }
0x1e7: {  	v12 =	vnsel vm0, $0x0, v14;
	v13 =	vperm.xlane v2, v15;
	v14 =	vand.u32 $0xF, v10  }
0x1e8: {  	vm0 =	veq.s32 v9, v1;
	v9 =	vperm.xlane v1, v14;
	v10 =	vadd.f32 v12, v11  }
0x1e9: {  	v11 =	vnsel vm0, $0x0, v13;
	v12 =	vperm.xlane v2, v14;
	v13 =	vcombine.low v17, v18  }
0x1ea: {  	vm0 =	veq.s32 v9, v1;
	v9 =	vperm.xlane v1, v37;
	v10 =	vadd.f32 v11, v10  }
0x1eb: {  	v11 =	vnsel vm0, $0x0, v12;
	v12 =	vperm.xlane v2, v37;
	v13 =	vand.u32 $0xF, v13  }
0x1ec: {  	vm0 =	veq.s32 v9, v1;
	v9 =	vperm.xlane v1, v13;
	v10 =	vadd.f32 v11, v10  }
0x1ed: {  	v44 =	vand.u32 $0xF, v7;
	v11 =	vnsel vm0, $0x0, v12;
	v12 =	vperm.xlane v2, v13  }
0x1ee: {  	vm0 =	veq.s32 v9, v1;
	v9 =	vperm.xlane v1, v44;
	v7 =	vadd.f32 v11, v10  }
0x1ef: {  	v10 =	vnsel vm0, $0x0, v12;
	v11 =	vperm.xlane v2, v44;
	v12 =	vand.u32 $0xF, v8  }
0x1f0: {  	vm0 =	veq.s32 v9, v1;
	v8 =	vperm.xlane v1, v12;
	v7 =	vadd.f32 v10, v7  }
0x1f1: {  	v9 =	vnsel vm0, $0x0, v11;
	v10 =	vperm.xlane v2, v12;
	v11 =	vand.u32 $0xF, v5  }
0x1f2: {  	vm0 =	veq.s32 v8, v1;
	v5 =	vadd.f32 v9, v7;
	v7 =	vperm.xlane v1, v11  }
0x1f3: {  	v8 =	vnsel vm0, $0x0, v10;
	v9 =	vperm.xlane v2, v11;
	v10 =	vand.u32 $0xF, v6  }
0x1f4: {  	v6 =	vperm.xlane v1, v10;
	v5 =	vadd.f32 v8, v5;
	vm0 =	veq.s32 v7, v1  }
0x1f5: {  	v8 =	vperm.xlane v2, v10;
	v7 =	vnsel vm0, $0x0, v9;
	v9 =	vand.u32 $0xF, v3  }
0x1f6: {  	vm0 =	veq.s32 v6, v1;
	v3 =	vadd.f32 v7, v5;
	v5 =	vperm.xlane v1, v9  }
0x1f7: {  	v6 =	vnsel vm0, $0x0, v8;
	v7 =	vperm.xlane v2, v9;
	v8 =	vand.u32 $0xF, v4  }
0x1f8: {  	v4 =	vperm.xlane v1, v8;
	v3 =	vadd.f32 v6, v3;
	vm0 =	veq.s32 v5, v1;
	v5 =	vld.idx.msk [tilespmem:v1+s2+$0x0], $0xffff  }
0x1f9: {  	v2 =	vperm.xlane v2, v8;
	v6 =	vnsel vm0, $0x0, v7  }
0x1fa: {  	vm0 =	veq.s32 v4, v1;
	v3 =	vadd.f32 v6, v3  }
0x1fb: {  	v2 =	vnsel vm0, $0x0, v2  }
.Ltmp4:
0x1fc: {  	v2 =	vadd.f32 v2, v3;
	(pc) =	sbr.rel @p0 .LBB2_11-.Ltmp4, $3  }
0x1fd: {  	_ = 	snop  }
0x1fe: {  	v2 =	vadd.f32 v2, v5;
	_ =	sdelay $0x1  }
0x1ff: {  	s5 =	sshra.s32 s3, $0x2;
	s3 =	sadd.s32 $0x40, s3;
	[tilespmem:v1+s2+$0x0] =	vst.idx.msk $0xffff, v2  }
0x200: {  	_ =	sdelay $0x3  }
0x201: {  	v0 =	vld.idx.msk [tilespmem:v0+s5+$0x0 ss:$0x1], $0xffff  }
0x202: {  	v1 =	vld [tilespmem:s5+$0x8A00];
	_ =	sdelay $0x3  }
0x203: {  	v2 =	vperm.xlane v0, v23  }
0x204: {  	v3 =	vperm.xlane v1, v23  }
0x205: {  	vm0 =	veq.s32 v2, v0;
	v2 =	vperm.xlane v0, v24  }
0x206: {  	v4 =	vperm.xlane v1, v24;
	v3 =	vnsel vm0, $0x0, v3  }
0x207: {  	v3 =	vadd.f32 v3, v1;
	vm0 =	veq.s32 v2, v0;
	v2 =	vperm.xlane v0, v26  }
0x208: {  	v5 =	vperm.xlane v1, v26;
	v4 =	vnsel vm0, $0x0, v4  }
0x209: {  	v3 =	vadd.f32 v4, v3;
	vm0 =	veq.s32 v2, v0;
	v2 =	vperm.xlane v0, v43  }
0x20a: {  	v4 =	vnsel vm0, $0x0, v5;
	v5 =	vperm.xlane v1, v43  }
0x20b: {  	v3 =	vadd.f32 v4, v3;
	vm0 =	veq.s32 v2, v0;
	v2 =	vperm.xlane v0, v16  }
0x20c: {  	v4 =	vnsel vm0, $0x0, v5;
	v5 =	vperm.xlane v1, v16  }
0x20d: {  	v3 =	vadd.f32 v4, v3;
	vm0 =	veq.s32 v2, v0;
	v2 =	vperm.xlane v0, v15  }
0x20e: {  	v4 =	vnsel vm0, $0x0, v5;
	v5 =	vperm.xlane v1, v15  }
0x20f: {  	v3 =	vadd.f32 v4, v3;
	vm0 =	veq.s32 v2, v0;
	v2 =	vperm.xlane v0, v14  }
0x210: {  	v4 =	vnsel vm0, $0x0, v5;
	v5 =	vperm.xlane v1, v14  }
0x211: {  	v3 =	vadd.f32 v4, v3;
	vm0 =	veq.s32 v2, v0;
	v2 =	vperm.xlane v0, v37  }
0x212: {  	v4 =	vnsel vm0, $0x0, v5;
	v5 =	vperm.xlane v1, v37  }
0x213: {  	v3 =	vadd.f32 v4, v3;
	vm0 =	veq.s32 v2, v0;
	v2 =	vperm.xlane v0, v13  }
0x214: {  	v4 =	vnsel vm0, $0x0, v5;
	v5 =	vperm.xlane v1, v13  }
0x215: {  	v3 =	vadd.f32 v4, v3;
	vm0 =	veq.s32 v2, v0;
	v2 =	vperm.xlane v0, v44  }
0x216: {  	v4 =	vnsel vm0, $0x0, v5;
	v5 =	vperm.xlane v1, v44  }
0x217: {  	v3 =	vadd.f32 v4, v3;
	vm0 =	veq.s32 v2, v0;
	v2 =	vperm.xlane v0, v12  }
0x218: {  	v4 =	vnsel vm0, $0x0, v5;
	v5 =	vperm.xlane v1, v12  }
0x219: {  	v3 =	vadd.f32 v4, v3;
	vm0 =	veq.s32 v2, v0;
	v2 =	vperm.xlane v0, v11  }
0x21a: {  	p0 =	seq.s32 s12, $0x50;
	v4 =	vnsel vm0, $0x0, v5;
	v5 =	vperm.xlane v1, v11  }
0x21b: {  	s25 =	sadd.s32 @!p0 $0x1, s12;
	v3 =	vadd.f32 v4, v3;
	vm0 =	veq.s32 v2, v0;
	v2 =	vperm.xlane v0, v10  }
0x21c: {  	s3 =	smulhi.u32 @!p0 $0x38E38E39, s25;
	v4 =	vnsel vm0, $0x0, v5;
	v5 =	vperm.xlane v1, v10  }
0x21d: {  	[tilespmem:$0x1FC00] =	vst v43;
	v3 =	vadd.f32 v4, v3;
	vm0 =	veq.s32 v2, v0;
	v2 =	vperm.xlane v0, v9  }
0x21e: {  	[tilespmem:$0x1FC10] =	vst v16;
	s3 =	sshrl.u32 @!p0 s3, $0x1;
	v4 =	vnsel vm0, $0x0, v5;
	v5 =	vperm.xlane v1, v9  }
0x21f: {  	[tilespmem:$0x1FC20] =	vst v15;
	s3 =	smul.u32 @!p0 $0x9, s3;
	v3 =	vadd.f32 v4, v3;
	vm0 =	veq.s32 v2, v0;
	v2 =	vperm.xlane v0, v8  }
0x220: {  	[tilespmem:$0x1FC30] =	vst v14;
	v1 =	vperm.xlane v1, v8;
	v4 =	vld.idx.msk [tilespmem:v0+s2+$0x0], $0xffff;
	v5 =	vnsel vm0, $0x0, v5  }
0x221: {  	[tilespmem:$0x1FC40] =	vst v13;
	s3 =	ssub.s32 @!p0 s25, s3;
	v3 =	vadd.f32 v5, v3;
	vm0 =	veq.s32 v2, v0  }
0x222: {  	[tilespmem:$0x1FC50] =	vst v44;
	p1 =	sne.s32 @!p0 s3, $0x0;
	v1 =	vnsel vm0, $0x0, v1  }
0x223: {  	[tilespmem:$0x1FC60] =	vst v12;
	p1 =	por p1, p0;
	v1 =	vadd.f32 v1, v3  }
0x224: {  	[tilespmem:$0x1FC70] =	vst v11;
	s5 =	sshll.u32 @!p1 s25, $0x6  }
0x225: {  	[tilespmem:$0x1FC80] =	vst v10;
	s5 =	sadd.s32 @!p1 s0, s5;
	v1 =	vadd.f32 v1, v4  }
0x226: {  	[tilespmem:$0x1FC90] =	vst v9;
	s5 =	sshrl.u32 @!p1 s5, $0x3  }
0x227: {  	s16 =	simm.s32 @!p1 $0x0;
	s14 =	sadd.s32 @!p1 s7, s5;
	[tilespmem:v0+s2+$0x0] =	vst.idx.msk $0xffff, v1  }
0x228: {  	[tilespmem:s16], [sflag:$0x5] =	stream.linear.gather @!p1 [hbm4b:s14+s16], $0x240, $0x38;
	[tilespmem:$0x1FB00] =	vst v63  }
0x229: {  	[tilespmem:$0x1FCA0] =	vst v8;
	s14 =	simm.s32 @!p1 $0x5  }
0x22a: {  	_ =	swait.ge @!p1 [sflag:s14], $0x240  }
0x22b: {  	[sflag:s14] =	ssyncset.done @!p1 $0x0  }
0x22c: {  	s17 =	simm.s32 @!p1 $0x280;
	s5 =	sadd.s32 @!p1 s8, s5;
	[sflag:s14] =	ssyncadd.s32 @!p1 $0xFFFFFDC0  }
0x22d: {  	[tilespmem:s17], [sflag:$0x5] =	stream.linear.gather @!p1 [hbm4b:s5+s16], $0x240, $0x38;
	[tilespmem:$0x1FB00] =	vst v63  }
0x22e: {  	_ =	swait.ge @!p1 [sflag:s14], $0x240  }
0x22f: {  	[sflag:s14] =	ssyncset.done @!p1 $0x0  }
0x230: {  	s5 =	simm.s32 @!p0 $0x500;
	[sflag:s14] =	ssyncadd.s32 @!p1 $0xFFFFFDC0  }
0x231: {  	s14 =	sshll.u32 @!p0 s3, $0x6;
	s3 =	simm.s32 @!p0 $0x40;
	s9 =	rddreg [dreg:$0x0]  }
0x232: {  	[tilespmem:s5], [sflag:$0x1] =	stream.indirect.gather @!p0 [hbm4b:s9+s3], $0x80, s14, s3, $0xb8;
	[tilespmem:$0x1FB00] =	vst v63  }
0x233: {  	s16 =	simm.s32 @!p0 $0x2500;
	s5 =	sadd.s32 @!p0 $0x280, s14  }
0x234: {  	[tilespmem:s16], [sflag:$0x2] =	stream.indirect.gather @!p0 [hbm4b:s6+s3], $0x80, s5, s3, $0xb8;
	[tilespmem:$0x1FB00] =	vst v63  }
0x235: {  	_ =	swait.ge [sflag:s1], $0x2000  }
0x236: {  	[sflag:s1] =	ssyncset.done $0x0  }
0x237: {  	[sflag:s1] =	ssyncadd.s32 $0xFFFFE000  }
0x238: {  	_ =	swait.ge [sflag:s20], $0x2000  }
0x239: {  	v63 =	vld [tilespmem:$0x1FE70]  }
0x23a: {  	[sflag:s20] =	ssyncset.done $0x0;
	v49 =	vld [tilespmem:$0x1FE80]  }
0x23b: {  	s16 =	simm.s32 $0x4A80;
	v39 =	vld [tilespmem:$0x1FE90];
	[sflag:s20] =	ssyncadd.s32 $0xFFFFE000  }
0x23c: {  	s22 =	simm.s32 $0x6A80;
	v9 =	vld [tilespmem:s16+$0x0]  }
0x23d: {  	v0 =	vld [tilespmem:s22+$0x0]  }
0x23e: {  	v8 =	vld [tilespmem:s16+$0x10]  }
0x23f: {  	v1 =	vld [tilespmem:s22+$0x10]  }
0x240: {  	v7 =	vld [tilespmem:s16+$0x20]  }
0x241: {  	v2 =	vld [tilespmem:s22+$0x20]  }
0x242: {  	v4 =	vld [tilespmem:s16+$0x30];
	v3 =	vadd.f32 v0, v9  }
0x243: {  	v5 =	vld [tilespmem:s22+$0x30]  }
0x244: {  	v6 =	vld [tilespmem:s16+$0x40];
	v11 =	vadd.f32 v1, v8;
	v10 =	vmul.f32 $2.000000030e-01, v3  }
0x245: {  	v12 =	vld [tilespmem:s22+$0x40];
	vm0 =	vgt.f32 v3, $0.0e+00  }
0x246: {  	v0 =	vld [tilespmem:s16+$0x50];
	v2 =	vadd.f32 v2, v7;
	v1 =	vsel vm0, v3, v10;
	v3 =	vmul.f32 $2.000000030e-01, v11  }
0x247: {  	v10 =	vld [tilespmem:s22+$0x50];
	vm0 =	vgt.f32 v11, $0.0e+00;
	v13 =	vmul.f32 v1, v63  }
0x248: {  	v15 =	vld [tilespmem:s22+$0x60];
	v14 =	vadd.f32 v5, v4;
	v3 =	vsel vm0, v11, v3;
	v11 =	vmul.f32 $2.000000030e-01, v2  }
0x249: {  	v1 =	vld [tilespmem:s16+$0x60];
	vm0 =	vgt.f32 v2, $0.0e+00;
	v13 =	vadd.f32 $0.0e+00, v13;
	v3 =	vmul.f32 v3, v49  }
0x24a: {  	v12 =	vadd.f32 v12, v6;
	v5 =	vld [tilespmem:s16+$0x70];
	v2 =	vsel vm0, v2, v11;
	v11 =	vmul.f32 $2.000000030e-01, v14  }
0x24b: {  	vm0 =	vgt.f32 v14, $0.0e+00;
	v3 =	vadd.f32 v3, v13;
	v2 =	vmul.f32 v2, v39;
	v13 =	vld [tilespmem:s22+$0x70]  }
0x24c: {  	v16 =	vld [tilespmem:s22+$0xFFFFFF80];
	v10 =	vadd.f32 v10, v0;
	v11 =	vsel vm0, v14, v11;
	v14 =	vmul.f32 $2.000000030e-01, v12  }
0x24d: {  	v50 =	vld [tilespmem:s16+$0xFFFFFF80];
	vm0 =	vgt.f32 v12, $0.0e+00;
	v2 =	vadd.f32 v2, v3;
	v3 =	vmul.f32 v11, v45  }
0x24e: {  	v40 =	vld [tilespmem:s16+$0xFFFFFF90];
	v11 =	vadd.f32 v15, v1;
	v12 =	vsel vm0, v12, v14;
	v14 =	vmul.f32 $2.000000030e-01, v10  }
0x24f: {  	v15 =	vld [tilespmem:s22+$0xFFFFFF90];
	vm0 =	vgt.f32 v10, $0.0e+00;
	v2 =	vadd.f32 v3, v2;
	v3 =	vmul.f32 v12, v46  }
0x250: {  	v17 =	vld [tilespmem:s16+$0xFFFFFFA0];
	v12 =	vmul.f32 $2.000000030e-01, v11;
	v10 =	vsel vm0, v10, v14;
	v13 =	vadd.f32 v13, v5  }
0x251: {  	v14 =	vld [tilespmem:s22+$0xFFFFFFA0];
	vm0 =	vgt.f32 v11, $0.0e+00;
	v2 =	vadd.f32 v3, v2;
	v3 =	vmul.f32 v10, v47  }
0x252: {  	v41 =	vld [tilespmem:s16+$0xFFFFFFB0];
	v10 =	vadd.f32 v16, v50;
	v11 =	vsel vm0, v11, v12;
	v12 =	vmul.f32 $2.000000030e-01, v13  }
0x253: {  	v16 =	vld [tilespmem:s22+$0xFFFFFFB0];
	vm0 =	vgt.f32 v13, $0.0e+00;
	v2 =	vadd.f32 v3, v2;
	v3 =	vmul.f32 v11, v48  }
0x254: {  	v52 =	vld [tilespmem:s16+$0xFFFFFFC0];
	v15 =	vadd.f32 v15, v40;
	v11 =	vmul.f32 $2.000000030e-01, v10;
	v12 =	vsel vm0, v13, v12  }
0x255: {  	v13 =	vld [tilespmem:s22+$0xFFFFFFC0];
	vm0 =	vgt.f32 v10, $0.0e+00;
	v2 =	vadd.f32 v3, v2;
	v3 =	vmul.f32 v12, v36  }
0x256: {  	[tilespmem:$0x1FCB0] =	vst v17;
	v10 =	vsel vm0, v10, v11;
	v11 =	vmul.f32 $2.000000030e-01, v15;
	v12 =	vadd.f32 v14, v17  }
0x257: {  	v53 =	vld [tilespmem:s16+$0xFFFFFFD0];
	vm0 =	vgt.f32 v15, $0.0e+00;
	v10 =	vmul.f32 v10, v63;
	v2 =	vadd.f32 v3, v2  }
0x258: {  	v3 =	vld [tilespmem:s22+$0xFFFFFFD0];
	v11 =	vsel vm0, v15, v11;
	v14 =	vmul.f32 $2.000000030e-01, v12;
	v15 =	vadd.f32 v16, v41  }
0x259: {  	v51 =	vld [tilespmem:s16+$0xFFFFFFE0];
	v10 =	vadd.f32 $0.0e+00, v10;
	v11 =	vmul.f32 v11, v49;
	v16 =	vperm.xlane v2, v35  }
0x25a: {  	v17 =	vld [tilespmem:s22+$0xFFFFFFE0];
	vm0 =	vgt.f32 v12, $0.0e+00;
	v18 =	vmul.f32 $2.000000030e-01, v15;
	v13 =	vadd.f32 v13, v52  }
0x25b: {  	v19 =	vld [tilespmem:s16+$0xFFFFFFF0];
	v10 =	vadd.f32 v11, v10;
	v11 =	vsel vm0, v12, v14;
	v2 =	vadd.f32 v2, v16  }
0x25c: {  	v12 =	vld [tilespmem:s22+$0xFFFFFFF0];
	vm0 =	vgt.f32 v15, $0.0e+00;
	v11 =	vmul.f32 v11, v39;
	v14 =	vmul.f32 $2.000000030e-01, v13  }
0x25d: {  	v15 =	vsel vm0, v15, v18;
	v16 =	vadd.f32 v3, v53;
	v3 =	vperm.xlane v2, v32  }
0x25e: {  	vm0 =	vgt.f32 v13, $0.0e+00;
	v10 =	vadd.f32 v11, v10;
	v11 =	vmul.f32 v15, v45  }
0x25f: {  	s17 =	simm.s32 $0x4B80;
	v13 =	vsel vm0, v13, v14;
	v2 =	vadd.f32 v2, v3  }
0x260: {  	s23 =	simm.s32 $0x6B80;
	v57 =	vld [tilespmem:s17+$0x60];
	v14 =	vmul.f32 $2.000000030e-01, v16;
	v10 =	vadd.f32 v11, v10;
	v11 =	vadd.f32 v17, v51  }
0x261: {  	v15 =	vld [tilespmem:s23+$0x60];
	[tilespmem:$0x1FCC0] =	vst v19;
	v13 =	vmul.f32 v13, v46;
	vm0 =	vgt.f32 v16, $0.0e+00;
	v17 =	vadd.f32 v12, v19  }
0x262: {  	v58 =	vld [tilespmem:s17+$0x50];
	v14 =	vsel vm0, v16, v14;
	v18 =	vperm.xlane v2, v25;
	v16 =	vmul.f32 $2.000000030e-01, v11  }
0x263: {  	v20 =	vld [tilespmem:s23+$0x40];
	v10 =	vadd.f32 v13, v10;
	v13 =	vmul.f32 v14, v47;
	vm0 =	vgt.f32 v11, $0.0e+00  }
0x264: {  	v21 =	vld [tilespmem:s17+$0x0];
	v2 =	vadd.f32 v2, v18;
	v11 =	vsel vm0, v11, v16;
	v16 =	vmul.f32 $2.000000030e-01, v17  }
0x265: {  	v23 =	vld [tilespmem:s23+$0x10];
	vm0 =	vgt.f32 v17, $0.0e+00;
	v10 =	vadd.f32 v13, v10  }
0x266: {  	v24 =	vld [tilespmem:s23+$0x20];
	v11 =	vmul.f32 v11, v48;
	v13 =	vsel vm0, v17, v16;
	v16 =	vperm.xlane v2, v37  }
0x267: {  	v19 =	vld [tilespmem:s23+$0x50]  }
0x268: {  	v10 =	vadd.f32 v11, v10;
	v11 =	vmul.f32 v13, v36;
	v2 =	vadd.f32 v2, v16;
	v16 =	vld [tilespmem:s23+$0x0]  }
0x269: {  	v14 =	vld [tilespmem:s17+$0x40]  }
0x26a: {  	v13 =	vld [tilespmem:s17+$0x10];
	v10 =	vadd.f32 v11, v10;
	v11 =	vmul.f32 $1.442695020e+00, v2  }
0x26b: {  	s26 =	simm.s32 $0x1;
	v12 =	vld [tilespmem:s17+$0x20]  }
0x26c: {  	v18 =	vld [tilespmem:s17+$0x30];
	v28 =	vadd.f32 v19, v58;
	v19 =	vmov s26;
	(erf) = vpow2.f32 v11  }
0x26d: {  	v17 =	vld [tilespmem:s23+$0x30];
	vm0 =	veq.s32 v38, $0x0;
	v22 =	vperm.xlane v10, v35;
	v16 =	vadd.f32 v16, v21  }
0x26e: {  	v29 =	vadd.f32 v20, v14;
	v2 =	vnsel vm0, $0x40, v19  }
0x26f: {  	[tilespmem:$0x1FD50] =	vst v2;
	v23 =	vadd.f32 v23, v13;
	v11 =	vadd.f32 v10, v22;
	v22 =	vmul.f32 $2.000000030e-01, v16  }
0x270: {  	v27 =	vadd.f32 v15, v57;
	v24 =	vadd.f32 v24, v12;
	v2 =	vld [tilespmem:s17+$0x70];
	vm1 =	vgt.f32 v16, $0.0e+00  }
0x271: {  	vm3 =	vgt.f32 v29, $0.0e+00;
	v16 =	vsel vm1, v16, v22;
	v22 =	vmul.f32 $2.000000030e-01, v23  }
0x272: {  	s24 =	simm.s32 $0x0;
	v17 =	vadd.f32 v17, v18;
	vm1 =	vgt.f32 v23, $0.0e+00;
	v16 =	vmul.f32 v16, v63  }
0x273: {  	v10 =	vmov s24;
	v19 =	vsel vm1, v23, v22;
	v22 =	vmul.f32 $2.000000030e-01, v24  }
0x274: {  	vm1 =	vgt.f32 v24, $0.0e+00;
	v16 =	vadd.f32 $0.0e+00, v16;
	v26 =	vmul.f32 v19, v49  }
0x275: {  	vm2 =	vgt.f32 v17, $0.0e+00;
	[tilespmem:$0x1FD60] =	vst v2;
	v23 =	vpop (erf);
	v22 =	vsel vm1, v24, v22;
	v24 =	vmul.f32 $2.000000030e-01, v17  }
0x276: {  	v30 =	vld [tilespmem:s23+$0x70];
	v20 =	vmul.f32 v23, v9;
	v9 =	vadd.f32 v26, v16;
	v16 =	vmul.f32 v22, v39  }
0x277: {  	v31 =	vld [tilespmem:s23+$0xFFFFFF80];
	v26 =	vmul.f32 v23, v8;
	v8 =	vsel vm2, v17, v24;
	v17 =	vmul.f32 $2.000000030e-01, v29  }
0x278: {  	v3 =	vld [tilespmem:s17+$0xFFFFFF80];
	v22 =	vmul.f32 v23, v7;
	v7 =	vadd.f32 v16, v9;
	v8 =	vmul.f32 v8, v45  }
0x279: {  	v19 =	vld [tilespmem:s17+$0xFFFFFF90];
	v24 =	vmul.f32 v23, v4;
	v9 =	vmul.f32 $2.000000030e-01, v28;
	v4 =	vsel vm3, v29, v17  }
0x27a: {  	vm1 =	vgt.f32 v28, $0.0e+00;
	v16 =	vld [tilespmem:s23+$0xFFFFFF90];
	v7 =	vadd.f32 v8, v7;
	v4 =	vmul.f32 v4, v46  }
0x27b: {  	v33 =	vld [tilespmem:s17+$0xFFFFFFA0];
	v17 =	vadd.f32 v30, v2;
	v8 =	vsel vm1, v28, v9;
	v9 =	vmul.f32 $2.000000030e-01, v27  }
0x27c: {  	v30 =	vld [tilespmem:s17+$0xFFFFFFB0];
	vm1 =	vgt.f32 v27, $0.0e+00;
	v4 =	vadd.f32 v4, v7;
	v7 =	vmul.f32 v8, v47  }
0x27d: {  	v15 =	vperm.xlane v11, v32;
	v28 =	vld [tilespmem:s23+$0xFFFFFFA0];
	[tilespmem:$0x1FCD0] =	vst v3;
	v8 =	vadd.f32 v31, v3;
	v9 =	vsel vm1, v27, v9  }
0x27e: {  	v29 =	vld [tilespmem:s23+$0xFFFFFFB0];
	v27 =	vmul.f32 $2.000000030e-01, v17;
	v4 =	vadd.f32 v7, v4;
	v7 =	vmul.f32 v9, v48  }
0x27f: {  	vm1 =	vgt.f32 v17, $0.0e+00;
	v16 =	vadd.f32 v16, v19;
	v9 =	vmul.f32 $2.000000030e-01, v8  }
0x280: {  	v54 =	vld [tilespmem:s17+$0xFFFFFFC0];
	[tilespmem:$0x1FCE0] =	vst v19;
	v17 =	vsel vm1, v17, v27;
	vm1 =	vgt.f32 v8, $0.0e+00;
	v4 =	vadd.f32 v7, v4  }
0x281: {  	v27 =	vld [tilespmem:s23+$0xFFFFFFC0];
	v7 =	vmul.f32 v17, v36;
	v8 =	vsel vm1, v8, v9;
	v9 =	vmul.f32 $2.000000030e-01, v16  }
0x282: {  	[tilespmem:$0x1FCF0] =	vst v33;
	v17 =	vadd.f32 v28, v33;
	vm1 =	vgt.f32 v16, $0.0e+00;
	v8 =	vmul.f32 v8, v63  }
0x283: {  	v3 =	vld [tilespmem:s17+$0xFFFFFFD0];
	v28 =	vadd.f32 v29, v30;
	v4 =	vadd.f32 v7, v4;
	v9 =	vsel vm1, v16, v9  }
0x284: {  	v7 =	vld [tilespmem:s23+$0xFFFFFFD0];
	v16 =	vmul.f32 $2.000000030e-01, v17;
	[tilespmem:$0x1FD00] =	vst v30;
	v8 =	vadd.f32 $0.0e+00, v8;
	v9 =	vmul.f32 v9, v49  }
0x285: {  	vm1 =	vgt.f32 v17, $0.0e+00;
	v31 =	vmul.f32 $2.000000030e-01, v28;
	v19 =	vld [tilespmem:s17+$0xFFFFFFE0];
	v29 =	vperm.xlane v4, v35  }
0x286: {  	v30 =	vld [tilespmem:s23+$0xFFFFFFE0];
	v27 =	vadd.f32 v27, v54;
	v8 =	vadd.f32 v9, v8;
	v9 =	vsel vm1, v17, v16  }
0x287: {  	v56 =	vld [tilespmem:s17+$0xFFFFFFF0];
	vm1 =	vgt.f32 v28, $0.0e+00;
	v16 =	vadd.f32 v4, v29;
	v4 =	vmul.f32 v9, v39  }
0x288: {  	v17 =	vld [tilespmem:s23+$0xFFFFFFF0];
	v9 =	vmul.f32 $2.000000030e-01, v27;
	v28 =	vsel vm1, v28, v31;
	vm1 =	vgt.f32 v27, $0.0e+00  }
0x289: {  	v31 =	vadd.f32 v11, v15;
	v7 =	vadd.f32 v7, v3;
	v29 =	vperm.xlane v16, v32  }
0x28a: {  	[tilespmem:$0x1FD10] =	vst v3;
	v28 =	vmul.f32 v28, v45;
	v8 =	vadd.f32 v4, v8;
	v4 =	vmul.f32 v23, v6  }
0x28b: {  	v6 =	vsel vm1, v27, v9;
	[tilespmem:$0x1FD20] =	vst v19;
	v27 =	vadd.f32 v30, v19;
	v9 =	vadd.f32 v16, v29  }
0x28c: {  	s9 =	simm.s32 $0x6C80;
	[tilespmem:$0x1FD30] =	vst v56;
	v6 =	vmul.f32 v6, v46;
	v16 =	vmul.f32 $2.000000030e-01, v7;
	v8 =	vadd.f32 v28, v8  }
0x28d: {  	vm1 =	vgt.f32 v7, $0.0e+00;
	v30 =	vld [tilespmem:s9+$0x0];
	v28 =	vadd.f32 v17, v56;
	v29 =	vperm.xlane v9, v25  }
0x28e: {  	s24 =	simm.s32 $0x4C80;
	v59 =	vld [tilespmem:s9+$0x10];
	v7 =	vsel vm1, v7, v16;
	v16 =	vmul.f32 $2.000000030e-01, v27;
	v6 =	vadd.f32 v6, v8  }
0x28f: {  	v15 =	vld [tilespmem:s24+$0x20];
	vm1 =	vgt.f32 v27, $0.0e+00;
	v7 =	vmul.f32 v7, v47;
	v8 =	vadd.f32 v9, v29  }
0x290: {  	v11 =	vld [tilespmem:s24+$0x30];
	v9 =	vsel vm1, v27, v16;
	v27 =	vmul.f32 $2.000000030e-01, v28  }
0x291: {  	v17 =	vld [tilespmem:s24+$0x0];
	v6 =	vadd.f32 v7, v6;
	v7 =	vmul.f32 v9, v48;
	v9 =	vperm.xlane v8, v37  }
0x292: {  	v2 =	vnsel vm0, $0x40, v10;
	vm1 =	vgt.f32 v28, $0.0e+00;
	v16 =	vld [tilespmem:s24+$0x10]  }
0x293: {  	v27 =	vsel vm1, v28, v27;
	v28 =	vmul.f32 v23, v1;
	v1 =	vadd.f32 v8, v9;
	v8 =	vld [tilespmem:s9+$0x20]  }
0x294: {  	v9 =	vld [tilespmem:s9+$0x30];
	[tilespmem:$0x1FD40] =	vst v2  }
0x295: {  	v29 =	vmul.f32 v23, v0;
	v0 =	vadd.f32 v7, v6;
	v6 =	vmul.f32 v27, v36;
	v10 =	vld [tilespmem:s24+$0x40]  }
0x296: {  	v7 =	vperm.xlane v31, v25;
	v60 =	vld [tilespmem:s9+$0x40]  }
0x297: {  	v27 =	vmul.f32 v23, v5;
	v0 =	vadd.f32 v6, v0;
	v6 =	vadd.f32 v30, v17;
	v5 =	vld [tilespmem:s24+$0x50]  }
0x298: {  	v31 =	vadd.f32 v31, v7;
	v42 =	vld [tilespmem:s9+$0x50];
	v1 =	vmul.f32 $1.442695020e+00, v1  }
0x299: {  	v55 =	vmovc v32;
	v32 =	vadd.f32 v59, v16;
	v7 =	vperm.xlane v0, v35;
	v30 =	vmul.f32 $2.000000030e-01, v6  }
0x29a: {  	v44 =	vld [tilespmem:s9+$0xFFFFFF80];
	vm1 =	vgt.f32 v6, $0.0e+00;
	(erf) = vpow2.f32 v1;
	v1 =	vperm.xlane v31, v37  }
0x29b: {  	v3 =	vld [tilespmem:s24+$0xFFFFFF80];
	v34 =	vadd.f32 v8, v15;
	v6 =	vsel vm1, v6, v30;
	v8 =	vmul.f32 $2.000000030e-01, v32  }
0x29c: {  	v30 =	vadd.f32 v0, v7;
	v0 =	vmul.f32 v6, v63;
	v6 =	vadd.f32 v9, v11  }
0x29d: {  	vm1 =	vgt.f32 v32, $0.0e+00;
	v33 =	vadd.f32 v60, v10;
	v42 =	vadd.f32 v42, v5  }
0x29e: {  	v61 =	vld [tilespmem:s9+$0x60];
	v31 =	vadd.f32 v31, v1;
	v8 =	vsel vm1, v32, v8;
	v9 =	vmul.f32 $2.000000030e-01, v34  }
0x29f: {  	v7 =	vld [tilespmem:s24+$0x60];
	vm1 =	vgt.f32 v34, $0.0e+00;
	v0 =	vadd.f32 $0.0e+00, v0;
	v62 =	vmul.f32 v8, v49  }
0x2a0: {  	v43 =	vld [tilespmem:s9+$0x70];
	v1 =	vadd.f32 v44, v3;
	v38 =	vmul.f32 $2.000000030e-01, v6;
	v9 =	vsel vm1, v34, v9  }
0x2a1: {  	v8 =	vld [tilespmem:s24+$0x70];
	vm1 =	vgt.f32 v6, $0.0e+00;
	v0 =	vadd.f32 v62, v0;
	v9 =	vmul.f32 v9, v39  }
0x2a2: {  	v2 =	vld [tilespmem:s24+$0xFFFFFF90];
	v56 =	vmul.f32 $2.000000030e-01, v33;
	v59 =	vmul.f32 $2.000000030e-01, v42;
	v6 =	vsel vm1, v6, v38  }
0x2a3: {  	v34 =	vld [tilespmem:s9+$0xFFFFFF90];
	vm1 =	vgt.f32 v33, $0.0e+00;
	v6 =	vmul.f32 v6, v45;
	v0 =	vadd.f32 v9, v0  }
0x2a4: {  	v31 =	vmul.f32 $1.442695020e+00, v31;
	v32 =	vadd.f32 v61, v7;
	v9 =	vsel vm1, v33, v56  }
0x2a5: {  	v61 =	vld [tilespmem:s24+$0xFFFFFFA0];
	vm1 =	vgt.f32 v42, $0.0e+00;
	v0 =	vadd.f32 v6, v0;
	v6 =	vmul.f32 v9, v46  }
0x2a6: {  	v38 =	vmul.f32 $2.000000030e-01, v32;
	v33 =	vld [tilespmem:s9+$0xFFFFFFB0];
	v9 =	vsel vm1, v42, v59;
	v42 =	vadd.f32 v43, v8  }
0x2a7: {  	v43 =	vld [tilespmem:s9+$0xFFFFFFA0];
	vm1 =	vgt.f32 v32, $0.0e+00;
	v0 =	vadd.f32 v6, v0;
	v6 =	vmul.f32 v9, v47  }
0x2a8: {  	v34 =	vadd.f32 v34, v2;
	v32 =	vsel vm1, v32, v38;
	v9 =	vld [tilespmem:s24+$0xFFFFFFB0];
	v44 =	vmul.f32 $2.000000030e-01, v42  }
0x2a9: {  	[tilespmem:s16+$0x0] =	vst v20;
	vm1 =	vgt.f32 v42, $0.0e+00;
	v0 =	vadd.f32 v6, v0;
	v6 =	vmul.f32 v32, v48  }
0x2aa: {  	[tilespmem:s16+$0x10] =	vst v26;
	v32 =	vmul.f32 $2.000000030e-01, v1;
	v42 =	vsel vm1, v42, v44;
	vm1 =	vgt.f32 v1, $0.0e+00  }
0x2ab: {  	v62 =	vld [tilespmem:s24+$0xFFFFFFC0];
	v59 =	vmovc v2;
	v2 =	vmovc v48;
	v48 =	vmul.f32 $2.000000030e-01, v34;
	v42 =	vmul.f32 v42, v36;
	v0 =	vadd.f32 v6, v0  }
0x2ac: {  	v19 =	vmovc v47;
	[tilespmem:s16+$0x20] =	vst v22;
	v43 =	vadd.f32 v43, v61;
	v6 =	vld [tilespmem:s9+$0xFFFFFFC0];
	v1 =	vsel vm1, v1, v32;
	vm1 =	vgt.f32 v34, $0.0e+00  }
0x2ad: {  	s26 =	simm.s32 $0x4D80;
	[tilespmem:s16+$0x30] =	vst v24;
	v1 =	vmul.f32 v1, v63;
	v32 =	vadd.f32 v33, v9;
	v42 =	vadd.f32 v42, v0  }
0x2ae: {  	v22 =	vld [tilespmem:s26+$0x40];
	[tilespmem:s16+$0x40] =	vst v4;
	v60 =	vmovc v3;
	v38 =	vmovc v35;
	v0 =	vsel vm1, v34, v48;
	v34 =	vmul.f32 $2.000000030e-01, v43;
	vm1 =	vgt.f32 v43, $0.0e+00  }
0x2af: {  	v3 =	vmovc v45;
	v56 =	vmovc v46;
	v47 =	vld [tilespmem:s9+$0xFFFFFFE0];
	v1 =	vadd.f32 $0.0e+00, v1;
	v44 =	vmul.f32 v0, v49;
	v45 =	vperm.xlane v42, v38  }
0x2b0: {  	[tilespmem:s16+$0x50] =	vst v29;
	v63 =	vld [tilespmem:s24+$0xFFFFFFD0];
	v46 =	vmul.f32 $2.000000030e-01, v32;
	v49 =	vpop (erf);
	v34 =	vsel vm1, v43, v34;
	vm1 =	vgt.f32 v32, $0.0e+00  }
0x2b1: {  	[tilespmem:s16+$0x60] =	vst v28;
	v33 =	vld [tilespmem:s9+$0xFFFFFFD0];
	v4 =	vmul.f32 v49, v12;
	v48 =	vadd.f32 v6, v62;
	v42 =	vadd.f32 v42, v45  }
0x2b2: {  	[tilespmem:s16+$0x70] =	vst v27;
	v0 =	vld [tilespmem:s24+$0xFFFFFFE0];
	v1 =	vadd.f32 v44, v1;
	v34 =	vmul.f32 v34, v39;
	v44 =	vmul.f32 v49, v21  }
0x2b3: {  	v12 =	vld [tilespmem:$0x1FD50];
	v21 =	vsel vm1, v32, v46;
	v32 =	vmul.f32 $2.000000030e-01, v48;
	v39 =	vperm.xlane v42, v55  }
0x2b4: {  	(erf) = vpow2.f32 v31;
	v6 =	vld [tilespmem:s24+$0xFFFFFFF0];
	v46 =	vmul.f32 v21, v3;
	vm1 =	vgt.f32 v48, $0.0e+00  }
0x2b5: {  	s23 =	simm.s32 $0x6D80;
	v45 =	vld [tilespmem:s9+$0xFFFFFFF0];
	v3 =	vmul.f32 v49, v13;
	v13 =	vsel vm1, v48, v32;
	v32 =	vadd.f32 v42, v39  }
0x2b6: {  	s22 =	simm.s32 $0x2;
	v24 =	vld [tilespmem:s23+$0x40];
	v43 =	vperm.xlane v30, v55;
	v33 =	vadd.f32 v33, v63;
	v1 =	vadd.f32 v34, v1  }
0x2b7: {  	v28 =	vmov s22;
	v35 =	vmovc v25;
	v31 =	vld [tilespmem:s23+$0x0];
	v18 =	vmul.f32 v49, v18;
	v25 =	vperm.xlane v32, v25  }
0x2b8: {  	v21 =	vld [tilespmem:s26+$0x60];
	v34 =	vmul.f32 $2.000000030e-01, v33;
	v48 =	vadd.f32 v46, v1;
	v46 =	vadd.f32 v47, v0  }
0x2b9: {  	vm1 =	vgt.f32 v33, $0.0e+00;
	v1 =	vld [tilespmem:s26+$0x50];
	v13 =	vmul.f32 v13, v56;
	v25 =	vadd.f32 v32, v25  }
0x2ba: {  	v14 =	vmul.f32 v49, v14;
	[tilespmem:s17+$0x20] =	vst v4;
	v39 =	vld [tilespmem:s23+$0x60];
	v33 =	vsel vm1, v33, v34;
	v45 =	vadd.f32 v45, v6  }
0x2bb: {  	[tilespmem:s17+$0x0] =	vst v44;
	v56 =	vmul.f32 $2.000000030e-01, v46;
	v13 =	vadd.f32 v13, v48;
	v48 =	vld [tilespmem:s23+$0x50];
	v29 =	vperm.xlane v25, v37  }
0x2bc: {  	v30 =	vadd.f32 v30, v43;
	v26 =	vmul.f32 v33, v19;
	vm1 =	vgt.f32 v46, $0.0e+00;
	[tilespmem:v12+s31+$0x0] =	vst.idx.msk $0xffff, v23;
	v23 =	vld [tilespmem:s26+$0x0]  }
0x2bd: {  	v44 =	vld [tilespmem:s23+$0xFFFFFF80];
	[tilespmem:s17+$0x10] =	vst v3;
	v42 =	vsel vm1, v46, v56;
	v46 =	vmul.f32 $2.000000030e-01, v45;
	v20 =	vadd.f32 v25, v29  }
0x2be: {  	vm1 =	vgt.f32 v45, $0.0e+00;
	v3 =	vld [tilespmem:$0x1FD60];
	v13 =	vadd.f32 v26, v13;
	v26 =	vmul.f32 v42, v2  }
0x2bf: {  	v33 =	vld [tilespmem:s23+$0x30];
	v56 =	vperm.xlane v30, v35;
	v47 =	vsel vm1, v45, v46;
	v20 =	vmul.f32 $1.442695020e+00, v20  }
0x2c0: {  	v2 =	vld [tilespmem:s26+$0x30];
	v45 =	vadd.f32 v39, v21;
	v26 =	vadd.f32 v26, v13;
	v32 =	vmul.f32 v47, v36  }
0x2c1: {  	v13 =	vld [tilespmem:s26+$0x20];
	v42 =	vadd.f32 v31, v23;
	v31 =	vadd.f32 v48, v1;
	(erf) = vpow2.f32 v20  }
0x2c2: {  	s5 =	simm.s32 $0x3;
	v4 =	vmul.f32 v49, v57;
	v36 =	vld [tilespmem:s23+$0x20];
	v26 =	vadd.f32 v32, v26;
	v29 =	vadd.f32 v30, v56  }
0x2c3: {  	s22 =	simm.s32 $0x5;
	v25 =	vmov s5;
	v30 =	vmul.f32 v49, v58;
	v57 =	vmul.f32 v49, v3;
	v58 =	vld [tilespmem:s23+$0x10]  }
0x2c4: {  	[tilespmem:s17+$0x30] =	vst v18;
	v3 =	vnsel vm0, $0x40, v28;
	v28 =	vmov s22;
	v27 =	vnsel vm0, $0x40, v25;
	v25 =	vld [tilespmem:s26+$0x10]  }
0x2c5: {  	v19 =	vld [tilespmem:s26+$0xFFFFFF90];
	[tilespmem:s17+$0x40] =	vst v14;
	v32 =	vadd.f32 v24, v22;
	v33 =	vadd.f32 v33, v2;
	v12 =	vperm.xlane v26, v38  }
0x2c6: {  	v18 =	vld [tilespmem:s26+$0xFFFFFF80];
	[tilespmem:s17+$0x60] =	vst v4;
	v28 =	vnsel vm0, $0x40, v28;
	vm3 =	vgt.f32 v42, $0.0e+00;
	v56 =	vperm.xlane v29, v37  }
0x2c7: {  	v46 =	vld [tilespmem:s23+$0xFFFFFF90];
	[tilespmem:s17+$0x50] =	vst v30;
	v30 =	vmul.f32 $2.000000030e-01, v42;
	vm1 =	vgt.f32 v32, $0.0e+00;
	v12 =	vadd.f32 v26, v12  }
0x2c8: {  	s9 =	simm.s32 $0x4;
	v48 =	vld [tilespmem:s23+$0xFFFFFFA0];
	[tilespmem:s17+$0x70] =	vst v57;
	v34 =	vadd.f32 v36, v13;
	vm2 =	vgt.f32 v33, $0.0e+00;
	v26 =	vadd.f32 v29, v56  }
0x2c9: {  	s3 =	simm.s32 $0x8;
	v24 =	vld [tilespmem:s26+$0xFFFFFFA0];
	s5 =	simm.s32 $0x6;
	s22 =	simm.s32 $0x4D80;
	v20 =	vmov s9;
	v14 =	vperm.xlane v12, v55;
	v43 =	vadd.f32 v58, v25;
	[tilespmem:v27+s31+$0x0] =	vst.idx.msk $0xffff, v49;
	v27 =	vpop (erf)  }
.LBB2_13:
0x2ca: {  	v49 =	vpop (erf)  }
0x2cb: {  	v38 =	vld [tilespmem:$0x1FE70];
	v4 =	vsel vm3, v42, v30;
	v42 =	vmov v51;
	v51 =	vmul.f32 v49, v16  }
0x2cc: {  	v37 =	vmov v0;
	v0 =	vld [tilespmem:$0x1FCC0];
	v56 =	vmul.f32 v49, v17  }
0x2cd: {  	v39 =	vld [tilespmem:$0x1FE80]  }
0x2ce: {  	v57 =	vld [tilespmem:$0x1FD30];
	v58 =	vmul.f32 $2.000000030e-01, v33;
	v47 =	vmul.f32 $2.000000030e-01, v43;
	[tilespmem:s24+$0x0] =	vst v56  }
0x2cf: {  	v15 =	vmul.f32 v49, v15;
	v16 =	vmovc v6;
	[tilespmem:s24+$0x10] =	vst v51;
	v51 =	vmovc v41;
	v41 =	vmov v40;
	v40 =	vmov v50;
	v50 =	vld [tilespmem:$0x1FE90]  }
0x2d0: {  	vm4 =	vgt.f32 v43, $0.0e+00;
	[tilespmem:$0x1FD30] =	vst v16;
	v16 =	vld [tilespmem:s23+$0x70];
	v4 =	vmul.f32 v4, v38  }
0x2d1: {  	v36 =	vmul.f32 $2.000000030e-01, v34;
	v47 =	vsel vm4, v43, v47;
	[tilespmem:s24+$0x20] =	vst v15;
	v15 =	vsel vm2, v33, v58;
	v58 =	vld [tilespmem:$0x1FEA0]  }
0x2d2: {  	vm3 =	vgt.f32 v34, $0.0e+00;
	v43 =	vmovc v0;
	v0 =	vadd.f32 $0.0e+00, v4;
	v4 =	vmul.f32 v47, v39  }
0x2d3: {  	v11 =	vmul.f32 v49, v11;
	v34 =	vsel vm3, v34, v36;
	v17 =	vmov v57;
	v57 =	vld [tilespmem:$0x1FE30]  }
0x2d4: {  	[tilespmem:$0x1FCC0] =	vst v17;
	v17 =	vld [tilespmem:s26+$0x70];
	v0 =	vadd.f32 v4, v0;
	v6 =	vmul.f32 v34, v50  }
0x2d5: {  	v56 =	vld [tilespmem:$0x1FE40];
	[tilespmem:s24+$0x30] =	vst v11;
	v11 =	vmul.f32 v49, v5;
	v47 =	vmul.f32 $2.000000030e-01, v32  }
0x2d6: {  	v36 =	vmul.f32 v49, v7;
	v15 =	vmul.f32 v15, v58;
	v6 =	vadd.f32 v6, v0  }
0x2d7: {  	v33 =	vmul.f32 $2.000000030e-01, v31;
	[tilespmem:s24+$0x50] =	vst v11;
	v11 =	vmul.f32 v49, v8;
	v32 =	vsel vm1, v32, v47  }
0x2d8: {  	v7 =	vmovc v21;
	vm1 =	vgt.f32 v31, $0.0e+00;
	v21 =	vmul.f32 v32, v57;
	v47 =	vadd.f32 v15, v6  }
0x2d9: {  	v8 =	vmov v17;
	v17 =	vsel vm1, v31, v33  }
0x2da: {  	v17 =	vmul.f32 v17, v56;
	v21 =	vadd.f32 v21, v47;
	_ =	sdelay $0x1  }
0x2db: {  	[tilespmem:s24+$0x70] =	vst v11;
	v11 =	vmov v2;
	v2 =	vadd.f32 v17, v21;
	v17 =	vld [tilespmem:$0x1FD40];
	_ =	sdelay $0x1  }
0x2dc: {  	v10 =	vmul.f32 v49, v10;
	v33 =	vld [tilespmem:$0x1FE50]  }
0x2dd: {  	v30 =	vld [tilespmem:$0x1FD20]  }
0x2de: {  	[tilespmem:s24+$0x40] =	vst v10;
	v31 =	vmul.f32 $2.000000030e-01, v45;
	v16 =	vadd.f32 v16, v8;
	v21 =	vadd.f32 v46, v19;
	v46 =	vld [tilespmem:$0x1FE60]  }
0x2df: {  	[tilespmem:s24+$0x60] =	vst v36;
	vm1 =	vgt.f32 v45, $0.0e+00;
	v47 =	vmov v17;
	v17 =	vmov v23;
	v23 =	vld [tilespmem:$0x1FCB0]  }
0x2e0: {  	v29 =	vld [tilespmem:s26+$0xFFFFFFB0];
	[tilespmem:v28+s31+$0x0] =	vst.idx.msk $0xffff, v49;
	v31 =	vsel vm1, v45, v31;
	v49 =	vmul.f32 $2.000000030e-01, v16  }
0x2e1: {  	v35 =	vld [tilespmem:s23+$0xFFFFFFB0];
	v28 =	vadd.f32 v44, v18;
	v15 =	vmovc v13;
	vm1 =	vgt.f32 v16, $0.0e+00;
	v13 =	vmul.f32 v31, v33  }
0x2e2: {  	v55 =	vmov v54;
	v54 =	vmov v53;
	[tilespmem:$0x1FD20] =	vst v37;
	v37 =	vld [tilespmem:s23+$0xFFFFFFC0];
	v31 =	vsel vm1, v16, v49  }
0x2e3: {  	v53 =	vmovc v52;
	v45 =	vmovc v3;
	v3 =	vmul.f32 $2.000000030e-01, v28;
	v2 =	vadd.f32 v13, v2;
	v13 =	vmul.f32 v31, v46;
	v31 =	vld [tilespmem:$0x1FCF0]  }
0x2e4: {  	v52 =	vmovc v30;
	v30 =	vld [tilespmem:s26+$0xFFFFFFC0];
	v16 =	vmovc v25;
	vm1 =	vgt.f32 v28, $0.0e+00;
	v25 =	vmov v23;
	v23 =	vmul.f32 $2.000000030e-01, v21  }
0x2e5: {  	v3 =	vsel vm1, v28, v3;
	v49 =	vmovc v27;
	v27 =	vadd.f32 v48, v24;
	vm1 =	vgt.f32 v21, $0.0e+00  }
0x2e6: {  	v3 =	vmul.f32 v3, v38;
	v2 =	vadd.f32 v13, v2;
	v13 =	vsel vm1, v21, v23  }
0x2e7: {  	v13 =	vmul.f32 v13, v39;
	v39 =	vld [tilespmem:$0x1FFF0]  }
0x2e8: {  	v5 =	vmovc v1;
	v1 =	vld [tilespmem:s23+$0xFFFFFFD0];
	v3 =	vadd.f32 $0.0e+00, v3;
	v31 =	vmovc v31;
	v21 =	vmul.f32 $2.000000030e-01, v27;
	v23 =	vadd.f32 v35, v29  }
0x2e9: {  	v10 =	vmovc v22;
	v22 =	vld [tilespmem:s23+$0xFFFFFFF0];
	v28 =	vmov v61;
	[tilespmem:$0x1FCB0] =	vst v31;
	v31 =	vadd.f32 v37, v30;
	vm1 =	vgt.f32 v27, $0.0e+00  }
0x2ea: {  	v4 =	vld [tilespmem:s26+$0xFFFFFFD0];
	[tilespmem:$0x1FCF0] =	vst v28;
	v28 =	vmul.f32 $2.000000030e-01, v23;
	v3 =	vadd.f32 v13, v3;
	v13 =	vsel vm1, v27, v21  }
0x2eb: {  	v38 =	vld [tilespmem:$0x1FFC0];
	vm1 =	vgt.f32 v23, $0.0e+00;
	v13 =	vmul.f32 v13, v50  }
0x2ec: {  	v34 =	vld [tilespmem:s23+$0xFFFFFFE0];
	v61 =	vmovc v24;
	v21 =	vmul.f32 $2.000000030e-01, v31;
	v23 =	vsel vm1, v23, v28;
	v24 =	vperm.xlane v2, v39  }
0x2ed: {  	v0 =	vld [tilespmem:s26+$0xFFFFFFE0];
	vm1 =	vgt.f32 v31, $0.0e+00;
	v3 =	vadd.f32 v13, v3;
	v13 =	vmul.f32 v23, v58  }
0x2ee: {  	v6 =	vld [tilespmem:s26+$0xFFFFFFF0];
	v23 =	vsel vm1, v31, v21;
	v2 =	vadd.f32 v2, v24  }
0x2ef: {  	v3 =	vadd.f32 v13, v3;
	v13 =	vmul.f32 v23, v57;
	v57 =	vld [tilespmem:$0x1FFD0]  }
0x2f0: {  	v24 =	vadd.f32 v1, v4;
	v1 =	vperm.xlane v2, v38;
	_ =	sdelay $0x1  }
0x2f1: {  	v2 =	vadd.f32 v2, v1  }
0x2f2: {  	s23 =	sadd.s32 $0x100, s23;
	v37 =	vld [tilespmem:$0x1FFE0];
	v31 =	vadd.f32 v22, v6  }
0x2f3: {  	v36 =	vld [tilespmem:s23+$0x10];
	v23 =	vadd.f32 v34, v0;
	v27 =	vmul.f32 $2.000000030e-01, v24;
	v22 =	vperm.xlane v2, v57  }
0x2f4: {  	v35 =	vld [tilespmem:s23+$0x20];
	vm1 =	vgt.f32 v24, $0.0e+00;
	v3 =	vadd.f32 v13, v3  }
0x2f5: {  	s26 =	sadd.s32 $0x100, s26;
	v28 =	vld [tilespmem:s23+$0x60];
	v13 =	vsel vm1, v24, v27;
	v24 =	vmul.f32 $2.000000030e-01, v23;
	v58 =	vadd.f32 v2, v22  }
0x2f6: {  	v21 =	vld [tilespmem:s26+$0x60];
	vm1 =	vgt.f32 v23, $0.0e+00;
	v13 =	vmul.f32 v13, v56  }
0x2f7: {  	v34 =	vld [tilespmem:s23+$0x30];
	v2 =	vsel vm1, v23, v24;
	v23 =	vmul.f32 $2.000000030e-01, v31;
	v44 =	vperm.xlane v58, v37  }
0x2f8: {  	v12 =	vadd.f32 v12, v14;
	v1 =	vld [tilespmem:s26+$0x50];
	v3 =	vadd.f32 v13, v3;
	vm1 =	vgt.f32 v31, $0.0e+00  }
0x2f9: {  	v27 =	vld [tilespmem:s23+$0x50];
	v13 =	vmul.f32 v2, v33;
	v23 =	vsel vm1, v31, v23;
	v31 =	vadd.f32 v58, v44  }
0x2fa: {  	v14 =	vmul.f32 $1.442695020e+00, v26;
	[tilespmem:$0x1FD40] =	vst v45;
	v45 =	vperm.xlane v12, v57;
	v22 =	vld [tilespmem:s26+$0x40]  }
0x2fb: {  	v24 =	vld [tilespmem:s23+$0x40];
	v26 =	vadd.f32 v13, v3;
	v3 =	vnsel vm0, $0x40, v20;
	v20 =	vmul.f32 $1.442695020e+00, v31  }
0x2fc: {  	(erf) = vpow2.f32 v14;
	v2 =	vld [tilespmem:s26+$0x30];
	v23 =	vmul.f32 v23, v46  }
0x2fd: {  	v31 =	vadd.f32 v12, v45;
	v12 =	vmul.f32 v49, v41;
	(erf) = vpow2.f32 v20;
	v20 =	vld [tilespmem:$0x1FCE0]  }
0x2fe: {  	v46 =	vmul.f32 v49, v25;
	v14 =	vadd.f32 v23, v26;
	v23 =	vld [tilespmem:$0x1FCD0]  }
0x2ff: {  	v26 =	vmul.f32 v49, v40;
	[tilespmem:s16+$0xFFFFFF90] =	vst v12;
	v12 =	vld [tilespmem:$0x1FD00]  }
0x300: {  	v53 =	vmul.f32 v49, v53;
	v33 =	vld [tilespmem:s23+$0x0];
	[tilespmem:s16+$0xFFFFFFA0] =	vst v46  }
0x301: {  	v13 =	vld [tilespmem:s26+$0x20];
	[tilespmem:s16+$0xFFFFFF80] =	vst v26  }
0x302: {  	v56 =	vmul.f32 v49, v54;
	v44 =	vld [tilespmem:s23+$0xFFFFFF80];
	[tilespmem:s16+$0xFFFFFFC0] =	vst v53;
	v40 =	vmov v20;
	v20 =	vmov v59  }
0x303: {  	s9 =	sadd.s32 $0x1, s5;
	v25 =	vld [tilespmem:s26+$0x10];
	v50 =	vmovc v23;
	v23 =	vmov v60;
	v60 =	vmov v18;
	[tilespmem:$0x1FCE0] =	vst v20;
	v20 =	vmul.f32 v49, v51  }
0x304: {  	v18 =	vperm.xlane v14, v39;
	[tilespmem:$0x1FCD0] =	vst v23;
	v23 =	vld [tilespmem:s26+$0x0];
	v41 =	vmovc v12;
	v12 =	vmovc v9;
	v9 =	vmov v29;
	v29 =	vmov s9  }
0x305: {  	v45 =	vadd.f32 v28, v21;
	v59 =	vmovc v19;
	v19 =	vperm.xlane v31, v37;
	v28 =	vnsel vm0, $0x40, v29;
	v29 =	vld [tilespmem:$0x1FD10];
	[tilespmem:s16+$0xFFFFFFB0] =	vst v20  }
0x306: {  	p2 =	slt.u32 s3, $0x3E;
	v57 =	vmul.f32 v49, v42;
	v32 =	vadd.f32 v24, v22;
	[tilespmem:$0x1FD00] =	vst v12;
	v12 =	vadd.f32 v14, v18;
	v18 =	vld [tilespmem:s26+$0xFFFFFF80]  }
.Ltmp5:
0x307: {  	v54 =	vmov v62;
	v58 =	vmul.f32 v49, v43;
	[tilespmem:s16+$0xFFFFFFD0] =	vst v56;
	v26 =	vadd.f32 v31, v19;
	v19 =	vld [tilespmem:s26+$0xFFFFFF90];
	(pc) =	sbr.rel @p2 .LBB2_13-.Ltmp5, $4  }
0x308: {  	v62 =	vmovc v30;
	vm1 =	vgt.f32 v32, $0.0e+00;
	v43 =	vadd.f32 v36, v25;
	v31 =	vadd.f32 v27, v1;
	v46 =	vld [tilespmem:s23+$0xFFFFFF90];
	[tilespmem:s16+$0xFFFFFFE0] =	vst v57  }
0x309: {  	v27 =	vpop (erf);
	v14 =	vperm.xlane v12, v38;
	v42 =	vadd.f32 v33, v23;
	v33 =	vadd.f32 v34, v2;
	v24 =	vld [tilespmem:s26+$0xFFFFFFA0];
	[tilespmem:s16+$0xFFFFFFF0] =	vst v58  }
0x30a: {  	v51 =	vmovc v52;
	v20 =	vmov s5;
	s5 =	smov.u32 s3;
	v34 =	vadd.f32 v35, v13;
	s3 =	sadd.s32 $0x2, s3;
	s16 =	smov.u32 s17;
	v48 =	vld [tilespmem:s23+$0xFFFFFFA0];
	[tilespmem:v47+s31+$0x0] =	vst.idx.msk $0xffff, v49;
	v53 =	vmovc v29;
	v29 =	vmov v63  }
0x30b: {  	v52 =	vmovc v55;
	s17 =	smov.u32 s24;
	s24 =	smov.u32 s22;
	s22 =	smov.u32 s26;
	v30 =	vmul.f32 $2.000000030e-01, v42;
	vm3 =	vgt.f32 v42, $0.0e+00;
	vm2 =	vgt.f32 v33, $0.0e+00;
	v63 =	vmovc v4;
	[tilespmem:$0x1FD10] =	vst v29  }
0x30c: {  	v47 =	vld [tilespmem:$0x1FE70];
	_ =	sdelay $0x1  }
0x30d: {  	v38 =	vld [tilespmem:$0x1FE80];
	_ =	sdelay $0x1  }
0x30e: {  	v29 =	vmul.f32 $2.000000030e-01, v43;
	v39 =	vld [tilespmem:$0x1FE90];
	v4 =	vsel vm3, v42, v30  }
0x30f: {  	vm14 =	vgt.f32 v43, $0.0e+00;
	v4 =	vmul.f32 v4, v47  }
0x310: {  	v58 =	vld [tilespmem:$0x1FEA0];
	v30 =	vmul.f32 $2.000000030e-01, v34;
	v29 =	vsel vm14, v43, v29  }
0x311: {  	vm15 =	vgt.f32 v34, $0.0e+00;
	v57 =	vld [tilespmem:$0x1FE30];
	v29 =	vmul.f32 v29, v38;
	v4 =	vadd.f32 $0.0e+00, v4  }
0x312: {  	v49 =	vmul.f32 $2.000000030e-01, v33;
	v42 =	vld [tilespmem:s26+$0x70];
	v30 =	vsel vm15, v34, v30  }
0x313: {  	v4 =	vadd.f32 v29, v4;
	v29 =	vmul.f32 v30, v39;
	v30 =	vld [tilespmem:s23+$0x70]  }
0x314: {  	v55 =	vmul.f32 $2.000000030e-01, v32;
	v56 =	vld [tilespmem:$0x1FE40];
	v33 =	vsel vm2, v33, v49  }
0x315: {  	v4 =	vadd.f32 v29, v4;
	v29 =	vmul.f32 v33, v58  }
0x316: {  	v36 =	vmul.f32 $2.000000030e-01, v31;
	v32 =	vsel vm1, v32, v55;
	v55 =	vld [tilespmem:$0x1FE50]  }
0x317: {  	vm4 =	vgt.f32 v31, $0.0e+00;
	v4 =	vadd.f32 v29, v4;
	v29 =	vmul.f32 v32, v57  }
0x318: {  	v37 =	vmul.f32 $2.000000030e-01, v45;
	v31 =	vsel vm4, v31, v36;
	v49 =	vld [tilespmem:$0x1FE60];
	v30 =	vadd.f32 v30, v42  }
0x319: {  	vm5 =	vgt.f32 v45, $0.0e+00;
	v4 =	vadd.f32 v29, v4;
	v29 =	vmul.f32 v31, v56  }
0x31a: {  	v31 =	vsel vm5, v45, v37;
	v43 =	vmul.f32 $2.000000030e-01, v30  }
0x31b: {  	vm6 =	vgt.f32 v30, $0.0e+00;
	v4 =	vadd.f32 v29, v4;
	v29 =	vmul.f32 v31, v55  }
0x31c: {  	v30 =	vsel vm6, v30, v43  }
0x31d: {  	v4 =	vadd.f32 v29, v4;
	v29 =	vmul.f32 v30, v49;
	_ =	sdelay $0x1  }
0x31e: {  	v30 =	vadd.f32 v29, v4;
	v4 =	vld [tilespmem:$0x1FFF0]  }
0x31f: {  	v43 =	vld [tilespmem:s26+$0xFFFFFFB0]  }
0x320: {  	v35 =	vadd.f32 v46, v19;
	v36 =	vadd.f32 v48, v24;
	_ =	sdelay $0x1  }
0x321: {  	v46 =	vld [tilespmem:$0x1FFC0];
	v34 =	vmul.f32 $2.000000030e-01, v35;
	v48 =	vmul.f32 $2.000000030e-01, v36;
	v31 =	vadd.f32 v44, v18  }
0x322: {  	vm8 =	vgt.f32 v35, $0.0e+00;
	vm9 =	vgt.f32 v36, $0.0e+00;
	v44 =	vperm.xlane v30, v4  }
0x323: {  	v34 =	vsel vm8, v35, v34;
	v35 =	vsel vm9, v36, v48;
	v48 =	vld [tilespmem:$0x1FFD0];
	v45 =	vmul.f32 $2.000000030e-01, v31;
	[tilespmem:$0x1FBF0] =	vst v43  }
0x324: {  	vm7 =	vgt.f32 v31, $0.0e+00;
	v32 =	vld [tilespmem:s23+$0xFFFFFFB0];
	v30 =	vadd.f32 v30, v44  }
0x325: {  	v31 =	vsel vm7, v31, v45;
	v29 =	vld [tilespmem:s26+$0xFFFFFFC0]  }
0x326: {  	v31 =	vmul.f32 v31, v47;
	v33 =	vld [tilespmem:s23+$0xFFFFFFC0];
	v37 =	vperm.xlane v30, v46;
	_ =	sdelay $0x1  }
0x327: {  	v34 =	vmul.f32 v34, v38;
	v31 =	vadd.f32 $0.0e+00, v31;
	v37 =	vadd.f32 v30, v37  }
0x328: {  	v32 =	vadd.f32 v32, v43  }
0x329: {  	v31 =	vadd.f32 v34, v31;
	v34 =	vmul.f32 v35, v39;
	v36 =	vperm.xlane v37, v48  }
0x32a: {  	v45 =	vld [tilespmem:$0x1FFE0];
	v33 =	vadd.f32 v33, v29;
	v43 =	vmul.f32 $2.000000030e-01, v32  }
0x32b: {  	v31 =	vadd.f32 v34, v31;
	v34 =	vld [tilespmem:s23+$0xFFFFFFE0];
	vm10 =	vgt.f32 v32, $0.0e+00;
	v36 =	vadd.f32 v37, v36;
	v37 =	vpop (erf)  }
0x32c: {  	v44 =	vmul.f32 $2.000000030e-01, v33;
	v32 =	vsel vm10, v32, v43;
	v43 =	vld [tilespmem:s26+$0xFFFFFFE0];
	v17 =	vmul.f32 v37, v17  }
0x32d: {  	v35 =	vld [tilespmem:s23+$0xFFFFFFD0];
	vm11 =	vgt.f32 v33, $0.0e+00;
	v32 =	vmul.f32 v32, v58;
	v16 =	vmul.f32 v37, v16  }
0x32e: {  	v30 =	vld [tilespmem:s26+$0xFFFFFFD0];
	v33 =	vsel vm11, v33, v44;
	v11 =	vmul.f32 v37, v11;
	[tilespmem:s24+$0x0] =	vst v17  }
0x32f: {  	v33 =	vmul.f32 v33, v57;
	v31 =	vadd.f32 v32, v31;
	v17 =	vmul.f32 v37, v15;
	[tilespmem:s24+$0x10] =	vst v16  }
0x330: {  	v10 =	vmul.f32 v37, v10;
	v5 =	vmul.f32 v37, v5;
	[tilespmem:s24+$0x30] =	vst v11  }
0x331: {  	v58 =	vperm.xlane v36, v45;
	v15 =	vld [tilespmem:s26+$0xFFFFFFF0];
	[tilespmem:s24+$0x20] =	vst v17;
	v17 =	vadd.f32 v33, v31;
	v31 =	vadd.f32 v34, v43  }
0x332: {  	v7 =	vmul.f32 v37, v7;
	v8 =	vmul.f32 v37, v8;
	v16 =	vld [tilespmem:s23+$0xFFFFFFF0];
	[tilespmem:s24+$0x40] =	vst v10  }
0x333: {  	[tilespmem:s24+$0x50] =	vst v5;
	v44 =	vadd.f32 v36, v58;
	v58 =	vadd.f32 v35, v30;
	v10 =	vmul.f32 $2.000000030e-01, v31  }
0x334: {  	[tilespmem:s24+$0x60] =	vst v7;
	vm13 =	vgt.f32 v31, $0.0e+00  }
0x335: {  	[tilespmem:s24+$0x70] =	vst v8;
	v11 =	vmul.f32 $2.000000030e-01, v58;
	v8 =	vsel vm13, v31, v10;
	v10 =	vmul.f32 v27, v50  }
0x336: {  	vm12 =	vgt.f32 v58, $0.0e+00;
	[tilespmem:v28+s31+$0x0] =	vst.idx.msk $0xffff, v37  }
0x337: {  	v5 =	vsel vm12, v58, v11;
	v7 =	vadd.f32 v16, v15;
	[tilespmem:s16+$0xFFFFFF80] =	vst v10  }
0x338: {  	v5 =	vmul.f32 v5, v56;
	v10 =	vld [tilespmem:$0x1FCB0]  }
0x339: {  	v16 =	vmul.f32 v27, v40;
	v11 =	vmul.f32 $2.000000030e-01, v7  }
0x33a: {  	vm14 =	vgt.f32 v7, $0.0e+00;
	v8 =	vmul.f32 v8, v55;
	v5 =	vadd.f32 v5, v17  }
0x33b: {  	v7 =	vsel vm14, v7, v11;
	v11 =	vmul.f32 v27, v41  }
0x33c: {  	[tilespmem:s16+$0xFFFFFF90] =	vst v16;
	v5 =	vadd.f32 v8, v5;
	v8 =	vmul.f32 v27, v52  }
0x33d: {  	[tilespmem:s16+$0xFFFFFFB0] =	vst v11;
	v10 =	vmul.f32 v27, v10  }
0x33e: {  	[tilespmem:s16+$0xFFFFFFC0] =	vst v8  }
0x33f: {  	[tilespmem:s16+$0xFFFFFFA0] =	vst v10  }
0x340: {  	v10 =	vadd.f32 v12, v14;
	v12 =	vld [tilespmem:$0x1FCC0];
	_ =	sdelay $0x1  }
0x341: {  	v26 =	vmul.f32 $1.442695020e+00, v26;
	v7 =	vmul.f32 v7, v49  }
0x342: {  	v32 =	vmul.f32 $1.442695020e+00, v44;
	v11 =	vmul.f32 v27, v53  }
0x343: {  	(erf) = vpow2.f32 v26;
	v5 =	vadd.f32 v7, v5;
	v7 =	vmul.f32 v27, v51  }
0x344: {  	(erf) = vpow2.f32 v32;
	[tilespmem:s16+$0xFFFFFFD0] =	vst v11;
	v12 =	vmul.f32 v27, v12  }
0x345: {  	[tilespmem:s16+$0xFFFFFFE0] =	vst v7  }
0x346: {  	[tilespmem:s16+$0xFFFFFFF0] =	vst v12  }
0x347: {  	v12 =	vld [tilespmem:$0x1FD40];
	_ =	sdelay $0x4  }
0x348: {  	v11 =	vpop (erf);
	v8 =	vperm.xlane v10, v48  }
0x349: {  	v14 =	vperm.xlane v5, v4;
	v7 =	vpop (erf)  }
0x34a: {  	v8 =	vadd.f32 v10, v8;
	v10 =	vmul.f32 v7, v23  }
0x34b: {  	v5 =	vadd.f32 v5, v14;
	[tilespmem:v12+s31+$0x0] =	vst.idx.msk $0xffff, v27;
	v12 =	vmul.f32 v7, v25  }
0x34c: {  	v31 =	vlaneseq.u32;
	v13 =	vmul.f32 v7, v13;
	[tilespmem:s22+$0x0] =	vst v10;
	v10 =	vperm.xlane v8, v45  }
0x34d: {  	s3 =	sadd.s32 $0x1, s5;
	vm15 =	veq.s32 v31, $0x0;
	v2 =	vmul.f32 v7, v2;
	[tilespmem:s22+$0x10] =	vst v12;
	v12 =	vperm.xlane v5, v46  }
0x34e: {  	v1 =	vmul.f32 v7, v1;
	[tilespmem:s22+$0x20] =	vst v13;
	v8 =	vadd.f32 v8, v10;
	v10 =	vmov s3  }
0x34f: {  	v13 =	vmul.f32 v7, v22;
	[tilespmem:s22+$0x30] =	vst v2;
	v2 =	vadd.f32 v5, v12;
	v5 =	vnsel vm15, $0x40, v10  }
0x350: {  	[tilespmem:s22+$0x50] =	vst v1;
	v1 =	vmul.f32 v7, v42  }
0x351: {  	[tilespmem:s22+$0x40] =	vst v13;
	v10 =	vmul.f32 v7, v21  }
0x352: {  	[tilespmem:s22+$0x70] =	vst v1;
	v12 =	vperm.xlane v2, v48  }
0x353: {  	[tilespmem:s22+$0x60] =	vst v10  }
0x354: {  	v1 =	vadd.f32 v2, v12;
	v2 =	vld [tilespmem:$0x1FCD0];
	[tilespmem:v5+s31+$0x0] =	vst.idx.msk $0xffff, v7  }
0x355: {  	v5 =	vld [tilespmem:$0x1FCE0];
	_ =	sdelay $0x3  }
0x356: {  	v2 =	vmul.f32 v11, v2  }
0x357: {  	v5 =	vmul.f32 v11, v5  }
0x358: {  	v7 =	vld [tilespmem:$0x1FCF0];
	[tilespmem:s17+$0xFFFFFF80] =	vst v2  }
0x359: {  	[tilespmem:s17+$0xFFFFFF90] =	vst v5  }
0x35a: {  	v5 =	vld [tilespmem:$0x1FD00];
	_ =	sdelay $0x3  }
0x35b: {  	v7 =	vmul.f32 v11, v7  }
0x35c: {  	v5 =	vmul.f32 v11, v5  }
0x35d: {  	[tilespmem:s17+$0xFFFFFFA0] =	vst v7  }
0x35e: {  	[tilespmem:s17+$0xFFFFFFB0] =	vst v5  }
0x35f: {  	v5 =	vld [tilespmem:$0x1FD10];
	_ =	sdelay $0x1  }
0x360: {  	v2 =	vperm.xlane v1, v45  }
0x361: {  	v8 =	vmul.f32 $1.442695020e+00, v8  }
0x362: {  	v1 =	vadd.f32 v1, v2;
	v2 =	vmul.f32 v11, v54  }
0x363: {  	(erf) = vpow2.f32 v8;
	v5 =	vmul.f32 v11, v5  }
0x364: {  	[tilespmem:s17+$0xFFFFFFC0] =	vst v2  }
0x365: {  	v2 =	vld [tilespmem:$0x1FD20];
	[tilespmem:s17+$0xFFFFFFD0] =	vst v5  }
0x366: {  	v5 =	vld [tilespmem:$0x1FD30];
	_ =	sdelay $0x1  }
0x367: {  	v1 =	vmul.f32 $1.442695020e+00, v1;
	_ =	sdelay $0x1  }
0x368: {  	v2 =	vmul.f32 v11, v2  }
0x369: {  	v5 =	vmul.f32 v11, v5  }
0x36a: {  	(erf) = vpow2.f32 v1;
	v1 =	vpop (erf);
	[tilespmem:s17+$0xFFFFFFE0] =	vst v2  }
0x36b: {  	v2 =	vmul.f32 v1, v60;
	[tilespmem:s17+$0xFFFFFFF0] =	vst v5  }
0x36c: {  	[tilespmem:v3+s31+$0x0] =	vst.idx.msk $0xffff, v11;
	v3 =	vmul.f32 v1, v59  }
0x36d: {  	[tilespmem:s24+$0xFFFFFF80] =	vst v2;
	v2 =	vmul.f32 v1, v61  }
0x36e: {  	[tilespmem:s24+$0xFFFFFF90] =	vst v3;
	v3 =	vmul.f32 v1, v9  }
0x36f: {  	v0 =	vmul.f32 v1, v0;
	[tilespmem:s24+$0xFFFFFFA0] =	vst v2;
	v2 =	vmul.f32 v1, v62  }
0x370: {  	[tilespmem:s24+$0xFFFFFFB0] =	vst v3;
	v3 =	vnsel vm0, $0x40, v20  }
0x371: {  	[tilespmem:s24+$0xFFFFFFC0] =	vst v2;
	v2 =	vmul.f32 v1, v6  }
0x372: {  	[tilespmem:s24+$0xFFFFFFE0] =	vst v0;
	v5 =	vmul.f32 v1, v63  }
0x373: {  	v0 =	vpop (erf);
	[tilespmem:s24+$0xFFFFFFF0] =	vst v2  }
0x374: {  	v2 =	vmul.f32 v0, v18;
	[tilespmem:s24+$0xFFFFFFD0] =	vst v5  }
0x375: {  	[tilespmem:v3+s31+$0x0] =	vst.idx.msk $0xffff, v1;
	v1 =	vmul.f32 v0, v19  }
0x376: {  	[tilespmem:s22+$0xFFFFFF80] =	vst v2  }
0x377: {  	[tilespmem:s22+$0xFFFFFF90] =	vst v1  }
0x378: {  	v1 =	vld [tilespmem:$0x1FBF0];
	_ =	sdelay $0x3  }
0x379: {  	v2 =	vmul.f32 v0, v24  }
0x37a: {  	v1 =	vmul.f32 v0, v1  }
0x37b: {  	v3 =	vmul.f32 v0, v29;
	[tilespmem:s22+$0xFFFFFFA0] =	vst v2;
	v2 =	vmov s5  }
0x37c: {  	[tilespmem:s22+$0xFFFFFFB0] =	vst v1;
	v1 =	vnsel vm15, $0x40, v2;
	v2 =	vmul.f32 v0, v30  }
0x37d: {  	[tilespmem:s22+$0xFFFFFFC0] =	vst v3;
	v3 =	vmul.f32 v0, v43  }
0x37e: {  	[tilespmem:s22+$0xFFFFFFD0] =	vst v2;
	v2 =	vmul.f32 v0, v15  }
0x37f: {  	[tilespmem:s22+$0xFFFFFFE0] =	vst v3  }
0x380: {  	[tilespmem:s22+$0xFFFFFFF0] =	vst v2  }
0x381: {  	s23 =	sadd.s32 $0x4780, s13;
	s24 =	simm.s32 $0x4A00;
	[tilespmem:v1+s31+$0x0] =	vst.idx.msk $0xffff, v0  }
0x382: {  	[spmem:s15] =	stream.indirect.scatter.add.f32 [tilespmem:s24], [sflag:$0x5], $0x80, s23, s21, $0xb8;
	[tilespmem:$0x1FB00] =	vst v63  }
0x383: {  	_ =	swait.ge [sflag:s19], $0x2000  }
0x384: {  	v7 =	vld [tilespmem:$0x1FF80]  }
0x385: {  	v8 =	vld [tilespmem:$0x1FF90]  }
0x386: {  	v9 =	vld [tilespmem:$0x1FFA0]  }
0x387: {  	v10 =	vld [tilespmem:$0x1FC00]  }
0x388: {  	v11 =	vld [tilespmem:$0x1FC10]  }
0x389: {  	v12 =	vld [tilespmem:$0x1FC20]  }
0x38a: {  	v13 =	vld [tilespmem:$0x1FC30]  }
0x38b: {  	v14 =	vld [tilespmem:$0x1FC40]  }
0x38c: {  	v15 =	vld [tilespmem:$0x1FC50]  }
0x38d: {  	v0 =	vmov s11;
	v16 =	vld [tilespmem:$0x1FC60]  }
0x38e: {  	v17 =	vld [tilespmem:$0x1FC70]  }
0x38f: {  	v18 =	vld [tilespmem:$0x1FC80]  }
0x390: {  	s26 =	smov.u32 s15;
	v35 =	vmov v4;
	v34 =	vmov v45;
	[sflag:s19] =	ssyncset.done $0x0;
	v21 =	vld [tilespmem:$0x1FC90]  }
0x391: {  	v37 =	vmovc v46;
	v50 =	vmovc v47;
	v47 =	vmov v38;
	s3 =	simm.s32 $0x40;
	v20 =	vmov v48;
	v48 =	vmov v39;
	s5 =	simm.s32 $0x0;
	v22 =	vld [tilespmem:$0x1FCA0];
	[sflag:s19] =	ssyncadd.s32 $0xFFFFE000  }
.LBB2_15:
0x392: {  	p2 =	sne.s32 s3, $0xC0;
	v1 =	vld.idx.msk [tilespmem:v0+s5+$0x0 ss:$0x1], $0xffff;
	_ =	sdelay $0x1  }
0x393: {  	v2 =	vld [tilespmem:s5+$0x8A00];
	_ =	sdelay $0x3  }
0x394: {  	v3 =	vperm.xlane v1, v7  }
0x395: {  	v4 =	vperm.xlane v2, v7  }
0x396: {  	vm0 =	veq.s32 v3, v1;
	v3 =	vperm.xlane v1, v8  }
0x397: {  	v5 =	vperm.xlane v2, v8;
	v4 =	vnsel vm0, $0x0, v4  }
0x398: {  	vm0 =	veq.s32 v3, v1;
	v3 =	vperm.xlane v1, v9;
	v4 =	vadd.f32 v4, v2  }
0x399: {  	v6 =	vperm.xlane v2, v9;
	v5 =	vnsel vm0, $0x0, v5  }
0x39a: {  	vm0 =	veq.s32 v3, v1;
	v3 =	vperm.xlane v1, v10;
	v4 =	vadd.f32 v5, v4  }
0x39b: {  	v5 =	vnsel vm0, $0x0, v6;
	v6 =	vperm.xlane v2, v10  }
0x39c: {  	vm0 =	veq.s32 v3, v1;
	v3 =	vperm.xlane v1, v11;
	v4 =	vadd.f32 v5, v4  }
0x39d: {  	v5 =	vnsel vm0, $0x0, v6;
	v6 =	vperm.xlane v2, v11  }
0x39e: {  	vm0 =	veq.s32 v3, v1;
	v3 =	vperm.xlane v1, v12;
	v4 =	vadd.f32 v5, v4  }
0x39f: {  	v5 =	vnsel vm0, $0x0, v6;
	v6 =	vperm.xlane v2, v12  }
0x3a0: {  	vm0 =	veq.s32 v3, v1;
	v3 =	vperm.xlane v1, v13;
	v4 =	vadd.f32 v5, v4  }
0x3a1: {  	v5 =	vnsel vm0, $0x0, v6;
	v6 =	vperm.xlane v2, v13  }
0x3a2: {  	vm0 =	veq.s32 v3, v1;
	v3 =	vperm.xlane v1, v34;
	v4 =	vadd.f32 v5, v4  }
0x3a3: {  	v5 =	vnsel vm0, $0x0, v6;
	v6 =	vperm.xlane v2, v34  }
0x3a4: {  	vm0 =	veq.s32 v3, v1;
	v3 =	vperm.xlane v1, v14;
	v4 =	vadd.f32 v5, v4  }
0x3a5: {  	v5 =	vnsel vm0, $0x0, v6;
	v6 =	vperm.xlane v2, v14  }
0x3a6: {  	vm0 =	veq.s32 v3, v1;
	v3 =	vperm.xlane v1, v15;
	v4 =	vadd.f32 v5, v4  }
0x3a7: {  	v5 =	vnsel vm0, $0x0, v6;
	v6 =	vperm.xlane v2, v15  }
0x3a8: {  	vm0 =	veq.s32 v3, v1;
	v3 =	vperm.xlane v1, v16;
	v4 =	vadd.f32 v5, v4  }
0x3a9: {  	v5 =	vnsel vm0, $0x0, v6;
	v6 =	vperm.xlane v2, v16  }
0x3aa: {  	vm0 =	veq.s32 v3, v1;
	v3 =	vperm.xlane v1, v17;
	v4 =	vadd.f32 v5, v4  }
0x3ab: {  	v5 =	vnsel vm0, $0x0, v6;
	v6 =	vperm.xlane v2, v17  }
0x3ac: {  	vm0 =	veq.s32 v3, v1;
	v3 =	vperm.xlane v1, v18;
	v4 =	vadd.f32 v5, v4  }
0x3ad: {  	v5 =	vnsel vm0, $0x0, v6;
	v6 =	vperm.xlane v2, v18  }
0x3ae: {  	vm0 =	veq.s32 v3, v1;
	v3 =	vperm.xlane v1, v21;
	v4 =	vadd.f32 v5, v4  }
0x3af: {  	v5 =	vnsel vm0, $0x0, v6;
	v6 =	vperm.xlane v2, v21  }
0x3b0: {  	vm0 =	veq.s32 v3, v1;
	v3 =	vperm.xlane v1, v22;
	v4 =	vadd.f32 v5, v4;
	v5 =	vld.idx.msk [tilespmem:v1+s2+$0x0], $0xffff  }
0x3b1: {  	v2 =	vperm.xlane v2, v22;
	v6 =	vnsel vm0, $0x0, v6  }
0x3b2: {  	vm0 =	veq.s32 v3, v1;
	v4 =	vadd.f32 v6, v4  }
0x3b3: {  	v2 =	vnsel vm0, $0x0, v2  }
.Ltmp6:
0x3b4: {  	v2 =	vadd.f32 v2, v4;
	(pc) =	sbr.rel @p2 .LBB2_15-.Ltmp6, $3  }
0x3b5: {  	_ = 	snop  }
0x3b6: {  	v2 =	vadd.f32 v2, v5;
	_ =	sdelay $0x1  }
0x3b7: {  	s5 =	sshra.s32 s3, $0x2;
	s3 =	sadd.s32 $0x40, s3;
	[tilespmem:v1+s2+$0x0] =	vst.idx.msk $0xffff, v2  }
0x3b8: {  	_ =	sdelay $0x3  }
0x3b9: {  	v0 =	vld.idx.msk [tilespmem:v0+s5+$0x0 ss:$0x1], $0xffff  }
0x3ba: {  	v1 =	vld [tilespmem:s5+$0x8A00];
	_ =	sdelay $0x3  }
0x3bb: {  	v2 =	vperm.xlane v0, v7  }
0x3bc: {  	v3 =	vperm.xlane v1, v7  }
0x3bd: {  	v60 =	vperm.xlane v0, v8;
	vm0 =	veq.s32 v2, v0  }
0x3be: {  	v4 =	vperm.xlane v1, v8;
	v3 =	vnsel vm0, $0x0, v3  }
0x3bf: {  	v61 =	vperm.xlane v0, v9;
	vm14 =	veq.s32 v60, v0;
	v3 =	vadd.f32 v3, v1  }
0x3c0: {  	v5 =	vperm.xlane v1, v9;
	v4 =	vnsel vm14, $0x0, v4  }
0x3c1: {  	v62 =	vperm.xlane v0, v10;
	vm15 =	veq.s32 v61, v0;
	v3 =	vadd.f32 v4, v3  }
0x3c2: {  	v8 =	vperm.xlane v1, v10;
	v63 =	vnsel vm15, $0x0, v5  }
0x3c3: {  	v9 =	vperm.xlane v0, v11;
	vm4 =	veq.s32 v62, v0;
	v3 =	vadd.f32 v63, v3  }
0x3c4: {  	v24 =	vperm.xlane v1, v11;
	v10 =	vnsel vm4, $0x0, v8  }
0x3c5: {  	v25 =	vperm.xlane v0, v12;
	vm5 =	veq.s32 v9, v0;
	v3 =	vadd.f32 v10, v3  }
0x3c6: {  	v27 =	vperm.xlane v1, v12;
	v26 =	vnsel vm5, $0x0, v24  }
0x3c7: {  	v32 =	vperm.xlane v0, v13;
	vm6 =	veq.s32 v25, v0;
	v3 =	vadd.f32 v26, v3  }
0x3c8: {  	v36 =	vperm.xlane v1, v13;
	v33 =	vnsel vm6, $0x0, v27  }
0x3c9: {  	v38 =	vperm.xlane v0, v34;
	vm7 =	veq.s32 v32, v0;
	v3 =	vadd.f32 v33, v3  }
0x3ca: {  	v40 =	vperm.xlane v1, v34;
	v39 =	vnsel vm7, $0x0, v36  }
0x3cb: {  	v41 =	vperm.xlane v0, v14;
	vm8 =	veq.s32 v38, v0;
	v3 =	vadd.f32 v39, v3  }
0x3cc: {  	v43 =	vperm.xlane v1, v14;
	v42 =	vnsel vm8, $0x0, v40  }
0x3cd: {  	v44 =	vperm.xlane v0, v15;
	vm9 =	veq.s32 v41, v0;
	v3 =	vadd.f32 v42, v3  }
0x3ce: {  	v46 =	vperm.xlane v1, v15;
	v45 =	vnsel vm9, $0x0, v43  }
0x3cf: {  	v49 =	vperm.xlane v0, v16;
	vm10 =	veq.s32 v44, v0;
	v3 =	vadd.f32 v45, v3  }
0x3d0: {  	v52 =	vperm.xlane v1, v16;
	v51 =	vnsel vm10, $0x0, v46  }
0x3d1: {  	v53 =	vperm.xlane v0, v17;
	vm11 =	veq.s32 v49, v0;
	v3 =	vadd.f32 v51, v3  }
0x3d2: {  	v55 =	vperm.xlane v1, v17;
	v54 =	vnsel vm11, $0x0, v52  }
0x3d3: {  	v56 =	vperm.xlane v0, v18;
	vm12 =	veq.s32 v53, v0;
	v3 =	vadd.f32 v54, v3  }
0x3d4: {  	v58 =	vperm.xlane v1, v18;
	v57 =	vnsel vm12, $0x0, v55  }
0x3d5: {  	v59 =	vperm.xlane v0, v21;
	vm13 =	veq.s32 v56, v0;
	v3 =	vadd.f32 v57, v3  }
0x3d6: {  	v61 =	vperm.xlane v1, v21;
	v60 =	vnsel vm13, $0x0, v58  }
0x3d7: {  	v62 =	vperm.xlane v0, v22;
	vm14 =	veq.s32 v59, v0;
	v3 =	vadd.f32 v60, v3  }
0x3d8: {  	v5 =	vnsel vm14, $0x0, v61;
	v1 =	vperm.xlane v1, v22;
	v63 =	vld.idx.msk [tilespmem:v0+s2+$0x0], $0xffff  }
0x3d9: {  	vm15 =	veq.s32 v62, v0;
	v3 =	vadd.f32 v5, v3  }
0x3da: {  	v1 =	vnsel vm15, $0x0, v1  }
0x3db: {  	v1 =	vadd.f32 v1, v3  }
0x3dc: {  	s3 =	sshll.u32 @!p1 s12, $0x6;
	s5 =	rddreg [dreg:$0xa]  }
0x3dd: {  	s3 =	sadd.s32 @!p1 s3, s5;
	v1 =	vadd.f32 v1, v63  }
0x3de: {  	s3 =	sshrl.u32 @!p1 s3, $0x3  }
0x3df: {  	s9 =	simm.s32 @!p1 $0x0;
	s11 =	simm.s32 @!p1 $0x4500;
	s5 =	sadd.s32 @!p1 s7, s3;
	[tilespmem:v0+s2+$0x0] =	vst.idx.msk $0xffff, v1  }
0x3e0: {  	[tilespmem:s11], [sflag:$0x5] =	stream.linear.gather @!p1 [hbm4b:s5+s9], $0x240, $0x38;
	[tilespmem:$0x1FB00] =	vst v63  }
0x3e1: {  	s5 =	simm.s32 @!p1 $0x5  }
0x3e2: {  	_ =	swait.ge @!p1 [sflag:s5], $0x240  }
0x3e3: {  	[sflag:s5] =	ssyncset.done @!p1 $0x0  }
0x3e4: {  	s3 =	sadd.s32 @!p1 s8, s3;
	s11 =	simm.s32 @!p1 $0x4780;
	[sflag:s5] =	ssyncadd.s32 @!p1 $0xFFFFFDC0  }
0x3e5: {  	[tilespmem:s11], [sflag:$0x5] =	stream.linear.gather @!p1 [hbm4b:s3+s9], $0x240, $0x38;
	[tilespmem:$0x1FB00] =	vst v63  }
0x3e6: {  	_ =	swait.ge @!p1 [sflag:s5], $0x240  }
0x3e7: {  	[sflag:s5] =	ssyncset.done @!p1 $0x0  }
0x3e8: {  	[sflag:s5] =	ssyncadd.s32 @!p1 $0xFFFFFDC0;
	p1 =	sne.s32 @!p0 s25, $0x51  }
0x3e9: {  	s28 =	sadd.s32 @!p0 $0x40, s28;
	p1 =	por p0, !p1  }
.Ltmp7:
0x3ea: {  	s4 =	sadd.s32 @!p0 $0x40, s4;
	s3 =	sadd.s32 @!p0 $0x4500, s14;
	(pc) =	sbr.rel @!p1 .LBB2_8-.Ltmp7, $4  }
0x3eb: {  	s9 =	simm.s32 @!p0 $0x4A00;
	s5 =	simm.s32 @!p0 $0x40;
	s11 =	rddreg [dreg:$0x0]  }
0x3ec: {  	[tilespmem:s9], [sflag:$0x3] =	stream.indirect.gather @!p0 [hbm4b:s11+s5], $0x80, s3, s5, $0xb8;
	[tilespmem:$0x1FB00] =	vst v63  }
0x3ed: {  	s12 =	smov.u32 s25;
	s3 =	sadd.s32 @!p0 $0x4780, s14;
	s9 =	simm.s32 @!p0 $0x6A00  }
0x3ee: {  	v62 =	vld [tilespmem:$0x1FEA0];
	[tilespmem:s9], [sflag:$0x4] =	stream.indirect.gather @!p0 [hbm4b:s6+s5], $0x80, s3, s5, $0xb8  }
0x3ef: {  	s3 =	rddreg [dreg:$0xb];
	s4 =	simm.s32 $0x80;
	s5 =	simm.s32 $0x400  }
0x3f0: {  	[hbm4b:s3+s4] =	stream.strided.scatter [tilespmem:s2], [sflag:$0x5], $0x2800, s5, s4, $0x38;
	[tilespmem:$0x1FB00] =	vst v63  }
0x3f1: {  	_ =	swait.ge [sflag:s19], $0x2800  }
0x3f2: {  	[sflag:s19] =	ssyncset.done $0x0  }
0x3f3: {  	s23 =	stileid.u32;
	[sflag:s19] =	ssyncadd.s32 $0xFFFFD800  }
0x3f4: {  	s3 =	sshll.u32 s23, $0x6;
	[bflag:$0x0] =	sbarrier.arrive $0xFFFF  }
0x3f5: {  	s24 =	sshrl.u32 s10, $0x3;
	s3 =	sor.u32 $0x1C05, s3;
	s25 =	rddreg [dreg:$0xd]  }
0x3f6: {  	[hbm:s25], [sflag:s3] =	dma.local [spmem:s24], $0x2800  }
0x3f7: {  	_ =	swait.ge [sflag:s19], $0x2800  }
0x3f8: {  	s12 =	rddreg [dreg:$0x5]  }
0x3f9: {  	s28 =	rddreg [dreg:$0xc];
	s12 =	sadd.s32 $0x1, s12  }
0x3fa: {  	p0 =	sne.s32 s12, s28  }
.Ltmp8:
0x3fb: {  	_ = 	snop;
	(pc) =	sbr.rel @p0 .LBB2_1-.Ltmp8, $3  }
0x3fc: {  	_ =	sdelay $0x1  }
0x3fd: {  	[sflag:s19] =	ssyncset.done $0x0  }
0x3fe: {  	v6 =	vimm.f32 $0.0e+00;
	[sflag:s19] =	ssyncadd.s32 $0xFFFFD800  }
0x3ff: {  	_ =	sfence.sel $0x180000  }
0x400: {  	[bflag:$0x0] =	sbarrier.arrive $0xFFFF  }
0x401: {  	_ =	strace $0x90000047  }
0x402: {  	s0 =	stileid.u32;
	[bflag:$0x2] =	sbarrier.arrive $0xFFFF  }
0x403: {  	p0 =	sne.s32 s0, $0x0;
	s0 =	rddreg [dreg:$0x4]  }
0x404: {  	s0 =	sadd.s32 @!p0 $0x100000, s0  }
0x405: {  	[sflag:s0] =	ssyncadd.tile.s32 @!p0 $0x1;
	_ =	shalt  }
.Lfunc_end2:
_tile_overlayer_lowered:
.L_overlay_start_2:
0x406: {  	(tag) =	ssettag $0x2  }
0x407: {  	s0 =	rddreg [dreg:$0x0];
	s2 =	stileid.u32  }
0x408: {  	s1 =	rddreg [dreg:$0x1];
	p0 =	sne.s32 s2, $0x0  }
0x409: {  	s3 =	rddreg [dreg:$0x2];
	[bflag:$0x3] =	sbarrier.arrive $0xFFFF;
	s2 =	simm.s32 @!p0 $0x1C05  }
0x40a: {  	[timem:s3], [sflag:s2] =	dma.local @!p0 [hbm:s0], s1  }
0x40b: {  	s0 =	simm.s32 @!p0 $0x5  }
0x40c: {  	_ =	swait.ge @!p0 [sflag:s0], s1  }
0x40d: {  	s1 =	ssub.s32 @!p0 $0x0, s1;
	[sflag:s0] =	ssyncset.done @!p0 $0x0  }
0x40e: {  	[sflag:s0] =	ssyncadd.s32 @!p0 s1  }
0x40f: {  	[bflag:$0x3] =	sbarrier.arrive $0xFFFF  }
0x410: {  	_ =	shalt  }

</sc_bundles>
